<compile_context>
chip_gen: v7x
topology: tpu7x:2x2x1
jax: 0.10.2.dev20260603
libtpu: 0.0.44.dev20260713+nightly
codegen_flags: <defaults>
</compile_context>

<pallas_src>
import functools

import jax
import jax.numpy as jnp
from jax import lax
from jax.experimental import pallas as pl
from jax.experimental.pallas import tpu as pltpu
from jax.experimental.pallas import tpu_sc as plsc

N = 10000
E = 320000
H = 128
V = 128
G = 64
OUT = 1

NC = 2
NS = 16
NW = NC * NS
EPP = E // NW
CHUNK = 80
NCH = EPP // CHUNK
CSZ = N * V
STRIPE = CSZ // NS
ZB = 2048
ZCP = 2000
GRP = 25


def _sc_hist_body(edge_hbm, feats_hbm, out_hbm,
                  src_v, dst_v, feats_v, idx_v, ones_v, zbuf, cs, sem, sem2):
    c = lax.axis_index("c")
    s = lax.axis_index("s")
    wid = c * NS + s

    cp_src = pltpu.async_copy(edge_hbm.at[pl.ds(wid * EPP, EPP)], src_v, sem2)
    cp_dst = pltpu.async_copy(edge_hbm.at[pl.ds(E + wid * EPP, EPP)], dst_v, sem2)
    cp_f = pltpu.async_copy(feats_hbm, feats_v, sem2)

    def z16(i, carry):
        zbuf[pl.ds(i * 16, 16)] = jnp.zeros((16,), jnp.float32)
        return carry
    lax.fori_loop(0, ZB // 16, z16, 0)
    for u in range(CHUNK // 16):
        ones_v[pl.ds(u * 16, 16)] = jnp.full((16,), 1.0, jnp.float32)

    off = s * STRIPE
    for q in range(STRIPE // ZCP):
        pltpu.sync_copy(zbuf.at[pl.ds(0, ZCP)], cs.at[pl.ds(off + q * ZCP, ZCP)])

    cp_src.wait()
    cp_dst.wait()
    cp_f.wait()

    def idx_row(j, carry):
        for k in range(CHUNK // 16):
            base = pl.ds(j * CHUNK + k * 16, 16)
            fv = plsc.load_gather(feats_v, [src_v[base]])
            idx_v[j, pl.ds(k * 16, 16)] = dst_v[base] * V + fv
        return carry
    lax.fori_loop(0, NCH, idx_row, 0)

    plsc.subcore_barrier()

    def scat_grp(g, carry):
        cps = []
        for u in range(GRP):
            j = g * GRP + u
            cps.append(pltpu.async_copy(
                ones_v, cs.at[idx_v.at[j]], sem, add=True))
        for cp in cps:
            cp.wait()
        return carry
    lax.fori_loop(0, NCH // GRP, scat_grp, 0)

    plsc.subcore_barrier()

    pltpu.sync_copy(cs.at[pl.ds(off, STRIPE)], out_hbm.at[c, pl.ds(off, STRIPE)])


@functools.cache
def _get_sc_hist():
    return pl.kernel(
        _sc_hist_body,
        out_type=jax.ShapeDtypeStruct((NC, CSZ), jnp.float32),
        mesh=plsc.VectorSubcoreMesh(core_axis_name="c", subcore_axis_name="s"),
        compiler_params=pltpu.CompilerParams(needs_layout_passes=False),
        scratch_types=[
            pltpu.VMEM((EPP,), jnp.int32),
            pltpu.VMEM((EPP,), jnp.int32),
            pltpu.VMEM((N,), jnp.int32),
            pltpu.VMEM((NCH, CHUNK), jnp.int32),
            pltpu.VMEM((CHUNK,), jnp.float32),
            pltpu.VMEM((ZB,), jnp.float32),
            pltpu.VMEM_SHARED((CSZ,), jnp.float32),
            pltpu.SemaphoreType.DMA,
            pltpu.SemaphoreType.DMA,
        ],
    )


def _tc_body(c_ref, f_ref, g_ref, emb_ref, wm_ref, bm_ref, wr_ref,
             out_ref, pooled):
    i = pl.program_id(0)
    bn = f_ref.shape[2]
    feats_b = f_ref[0, 0, :]
    oh = (feats_b[:, None]
          == lax.broadcasted_iota(jnp.int32, (bn, V), 1)).astype(jnp.float32)
    cb = c_ref[0] + c_ref[1] + oh
    a = jnp.dot(emb_ref[...], wm_ref[...], preferred_element_type=jnp.float32,
                precision=lax.Precision.HIGHEST)
    ah = a.astype(jnp.bfloat16).astype(jnp.float32)
    al = a - ah
    y = jnp.maximum(
        jnp.dot(cb, ah, preferred_element_type=jnp.float32)
        + jnp.dot(cb, al, preferred_element_type=jnp.float32)
        + bm_ref[...], 0.0)
    gid_b = g_ref[0, 0, :]
    gm = (gid_b[None, :]
          == lax.broadcasted_iota(jnp.int32, (G, bn), 0)).astype(jnp.float32)
    yh = y.astype(jnp.bfloat16).astype(jnp.float32)
    yl = y - yh
    p = (jnp.dot(gm, yh, preferred_element_type=jnp.float32)
         + jnp.dot(gm, yl, preferred_element_type=jnp.float32))

    @pl.when(i == 0)
    def _():
        pooled[...] = p

    @pl.when(i > 0)
    def _():
        pooled[...] += p

    @pl.when(i == pl.num_programs(0) - 1)
    def _():
        out_ref[...] = jnp.dot(pooled[...], wr_ref[...],
                               preferred_element_type=jnp.float32,
                               precision=lax.Precision.HIGHEST)


def kernel(feats, edge_index, graph_ids, emb_table, W_mlp, b_mlp, W_reg):
    craw = _get_sc_hist()(edge_index.reshape(2 * E), feats)
    c2 = craw.reshape(NC, N, V)

    feats_p = feats.reshape(2, 1, N // 2)
    gids_p = graph_ids.reshape(2, 1, N // 2)

    nb = 2
    bn = N // nb
    out = pl.pallas_call(
        _tc_body,
        grid=(nb,),
        in_specs=[
            pl.BlockSpec((NC, bn, V), lambda i: (0, i, 0)),
            pl.BlockSpec((1, 1, bn), lambda i: (i, 0, 0)),
            pl.BlockSpec((1, 1, bn), lambda i: (i, 0, 0)),
            pl.BlockSpec((V, H), lambda i: (0, 0)),
            pl.BlockSpec((H, H), lambda i: (0, 0)),
            pl.BlockSpec((1, H), lambda i: (0, 0)),
            pl.BlockSpec((H, OUT), lambda i: (0, 0)),
        ],
        out_specs=pl.BlockSpec((G, OUT), lambda i: (0, 0)),
        out_shape=jax.ShapeDtypeStruct((G, OUT), jnp.float32),
        scratch_shapes=[pltpu.VMEM((G, H), jnp.float32)],
    )(c2, feats_p, gids_p, emb_table, W_mlp, b_mlp.reshape(1, H), W_reg)
    return out

# --- scband reference (transcript-rebuilt; emitter-appended) ---
"""Pipeline reference for scband-ginmodel-2645699854676 (READ-ONLY COPY).

The authoritative reference and input builder live on the scoring server;
editing this copy changes nothing except your own understanding.
"""

import jax, jax.numpy as jnp
import numpy as np

N = 10000      # nodes
E = 320000     # edges
H = 128        # hidden_dim
V = 128        # input_dim (embedding vocab of node types)
G = 64         # number of graphs in the batch (for SumPooling)
OUT = 1        # output_dim


def setup_inputs(seed: int = 0) -> dict:
    key = jax.random.key(seed)
    k1, k2, k3, k4, k5, k6, k7 = jax.random.split(key, 7)
    feats = jax.random.randint(k1, (N,), 0, V, dtype=jnp.int32)
    edge_index = jax.random.randint(k2, (2, E), 0, N, dtype=jnp.int32)
    graph_ids = jnp.sort(jax.random.randint(k3, (N,), 0, G, dtype=jnp.int32))
    # learned parameters
    emb_table = jax.random.normal(k4, (V, H), dtype=jnp.float32) * 0.02
    W_mlp = jax.random.normal(k5, (H, H), dtype=jnp.float32) * (1.0 / np.sqrt(H))
    b_mlp = jnp.zeros((H,), dtype=jnp.float32)
    W_reg = jax.random.normal(k6, (H, OUT), dtype=jnp.float32) * (1.0 / np.sqrt(H))
    return {
        "feats": feats,
        "edge_index": edge_index,
        "graph_ids": graph_ids,
        "emb_table": emb_table,
        "W_mlp": W_mlp,
        "b_mlp": b_mlp,
        "W_reg": W_reg,
    }


def reference(feats, edge_index, graph_ids, emb_table, W_mlp, b_mlp, W_reg):
    # Embedding lookup (nn.Embedding)
    h = jnp.take(emb_table, feats, axis=0)  # [N, H]
    # GINConv (aggregator='sum', eps=0): h_i = MLP((1+eps)*h_i + sum_{j->i} h_j)
    src = edge_index[0]
    dst = edge_index[1]
    msgs = jnp.take(h, src, axis=0)                    # gather [E, H]
    agg = jnp.zeros((N, H), dtype=h.dtype).at[dst].add(msgs)  # scatter-add
    h = (1.0 + 0.0) * h + agg
    # MLP (mlp_layers=1): Linear + ReLU
    h = jax.nn.relu(h @ W_mlp + b_mlp)
    # dropout p=0 -> identity
    # SumPooling over each graph in the batch
    pooled = jax.ops.segment_sum(h, graph_ids, num_segments=G)  # [G, H]
    # regression head (Linear, bias=False)
    out = pooled @ W_reg  # [G, OUT]
    return out

if __name__ == "__main__":
    import jax
    _d = setup_inputs()
    print(jax.jit(kernel)(*tuple(_d.values())))

</pallas_src>

<mosaic_0001>
#map = affine_map<(d0, d1) -> (0)>
#map1 = affine_map<(d0, d1) -> (0, 0)>
module attributes {stable_mosaic.version = 14 : i64} {
  func.func @_sc_hist_body(%arg0: i32, %arg1: i32, %arg2: memref<640000xi32, #tpu.memory_space<hbm>>, %arg3: memref<10000xi32, #tpu.memory_space<hbm>>, %arg4: memref<2x1280000xf32, #tpu.memory_space<hbm>>, %arg5: memref<10000xi32, #tpu.memory_space<vmem>>, %arg6: memref<10000xi32, #tpu.memory_space<vmem>>, %arg7: memref<10000xi32, #tpu.memory_space<vmem>>, %arg8: memref<125x80xi32, #tpu.memory_space<vmem>>, %arg9: memref<80xf32, #tpu.memory_space<vmem>>, %arg10: memref<2048xf32, #tpu.memory_space<vmem>>, %arg11: memref<1280000xf32, #tpu.memory_space<vmem_shared>>, %arg12: memref<!tpu.dma_semaphore, #tpu.memory_space<semaphore_mem>>, %arg13: memref<!tpu.dma_semaphore, #tpu.memory_space<semaphore_mem>>) attributes {dimension_semantics = [#tpu.dimension_semantics<core_parallel>, #tpu.dimension_semantics<subcore_parallel>], iteration_bounds = array<i64: 2, 16>, scalar_prefetch = 0 : i64, scratch_operands = 9 : i64, tpu.core_type = #tpu.core_type<sc_vector_subcore>, window_params = [{transform_indices = #map}, {transform_indices = #map}, {transform_indices = #map1}]} {
    %mul3A = arith.constant 16 : i32
    %mul3A_0 = arith.muli %arg0, %mul3A : i32
    %add3A = arith.addi %mul3A_0, %arg1 : i32
    %mul3A_1 = arith.constant 10000 : i32
    %mul3A_2 = arith.muli %add3A, %mul3A_1 : i32
    %dma_start3A = tpu.memref_slice %arg2[%mul3A_2] : memref<640000xi32, #tpu.memory_space<hbm>> -> memref<10000xi32, #tpu.memory_space<hbm>>
    %dma_start3A_3 = tpu.memref_slice %arg2[%mul3A_2] : memref<640000xi32, #tpu.memory_space<hbm>> -> memref<10000xi32, #tpu.memory_space<hbm>>
    tpu.enqueue_dma source(%dma_start3A_3 : memref<10000xi32, #tpu.memory_space<hbm>>) target(%arg5 : memref<10000xi32, #tpu.memory_space<vmem>>) target_semaphore(%arg13 : memref<!tpu.dma_semaphore, #tpu.memory_space<semaphore_mem>>)
    %mul3A_4 = arith.constant 10000 : i32
    %mul3A_5 = arith.muli %add3A, %mul3A_4 : i32
    %add3A_6 = arith.constant 320000 : i32
    %add3A_7 = arith.addi %add3A_6, %mul3A_5 : i32
    %dma_start3A_8 = tpu.memref_slice %arg2[%add3A_7] : memref<640000xi32, #tpu.memory_space<hbm>> -> memref<10000xi32, #tpu.memory_space<hbm>>
    %dma_start3A_9 = tpu.memref_slice %arg2[%add3A_7] : memref<640000xi32, #tpu.memory_space<hbm>> -> memref<10000xi32, #tpu.memory_space<hbm>>
    tpu.enqueue_dma source(%dma_start3A_9 : memref<10000xi32, #tpu.memory_space<hbm>>) target(%arg6 : memref<10000xi32, #tpu.memory_space<vmem>>) target_semaphore(%arg13 : memref<!tpu.dma_semaphore, #tpu.memory_space<semaphore_mem>>)
    tpu.enqueue_dma source(%arg3 : memref<10000xi32, #tpu.memory_space<hbm>>) target(%arg7 : memref<10000xi32, #tpu.memory_space<vmem>>) target_semaphore(%arg13 : memref<!tpu.dma_semaphore, #tpu.memory_space<semaphore_mem>>)
    %scan3A = arith.constant 0 : i32
    %scan3A_10 = arith.constant 0 : i32
    %scan3A_11 = arith.constant 128 : i32
    %scan3A_12 = arith.addi %scan3A_10, %scan3A_11 : i32
    %scan3A_13 = arith.constant 1 : i32
    scf.for %scan3A_131 = %scan3A_10 to %scan3A_12 step %scan3A_13  : i32 {
      %broadcast_in_dim3A_132 = arith.constant 0.000000e+00 : f32
      %broadcast_in_dim3A_133 = vector.broadcast %broadcast_in_dim3A_132 : f32 to vector<16xf32>
      %mul3A_134 = arith.constant 16 : i32
      %mul3A_135 = arith.muli %scan3A_131, %mul3A_134 : i32
      %swap3A_136 = arith.index_cast %mul3A_135 : i32 to index
      %swap3A_137 = tpu.vector_load %arg10[%swap3A_136] {strides = array<i32>} : memref<2048xf32, #tpu.memory_space<vmem>>, vector<16xf32>,
      tpu.vector_store %arg10[%swap3A_136], %broadcast_in_dim3A_133 {strides = array<i32>} : memref<2048xf32, #tpu.memory_space<vmem>>, vector<16xf32>,
    }
    %scan3A_14 = arith.constant 128 : i32
    %broadcast_in_dim3A = arith.constant 1.000000e+00 : f32
    %broadcast_in_dim3A_15 = vector.broadcast %broadcast_in_dim3A : f32 to vector<16xf32>
    %swap3A = arith.constant 0 : index
    %swap3A_16 = tpu.vector_load %arg9[%swap3A] {strides = array<i32>} : memref<80xf32, #tpu.memory_space<vmem>>, vector<16xf32>,
    tpu.vector_store %arg9[%swap3A], %broadcast_in_dim3A_15 {strides = array<i32>} : memref<80xf32, #tpu.memory_space<vmem>>, vector<16xf32>,
    %broadcast_in_dim3A_17 = arith.constant 1.000000e+00 : f32
    %broadcast_in_dim3A_18 = vector.broadcast %broadcast_in_dim3A_17 : f32 to vector<16xf32>
    %swap3A_19 = arith.constant 16 : index
    %swap3A_20 = tpu.vector_load %arg9[%swap3A_19] {strides = array<i32>} : memref<80xf32, #tpu.memory_space<vmem>>, vector<16xf32>,
    tpu.vector_store %arg9[%swap3A_19], %broadcast_in_dim3A_18 {strides = array<i32>} : memref<80xf32, #tpu.memory_space<vmem>>, vector<16xf32>,
    %broadcast_in_dim3A_21 = arith.constant 1.000000e+00 : f32
    %broadcast_in_dim3A_22 = vector.broadcast %broadcast_in_dim3A_21 : f32 to vector<16xf32>
    %swap3A_23 = arith.constant 32 : index
    %swap3A_24 = tpu.vector_load %arg9[%swap3A_23] {strides = array<i32>} : memref<80xf32, #tpu.memory_space<vmem>>, vector<16xf32>,
    tpu.vector_store %arg9[%swap3A_23], %broadcast_in_dim3A_22 {strides = array<i32>} : memref<80xf32, #tpu.memory_space<vmem>>, vector<16xf32>,
    %broadcast_in_dim3A_25 = arith.constant 1.000000e+00 : f32
    %broadcast_in_dim3A_26 = vector.broadcast %broadcast_in_dim3A_25 : f32 to vector<16xf32>
    %swap3A_27 = arith.constant 48 : index
    %swap3A_28 = tpu.vector_load %arg9[%swap3A_27] {strides = array<i32>} : memref<80xf32, #tpu.memory_space<vmem>>, vector<16xf32>,
    tpu.vector_store %arg9[%swap3A_27], %broadcast_in_dim3A_26 {strides = array<i32>} : memref<80xf32, #tpu.memory_space<vmem>>, vector<16xf32>,
    %broadcast_in_dim3A_29 = arith.constant 1.000000e+00 : f32
    %broadcast_in_dim3A_30 = vector.broadcast %broadcast_in_dim3A_29 : f32 to vector<16xf32>
    %swap3A_31 = arith.constant 64 : index
    %swap3A_32 = tpu.vector_load %arg9[%swap3A_31] {strides = array<i32>} : memref<80xf32, #tpu.memory_space<vmem>>, vector<16xf32>,
    tpu.vector_store %arg9[%swap3A_31], %broadcast_in_dim3A_30 {strides = array<i32>} : memref<80xf32, #tpu.memory_space<vmem>>, vector<16xf32>,
    %mul3A_33 = arith.constant 80000 : i32
    %mul3A_34 = arith.muli %arg1, %mul3A_33 : i32
    %add3A_35 = arith.constant 0 : i32
    %add3A_36 = arith.addi %mul3A_34, %add3A_35 : i32
    "tpu.region"() ({
      %run_scoped3A = tpu.sem_alloc : memref<!tpu.dma_semaphore, #tpu.memory_space<semaphore_mem>>
      %dma_start3A_131 = arith.constant 0 : i32
      %dma_start3A_132 = tpu.memref_slice %arg10[%dma_start3A_131] : memref<2048xf32, #tpu.memory_space<vmem>> -> memref<2000xf32, #tpu.memory_space<vmem>>
      %dma_start3A_133 = tpu.memref_slice %arg11[%add3A_36] : memref<1280000xf32, #tpu.memory_space<vmem_shared>> -> memref<2000xf32, #tpu.memory_space<vmem_shared>>
      %dma_start3A_134 = tpu.memref_slice %arg11[%add3A_36] : memref<1280000xf32, #tpu.memory_space<vmem_shared>> -> memref<2000xf32, #tpu.memory_space<vmem_shared>>
      %dma_start3A_135 = arith.constant 0 : i32
      %dma_start3A_136 = tpu.memref_slice %arg10[%dma_start3A_135] : memref<2048xf32, #tpu.memory_space<vmem>> -> memref<2000xf32, #tpu.memory_space<vmem>>
      tpu.enqueue_dma source(%dma_start3A_136 : memref<2000xf32, #tpu.memory_space<vmem>>) target(%dma_start3A_134 : memref<2000xf32, #tpu.memory_space<vmem_shared>>) target_semaphore(%run_scoped3A : memref<!tpu.dma_semaphore, #tpu.memory_space<semaphore_mem>>)
      %dma_wait3A_137 = arith.constant 0 : i32
      %dma_wait3A_138 = tpu.memref_slice %arg10[%dma_wait3A_137] : memref<2048xf32, #tpu.memory_space<vmem>> -> memref<2000xf32, #tpu.memory_space<vmem>>
      %dma_wait3A_139 = tpu.memref_slice %arg11[%add3A_36] : memref<1280000xf32, #tpu.memory_space<vmem_shared>> -> memref<2000xf32, #tpu.memory_space<vmem_shared>>
      %dma_wait3A_140 = tpu.memref_slice %arg11[%add3A_36] : memref<1280000xf32, #tpu.memory_space<vmem_shared>> -> memref<2000xf32, #tpu.memory_space<vmem_shared>>
      %dma_wait3A_141 = arith.constant 0 : i32
      %dma_wait3A_142 = tpu.memref_slice %arg10[%dma_wait3A_141] : memref<2048xf32, #tpu.memory_space<vmem>> -> memref<2000xf32, #tpu.memory_space<vmem>>
      tpu.wait_dma2 semaphore(%run_scoped3A : memref<!tpu.dma_semaphore, #tpu.memory_space<semaphore_mem>>) src(%dma_wait3A_142 : memref<2000xf32, #tpu.memory_space<vmem>>) dst(%dma_wait3A_140 : memref<2000xf32, #tpu.memory_space<vmem_shared>>)
      tpu.yield
    }) : () -> ()
    %add3A_37 = arith.constant 2000 : i32
    %add3A_38 = arith.addi %mul3A_34, %add3A_37 : i32
    "tpu.region"() ({
      %run_scoped3A = tpu.sem_alloc : memref<!tpu.dma_semaphore, #tpu.memory_space<semaphore_mem>>
      %dma_start3A_131 = arith.constant 0 : i32
      %dma_start3A_132 = tpu.memref_slice %arg10[%dma_start3A_131] : memref<2048xf32, #tpu.memory_space<vmem>> -> memref<2000xf32, #tpu.memory_space<vmem>>
      %dma_start3A_133 = tpu.memref_slice %arg11[%add3A_38] : memref<1280000xf32, #tpu.memory_space<vmem_shared>> -> memref<2000xf32, #tpu.memory_space<vmem_shared>>
      %dma_start3A_134 = tpu.memref_slice %arg11[%add3A_38] : memref<1280000xf32, #tpu.memory_space<vmem_shared>> -> memref<2000xf32, #tpu.memory_space<vmem_shared>>
      %dma_start3A_135 = arith.constant 0 : i32
      %dma_start3A_136 = tpu.memref_slice %arg10[%dma_start3A_135] : memref<2048xf32, #tpu.memory_space<vmem>> -> memref<2000xf32, #tpu.memory_space<vmem>>
      tpu.enqueue_dma source(%dma_start3A_136 : memref<2000xf32, #tpu.memory_space<vmem>>) target(%dma_start3A_134 : memref<2000xf32, #tpu.memory_space<vmem_shared>>) target_semaphore(%run_scoped3A : memref<!tpu.dma_semaphore, #tpu.memory_space<semaphore_mem>>)
      %dma_wait3A_137 = arith.constant 0 : i32
      %dma_wait3A_138 = tpu.memref_slice %arg10[%dma_wait3A_137] : memref<2048xf32, #tpu.memory_space<vmem>> -> memref<2000xf32, #tpu.memory_space<vmem>>
      %dma_wait3A_139 = tpu.memref_slice %arg11[%add3A_38] : memref<1280000xf32, #tpu.memory_space<vmem_shared>> -> memref<2000xf32, #tpu.memory_space<vmem_shared>>
      %dma_wait3A_140 = tpu.memref_slice %arg11[%add3A_38] : memref<1280000xf32, #tpu.memory_space<vmem_shared>> -> memref<2000xf32, #tpu.memory_space<vmem_shared>>
      %dma_wait3A_141 = arith.constant 0 : i32
      %dma_wait3A_142 = tpu.memref_slice %arg10[%dma_wait3A_141] : memref<2048xf32, #tpu.memory_space<vmem>> -> memref<2000xf32, #tpu.memory_space<vmem>>
      tpu.wait_dma2 semaphore(%run_scoped3A : memref<!tpu.dma_semaphore, #tpu.memory_space<semaphore_mem>>) src(%dma_wait3A_142 : memref<2000xf32, #tpu.memory_space<vmem>>) dst(%dma_wait3A_140 : memref<2000xf32, #tpu.memory_space<vmem_shared>>)
      tpu.yield
    }) : () -> ()
    %add3A_39 = arith.constant 4000 : i32
    %add3A_40 = arith.addi %mul3A_34, %add3A_39 : i32
    "tpu.region"() ({
      %run_scoped3A = tpu.sem_alloc : memref<!tpu.dma_semaphore, #tpu.memory_space<semaphore_mem>>
      %dma_start3A_131 = arith.constant 0 : i32
      %dma_start3A_132 = tpu.memref_slice %arg10[%dma_start3A_131] : memref<2048xf32, #tpu.memory_space<vmem>> -> memref<2000xf32, #tpu.memory_space<vmem>>
      %dma_start3A_133 = tpu.memref_slice %arg11[%add3A_40] : memref<1280000xf32, #tpu.memory_space<vmem_shared>> -> memref<2000xf32, #tpu.memory_space<vmem_shared>>
      %dma_start3A_134 = tpu.memref_slice %arg11[%add3A_40] : memref<1280000xf32, #tpu.memory_space<vmem_shared>> -> memref<2000xf32, #tpu.memory_space<vmem_shared>>
      %dma_start3A_135 = arith.constant 0 : i32
      %dma_start3A_136 = tpu.memref_slice %arg10[%dma_start3A_135] : memref<2048xf32, #tpu.memory_space<vmem>> -> memref<2000xf32, #tpu.memory_space<vmem>>
      tpu.enqueue_dma source(%dma_start3A_136 : memref<2000xf32, #tpu.memory_space<vmem>>) target(%dma_start3A_134 : memref<2000xf32, #tpu.memory_space<vmem_shared>>) target_semaphore(%run_scoped3A : memref<!tpu.dma_semaphore, #tpu.memory_space<semaphore_mem>>)
      %dma_wait3A_137 = arith.constant 0 : i32
      %dma_wait3A_138 = tpu.memref_slice %arg10[%dma_wait3A_137] : memref<2048xf32, #tpu.memory_space<vmem>> -> memref<2000xf32, #tpu.memory_space<vmem>>
      %dma_wait3A_139 = tpu.memref_slice %arg11[%add3A_40] : memref<1280000xf32, #tpu.memory_space<vmem_shared>> -> memref<2000xf32, #tpu.memory_space<vmem_shared>>
      %dma_wait3A_140 = tpu.memref_slice %arg11[%add3A_40] : memref<1280000xf32, #tpu.memory_space<vmem_shared>> -> memref<2000xf32, #tpu.memory_space<vmem_shared>>
      %dma_wait3A_141 = arith.constant 0 : i32
      %dma_wait3A_142 = tpu.memref_slice %arg10[%dma_wait3A_141] : memref<2048xf32, #tpu.memory_space<vmem>> -> memref<2000xf32, #tpu.memory_space<vmem>>
      tpu.wait_dma2 semaphore(%run_scoped3A : memref<!tpu.dma_semaphore, #tpu.memory_space<semaphore_mem>>) src(%dma_wait3A_142 : memref<2000xf32, #tpu.memory_space<vmem>>) dst(%dma_wait3A_140 : memref<2000xf32, #tpu.memory_space<vmem_shared>>)
      tpu.yield
    }) : () -> ()
    %add3A_41 = arith.constant 6000 : i32
    %add3A_42 = arith.addi %mul3A_34, %add3A_41 : i32
    "tpu.region"() ({
      %run_scoped3A = tpu.sem_alloc : memref<!tpu.dma_semaphore, #tpu.memory_space<semaphore_mem>>
      %dma_start3A_131 = arith.constant 0 : i32
      %dma_start3A_132 = tpu.memref_slice %arg10[%dma_start3A_131] : memref<2048xf32, #tpu.memory_space<vmem>> -> memref<2000xf32, #tpu.memory_space<vmem>>
      %dma_start3A_133 = tpu.memref_slice %arg11[%add3A_42] : memref<1280000xf32, #tpu.memory_space<vmem_shared>> -> memref<2000xf32, #tpu.memory_space<vmem_shared>>
      %dma_start3A_134 = tpu.memref_slice %arg11[%add3A_42] : memref<1280000xf32, #tpu.memory_space<vmem_shared>> -> memref<2000xf32, #tpu.memory_space<vmem_shared>>
      %dma_start3A_135 = arith.constant 0 : i32
      %dma_start3A_136 = tpu.memref_slice %arg10[%dma_start3A_135] : memref<2048xf32, #tpu.memory_space<vmem>> -> memref<2000xf32, #tpu.memory_space<vmem>>
      tpu.enqueue_dma source(%dma_start3A_136 : memref<2000xf32, #tpu.memory_space<vmem>>) target(%dma_start3A_134 : memref<2000xf32, #tpu.memory_space<vmem_shared>>) target_semaphore(%run_scoped3A : memref<!tpu.dma_semaphore, #tpu.memory_space<semaphore_mem>>)
      %dma_wait3A_137 = arith.constant 0 : i32
      %dma_wait3A_138 = tpu.memref_slice %arg10[%dma_wait3A_137] : memref<2048xf32, #tpu.memory_space<vmem>> -> memref<2000xf32, #tpu.memory_space<vmem>>
      %dma_wait3A_139 = tpu.memref_slice %arg11[%add3A_42] : memref<1280000xf32, #tpu.memory_space<vmem_shared>> -> memref<2000xf32, #tpu.memory_space<vmem_shared>>
      %dma_wait3A_140 = tpu.memref_slice %arg11[%add3A_42] : memref<1280000xf32, #tpu.memory_space<vmem_shared>> -> memref<2000xf32, #tpu.memory_space<vmem_shared>>
      %dma_wait3A_141 = arith.constant 0 : i32
      %dma_wait3A_142 = tpu.memref_slice %arg10[%dma_wait3A_141] : memref<2048xf32, #tpu.memory_space<vmem>> -> memref<2000xf32, #tpu.memory_space<vmem>>
      tpu.wait_dma2 semaphore(%run_scoped3A : memref<!tpu.dma_semaphore, #tpu.memory_space<semaphore_mem>>) src(%dma_wait3A_142 : memref<2000xf32, #tpu.memory_space<vmem>>) dst(%dma_wait3A_140 : memref<2000xf32, #tpu.memory_space<vmem_shared>>)
      tpu.yield
    }) : () -> ()
    %add3A_43 = arith.constant 8000 : i32
    %add3A_44 = arith.addi %mul3A_34, %add3A_43 : i32
    "tpu.region"() ({
      %run_scoped3A = tpu.sem_alloc : memref<!tpu.dma_semaphore, #tpu.memory_space<semaphore_mem>>
      %dma_start3A_131 = arith.constant 0 : i32
      %dma_start3A_132 = tpu.memref_slice %arg10[%dma_start3A_131] : memref<2048xf32, #tpu.memory_space<vmem>> -> memref<2000xf32, #tpu.memory_space<vmem>>
      %dma_start3A_133 = tpu.memref_slice %arg11[%add3A_44] : memref<1280000xf32, #tpu.memory_space<vmem_shared>> -> memref<2000xf32, #tpu.memory_space<vmem_shared>>
      %dma_start3A_134 = tpu.memref_slice %arg11[%add3A_44] : memref<1280000xf32, #tpu.memory_space<vmem_shared>> -> memref<2000xf32, #tpu.memory_space<vmem_shared>>
      %dma_start3A_135 = arith.constant 0 : i32
      %dma_start3A_136 = tpu.memref_slice %arg10[%dma_start3A_135] : memref<2048xf32, #tpu.memory_space<vmem>> -> memref<2000xf32, #tpu.memory_space<vmem>>
      tpu.enqueue_dma source(%dma_start3A_136 : memref<2000xf32, #tpu.memory_space<vmem>>) target(%dma_start3A_134 : memref<2000xf32, #tpu.memory_space<vmem_shared>>) target_semaphore(%run_scoped3A : memref<!tpu.dma_semaphore, #tpu.memory_space<semaphore_mem>>)
      %dma_wait3A_137 = arith.constant 0 : i32
      %dma_wait3A_138 = tpu.memref_slice %arg10[%dma_wait3A_137] : memref<2048xf32, #tpu.memory_space<vmem>> -> memref<2000xf32, #tpu.memory_space<vmem>>
      %dma_wait3A_139 = tpu.memref_slice %arg11[%add3A_44] : memref<1280000xf32, #tpu.memory_space<vmem_shared>> -> memref<2000xf32, #tpu.memory_space<vmem_shared>>
      %dma_wait3A_140 = tpu.memref_slice %arg11[%add3A_44] : memref<1280000xf32, #tpu.memory_space<vmem_shared>> -> memref<2000xf32, #tpu.memory_space<vmem_shared>>
      %dma_wait3A_141 = arith.constant 0 : i32
      %dma_wait3A_142 = tpu.memref_slice %arg10[%dma_wait3A_141] : memref<2048xf32, #tpu.memory_space<vmem>> -> memref<2000xf32, #tpu.memory_space<vmem>>
      tpu.wait_dma2 semaphore(%run_scoped3A : memref<!tpu.dma_semaphore, #tpu.memory_space<semaphore_mem>>) src(%dma_wait3A_142 : memref<2000xf32, #tpu.memory_space<vmem>>) dst(%dma_wait3A_140 : memref<2000xf32, #tpu.memory_space<vmem_shared>>)
      tpu.yield
    }) : () -> ()
    %add3A_45 = arith.constant 10000 : i32
    %add3A_46 = arith.addi %mul3A_34, %add3A_45 : i32
    "tpu.region"() ({
      %run_scoped3A = tpu.sem_alloc : memref<!tpu.dma_semaphore, #tpu.memory_space<semaphore_mem>>
      %dma_start3A_131 = arith.constant 0 : i32
      %dma_start3A_132 = tpu.memref_slice %arg10[%dma_start3A_131] : memref<2048xf32, #tpu.memory_space<vmem>> -> memref<2000xf32, #tpu.memory_space<vmem>>
      %dma_start3A_133 = tpu.memref_slice %arg11[%add3A_46] : memref<1280000xf32, #tpu.memory_space<vmem_shared>> -> memref<2000xf32, #tpu.memory_space<vmem_shared>>
      %dma_start3A_134 = tpu.memref_slice %arg11[%add3A_46] : memref<1280000xf32, #tpu.memory_space<vmem_shared>> -> memref<2000xf32, #tpu.memory_space<vmem_shared>>
      %dma_start3A_135 = arith.constant 0 : i32
      %dma_start3A_136 = tpu.memref_slice %arg10[%dma_start3A_135] : memref<2048xf32, #tpu.memory_space<vmem>> -> memref<2000xf32, #tpu.memory_space<vmem>>
      tpu.enqueue_dma source(%dma_start3A_136 : memref<2000xf32, #tpu.memory_space<vmem>>) target(%dma_start3A_134 : memref<2000xf32, #tpu.memory_space<vmem_shared>>) target_semaphore(%run_scoped3A : memref<!tpu.dma_semaphore, #tpu.memory_space<semaphore_mem>>)
      %dma_wait3A_137 = arith.constant 0 : i32
      %dma_wait3A_138 = tpu.memref_slice %arg10[%dma_wait3A_137] : memref<2048xf32, #tpu.memory_space<vmem>> -> memref<2000xf32, #tpu.memory_space<vmem>>
      %dma_wait3A_139 = tpu.memref_slice %arg11[%add3A_46] : memref<1280000xf32, #tpu.memory_space<vmem_shared>> -> memref<2000xf32, #tpu.memory_space<vmem_shared>>
      %dma_wait3A_140 = tpu.memref_slice %arg11[%add3A_46] : memref<1280000xf32, #tpu.memory_space<vmem_shared>> -> memref<2000xf32, #tpu.memory_space<vmem_shared>>
      %dma_wait3A_141 = arith.constant 0 : i32
      %dma_wait3A_142 = tpu.memref_slice %arg10[%dma_wait3A_141] : memref<2048xf32, #tpu.memory_space<vmem>> -> memref<2000xf32, #tpu.memory_space<vmem>>
      tpu.wait_dma2 semaphore(%run_scoped3A : memref<!tpu.dma_semaphore, #tpu.memory_space<semaphore_mem>>) src(%dma_wait3A_142 : memref<2000xf32, #tpu.memory_space<vmem>>) dst(%dma_wait3A_140 : memref<2000xf32, #tpu.memory_space<vmem_shared>>)
      tpu.yield
    }) : () -> ()
    %add3A_47 = arith.constant 12000 : i32
    %add3A_48 = arith.addi %mul3A_34, %add3A_47 : i32
    "tpu.region"() ({
      %run_scoped3A = tpu.sem_alloc : memref<!tpu.dma_semaphore, #tpu.memory_space<semaphore_mem>>
      %dma_start3A_131 = arith.constant 0 : i32
      %dma_start3A_132 = tpu.memref_slice %arg10[%dma_start3A_131] : memref<2048xf32, #tpu.memory_space<vmem>> -> memref<2000xf32, #tpu.memory_space<vmem>>
      %dma_start3A_133 = tpu.memref_slice %arg11[%add3A_48] : memref<1280000xf32, #tpu.memory_space<vmem_shared>> -> memref<2000xf32, #tpu.memory_space<vmem_shared>>
      %dma_start3A_134 = tpu.memref_slice %arg11[%add3A_48] : memref<1280000xf32, #tpu.memory_space<vmem_shared>> -> memref<2000xf32, #tpu.memory_space<vmem_shared>>
      %dma_start3A_135 = arith.constant 0 : i32
      %dma_start3A_136 = tpu.memref_slice %arg10[%dma_start3A_135] : memref<2048xf32, #tpu.memory_space<vmem>> -> memref<2000xf32, #tpu.memory_space<vmem>>
      tpu.enqueue_dma source(%dma_start3A_136 : memref<2000xf32, #tpu.memory_space<vmem>>) target(%dma_start3A_134 : memref<2000xf32, #tpu.memory_space<vmem_shared>>) target_semaphore(%run_scoped3A : memref<!tpu.dma_semaphore, #tpu.memory_space<semaphore_mem>>)
      %dma_wait3A_137 = arith.constant 0 : i32
      %dma_wait3A_138 = tpu.memref_slice %arg10[%dma_wait3A_137] : memref<2048xf32, #tpu.memory_space<vmem>> -> memref<2000xf32, #tpu.memory_space<vmem>>
      %dma_wait3A_139 = tpu.memref_slice %arg11[%add3A_48] : memref<1280000xf32, #tpu.memory_space<vmem_shared>> -> memref<2000xf32, #tpu.memory_space<vmem_shared>>
      %dma_wait3A_140 = tpu.memref_slice %arg11[%add3A_48] : memref<1280000xf32, #tpu.memory_space<vmem_shared>> -> memref<2000xf32, #tpu.memory_space<vmem_shared>>
      %dma_wait3A_141 = arith.constant 0 : i32
      %dma_wait3A_142 = tpu.memref_slice %arg10[%dma_wait3A_141] : memref<2048xf32, #tpu.memory_space<vmem>> -> memref<2000xf32, #tpu.memory_space<vmem>>
      tpu.wait_dma2 semaphore(%run_scoped3A : memref<!tpu.dma_semaphore, #tpu.memory_space<semaphore_mem>>) src(%dma_wait3A_142 : memref<2000xf32, #tpu.memory_space<vmem>>) dst(%dma_wait3A_140 : memref<2000xf32, #tpu.memory_space<vmem_shared>>)
      tpu.yield
    }) : () -> ()
    %add3A_49 = arith.constant 14000 : i32
    %add3A_50 = arith.addi %mul3A_34, %add3A_49 : i32
    "tpu.region"() ({
      %run_scoped3A = tpu.sem_alloc : memref<!tpu.dma_semaphore, #tpu.memory_space<semaphore_mem>>
      %dma_start3A_131 = arith.constant 0 : i32
      %dma_start3A_132 = tpu.memref_slice %arg10[%dma_start3A_131] : memref<2048xf32, #tpu.memory_space<vmem>> -> memref<2000xf32, #tpu.memory_space<vmem>>
      %dma_start3A_133 = tpu.memref_slice %arg11[%add3A_50] : memref<1280000xf32, #tpu.memory_space<vmem_shared>> -> memref<2000xf32, #tpu.memory_space<vmem_shared>>
      %dma_start3A_134 = tpu.memref_slice %arg11[%add3A_50] : memref<1280000xf32, #tpu.memory_space<vmem_shared>> -> memref<2000xf32, #tpu.memory_space<vmem_shared>>
      %dma_start3A_135 = arith.constant 0 : i32
      %dma_start3A_136 = tpu.memref_slice %arg10[%dma_start3A_135] : memref<2048xf32, #tpu.memory_space<vmem>> -> memref<2000xf32, #tpu.memory_space<vmem>>
      tpu.enqueue_dma source(%dma_start3A_136 : memref<2000xf32, #tpu.memory_space<vmem>>) target(%dma_start3A_134 : memref<2000xf32, #tpu.memory_space<vmem_shared>>) target_semaphore(%run_scoped3A : memref<!tpu.dma_semaphore, #tpu.memory_space<semaphore_mem>>)
      %dma_wait3A_137 = arith.constant 0 : i32
      %dma_wait3A_138 = tpu.memref_slice %arg10[%dma_wait3A_137] : memref<2048xf32, #tpu.memory_space<vmem>> -> memref<2000xf32, #tpu.memory_space<vmem>>
      %dma_wait3A_139 = tpu.memref_slice %arg11[%add3A_50] : memref<1280000xf32, #tpu.memory_space<vmem_shared>> -> memref<2000xf32, #tpu.memory_space<vmem_shared>>
      %dma_wait3A_140 = tpu.memref_slice %arg11[%add3A_50] : memref<1280000xf32, #tpu.memory_space<vmem_shared>> -> memref<2000xf32, #tpu.memory_space<vmem_shared>>
      %dma_wait3A_141 = arith.constant 0 : i32
      %dma_wait3A_142 = tpu.memref_slice %arg10[%dma_wait3A_141] : memref<2048xf32, #tpu.memory_space<vmem>> -> memref<2000xf32, #tpu.memory_space<vmem>>
      tpu.wait_dma2 semaphore(%run_scoped3A : memref<!tpu.dma_semaphore, #tpu.memory_space<semaphore_mem>>) src(%dma_wait3A_142 : memref<2000xf32, #tpu.memory_space<vmem>>) dst(%dma_wait3A_140 : memref<2000xf32, #tpu.memory_space<vmem_shared>>)
      tpu.yield
    }) : () -> ()
    %add3A_51 = arith.constant 16000 : i32
    %add3A_52 = arith.addi %mul3A_34, %add3A_51 : i32
    "tpu.region"() ({
      %run_scoped3A = tpu.sem_alloc : memref<!tpu.dma_semaphore, #tpu.memory_space<semaphore_mem>>
      %dma_start3A_131 = arith.constant 0 : i32
      %dma_start3A_132 = tpu.memref_slice %arg10[%dma_start3A_131] : memref<2048xf32, #tpu.memory_space<vmem>> -> memref<2000xf32, #tpu.memory_space<vmem>>
      %dma_start3A_133 = tpu.memref_slice %arg11[%add3A_52] : memref<1280000xf32, #tpu.memory_space<vmem_shared>> -> memref<2000xf32, #tpu.memory_space<vmem_shared>>
      %dma_start3A_134 = tpu.memref_slice %arg11[%add3A_52] : memref<1280000xf32, #tpu.memory_space<vmem_shared>> -> memref<2000xf32, #tpu.memory_space<vmem_shared>>
      %dma_start3A_135 = arith.constant 0 : i32
      %dma_start3A_136 = tpu.memref_slice %arg10[%dma_start3A_135] : memref<2048xf32, #tpu.memory_space<vmem>> -> memref<2000xf32, #tpu.memory_space<vmem>>
      tpu.enqueue_dma source(%dma_start3A_136 : memref<2000xf32, #tpu.memory_space<vmem>>) target(%dma_start3A_134 : memref<2000xf32, #tpu.memory_space<vmem_shared>>) target_semaphore(%run_scoped3A : memref<!tpu.dma_semaphore, #tpu.memory_space<semaphore_mem>>)
      %dma_wait3A_137 = arith.constant 0 : i32
      %dma_wait3A_138 = tpu.memref_slice %arg10[%dma_wait3A_137] : memref<2048xf32, #tpu.memory_space<vmem>> -> memref<2000xf32, #tpu.memory_space<vmem>>
      %dma_wait3A_139 = tpu.memref_slice %arg11[%add3A_52] : memref<1280000xf32, #tpu.memory_space<vmem_shared>> -> memref<2000xf32, #tpu.memory_space<vmem_shared>>
      %dma_wait3A_140 = tpu.memref_slice %arg11[%add3A_52] : memref<1280000xf32, #tpu.memory_space<vmem_shared>> -> memref<2000xf32, #tpu.memory_space<vmem_shared>>
      %dma_wait3A_141 = arith.constant 0 : i32
      %dma_wait3A_142 = tpu.memref_slice %arg10[%dma_wait3A_141] : memref<2048xf32, #tpu.memory_space<vmem>> -> memref<2000xf32, #tpu.memory_space<vmem>>
      tpu.wait_dma2 semaphore(%run_scoped3A : memref<!tpu.dma_semaphore, #tpu.memory_space<semaphore_mem>>) src(%dma_wait3A_142 : memref<2000xf32, #tpu.memory_space<vmem>>) dst(%dma_wait3A_140 : memref<2000xf32, #tpu.memory_space<vmem_shared>>)
      tpu.yield
    }) : () -> ()
    %add3A_53 = arith.constant 18000 : i32
    %add3A_54 = arith.addi %mul3A_34, %add3A_53 : i32
    "tpu.region"() ({
      %run_scoped3A = tpu.sem_alloc : memref<!tpu.dma_semaphore, #tpu.memory_space<semaphore_mem>>
      %dma_start3A_131 = arith.constant 0 : i32
      %dma_start3A_132 = tpu.memref_slice %arg10[%dma_start3A_131] : memref<2048xf32, #tpu.memory_space<vmem>> -> memref<2000xf32, #tpu.memory_space<vmem>>
      %dma_start3A_133 = tpu.memref_slice %arg11[%add3A_54] : memref<1280000xf32, #tpu.memory_space<vmem_shared>> -> memref<2000xf32, #tpu.memory_space<vmem_shared>>
      %dma_start3A_134 = tpu.memref_slice %arg11[%add3A_54] : memref<1280000xf32, #tpu.memory_space<vmem_shared>> -> memref<2000xf32, #tpu.memory_space<vmem_shared>>
      %dma_start3A_135 = arith.constant 0 : i32
      %dma_start3A_136 = tpu.memref_slice %arg10[%dma_start3A_135] : memref<2048xf32, #tpu.memory_space<vmem>> -> memref<2000xf32, #tpu.memory_space<vmem>>
      tpu.enqueue_dma source(%dma_start3A_136 : memref<2000xf32, #tpu.memory_space<vmem>>) target(%dma_start3A_134 : memref<2000xf32, #tpu.memory_space<vmem_shared>>) target_semaphore(%run_scoped3A : memref<!tpu.dma_semaphore, #tpu.memory_space<semaphore_mem>>)
      %dma_wait3A_137 = arith.constant 0 : i32
      %dma_wait3A_138 = tpu.memref_slice %arg10[%dma_wait3A_137] : memref<2048xf32, #tpu.memory_space<vmem>> -> memref<2000xf32, #tpu.memory_space<vmem>>
      %dma_wait3A_139 = tpu.memref_slice %arg11[%add3A_54] : memref<1280000xf32, #tpu.memory_space<vmem_shared>> -> memref<2000xf32, #tpu.memory_space<vmem_shared>>
      %dma_wait3A_140 = tpu.memref_slice %arg11[%add3A_54] : memref<1280000xf32, #tpu.memory_space<vmem_shared>> -> memref<2000xf32, #tpu.memory_space<vmem_shared>>
      %dma_wait3A_141 = arith.constant 0 : i32
      %dma_wait3A_142 = tpu.memref_slice %arg10[%dma_wait3A_141] : memref<2048xf32, #tpu.memory_space<vmem>> -> memref<2000xf32, #tpu.memory_space<vmem>>
      tpu.wait_dma2 semaphore(%run_scoped3A : memref<!tpu.dma_semaphore, #tpu.memory_space<semaphore_mem>>) src(%dma_wait3A_142 : memref<2000xf32, #tpu.memory_space<vmem>>) dst(%dma_wait3A_140 : memref<2000xf32, #tpu.memory_space<vmem_shared>>)
      tpu.yield
    }) : () -> ()
    %add3A_55 = arith.constant 20000 : i32
    %add3A_56 = arith.addi %mul3A_34, %add3A_55 : i32
    "tpu.region"() ({
      %run_scoped3A = tpu.sem_alloc : memref<!tpu.dma_semaphore, #tpu.memory_space<semaphore_mem>>
      %dma_start3A_131 = arith.constant 0 : i32
      %dma_start3A_132 = tpu.memref_slice %arg10[%dma_start3A_131] : memref<2048xf32, #tpu.memory_space<vmem>> -> memref<2000xf32, #tpu.memory_space<vmem>>
      %dma_start3A_133 = tpu.memref_slice %arg11[%add3A_56] : memref<1280000xf32, #tpu.memory_space<vmem_shared>> -> memref<2000xf32, #tpu.memory_space<vmem_shared>>
      %dma_start3A_134 = tpu.memref_slice %arg11[%add3A_56] : memref<1280000xf32, #tpu.memory_space<vmem_shared>> -> memref<2000xf32, #tpu.memory_space<vmem_shared>>
      %dma_start3A_135 = arith.constant 0 : i32
      %dma_start3A_136 = tpu.memref_slice %arg10[%dma_start3A_135] : memref<2048xf32, #tpu.memory_space<vmem>> -> memref<2000xf32, #tpu.memory_space<vmem>>
      tpu.enqueue_dma source(%dma_start3A_136 : memref<2000xf32, #tpu.memory_space<vmem>>) target(%dma_start3A_134 : memref<2000xf32, #tpu.memory_space<vmem_shared>>) target_semaphore(%run_scoped3A : memref<!tpu.dma_semaphore, #tpu.memory_space<semaphore_mem>>)
      %dma_wait3A_137 = arith.constant 0 : i32
      %dma_wait3A_138 = tpu.memref_slice %arg10[%dma_wait3A_137] : memref<2048xf32, #tpu.memory_space<vmem>> -> memref<2000xf32, #tpu.memory_space<vmem>>
      %dma_wait3A_139 = tpu.memref_slice %arg11[%add3A_56] : memref<1280000xf32, #tpu.memory_space<vmem_shared>> -> memref<2000xf32, #tpu.memory_space<vmem_shared>>
      %dma_wait3A_140 = tpu.memref_slice %arg11[%add3A_56] : memref<1280000xf32, #tpu.memory_space<vmem_shared>> -> memref<2000xf32, #tpu.memory_space<vmem_shared>>
      %dma_wait3A_141 = arith.constant 0 : i32
      %dma_wait3A_142 = tpu.memref_slice %arg10[%dma_wait3A_141] : memref<2048xf32, #tpu.memory_space<vmem>> -> memref<2000xf32, #tpu.memory_space<vmem>>
      tpu.wait_dma2 semaphore(%run_scoped3A : memref<!tpu.dma_semaphore, #tpu.memory_space<semaphore_mem>>) src(%dma_wait3A_142 : memref<2000xf32, #tpu.memory_space<vmem>>) dst(%dma_wait3A_140 : memref<2000xf32, #tpu.memory_space<vmem_shared>>)
      tpu.yield
    }) : () -> ()
    %add3A_57 = arith.constant 22000 : i32
    %add3A_58 = arith.addi %mul3A_34, %add3A_57 : i32
    "tpu.region"() ({
      %run_scoped3A = tpu.sem_alloc : memref<!tpu.dma_semaphore, #tpu.memory_space<semaphore_mem>>
      %dma_start3A_131 = arith.constant 0 : i32
      %dma_start3A_132 = tpu.memref_slice %arg10[%dma_start3A_131] : memref<2048xf32, #tpu.memory_space<vmem>> -> memref<2000xf32, #tpu.memory_space<vmem>>
      %dma_start3A_133 = tpu.memref_slice %arg11[%add3A_58] : memref<1280000xf32, #tpu.memory_space<vmem_shared>> -> memref<2000xf32, #tpu.memory_space<vmem_shared>>
      %dma_start3A_134 = tpu.memref_slice %arg11[%add3A_58] : memref<1280000xf32, #tpu.memory_space<vmem_shared>> -> memref<2000xf32, #tpu.memory_space<vmem_shared>>
      %dma_start3A_135 = arith.constant 0 : i32
      %dma_start3A_136 = tpu.memref_slice %arg10[%dma_start3A_135] : memref<2048xf32, #tpu.memory_space<vmem>> -> memref<2000xf32, #tpu.memory_space<vmem>>
      tpu.enqueue_dma source(%dma_start3A_136 : memref<2000xf32, #tpu.memory_space<vmem>>) target(%dma_start3A_134 : memref<2000xf32, #tpu.memory_space<vmem_shared>>) target_semaphore(%run_scoped3A : memref<!tpu.dma_semaphore, #tpu.memory_space<semaphore_mem>>)
      %dma_wait3A_137 = arith.constant 0 : i32
      %dma_wait3A_138 = tpu.memref_slice %arg10[%dma_wait3A_137] : memref<2048xf32, #tpu.memory_space<vmem>> -> memref<2000xf32, #tpu.memory_space<vmem>>
      %dma_wait3A_139 = tpu.memref_slice %arg11[%add3A_58] : memref<1280000xf32, #tpu.memory_space<vmem_shared>> -> memref<2000xf32, #tpu.memory_space<vmem_shared>>
      %dma_wait3A_140 = tpu.memref_slice %arg11[%add3A_58] : memref<1280000xf32, #tpu.memory_space<vmem_shared>> -> memref<2000xf32, #tpu.memory_space<vmem_shared>>
      %dma_wait3A_141 = arith.constant 0 : i32
      %dma_wait3A_142 = tpu.memref_slice %arg10[%dma_wait3A_141] : memref<2048xf32, #tpu.memory_space<vmem>> -> memref<2000xf32, #tpu.memory_space<vmem>>
      tpu.wait_dma2 semaphore(%run_scoped3A : memref<!tpu.dma_semaphore, #tpu.memory_space<semaphore_mem>>) src(%dma_wait3A_142 : memref<2000xf32, #tpu.memory_space<vmem>>) dst(%dma_wait3A_140 : memref<2000xf32, #tpu.memory_space<vmem_shared>>)
      tpu.yield
    }) : () -> ()
    %add3A_59 = arith.constant 24000 : i32
    %add3A_60 = arith.addi %mul3A_34, %add3A_59 : i32
    "tpu.region"() ({
      %run_scoped3A = tpu.sem_alloc : memref<!tpu.dma_semaphore, #tpu.memory_space<semaphore_mem>>
      %dma_start3A_131 = arith.constant 0 : i32
      %dma_start3A_132 = tpu.memref_slice %arg10[%dma_start3A_131] : memref<2048xf32, #tpu.memory_space<vmem>> -> memref<2000xf32, #tpu.memory_space<vmem>>
      %dma_start3A_133 = tpu.memref_slice %arg11[%add3A_60] : memref<1280000xf32, #tpu.memory_space<vmem_shared>> -> memref<2000xf32, #tpu.memory_space<vmem_shared>>
      %dma_start3A_134 = tpu.memref_slice %arg11[%add3A_60] : memref<1280000xf32, #tpu.memory_space<vmem_shared>> -> memref<2000xf32, #tpu.memory_space<vmem_shared>>
      %dma_start3A_135 = arith.constant 0 : i32
      %dma_start3A_136 = tpu.memref_slice %arg10[%dma_start3A_135] : memref<2048xf32, #tpu.memory_space<vmem>> -> memref<2000xf32, #tpu.memory_space<vmem>>
      tpu.enqueue_dma source(%dma_start3A_136 : memref<2000xf32, #tpu.memory_space<vmem>>) target(%dma_start3A_134 : memref<2000xf32, #tpu.memory_space<vmem_shared>>) target_semaphore(%run_scoped3A : memref<!tpu.dma_semaphore, #tpu.memory_space<semaphore_mem>>)
      %dma_wait3A_137 = arith.constant 0 : i32
      %dma_wait3A_138 = tpu.memref_slice %arg10[%dma_wait3A_137] : memref<2048xf32, #tpu.memory_space<vmem>> -> memref<2000xf32, #tpu.memory_space<vmem>>
      %dma_wait3A_139 = tpu.memref_slice %arg11[%add3A_60] : memref<1280000xf32, #tpu.memory_space<vmem_shared>> -> memref<2000xf32, #tpu.memory_space<vmem_shared>>
      %dma_wait3A_140 = tpu.memref_slice %arg11[%add3A_60] : memref<1280000xf32, #tpu.memory_space<vmem_shared>> -> memref<2000xf32, #tpu.memory_space<vmem_shared>>
      %dma_wait3A_141 = arith.constant 0 : i32
      %dma_wait3A_142 = tpu.memref_slice %arg10[%dma_wait3A_141] : memref<2048xf32, #tpu.memory_space<vmem>> -> memref<2000xf32, #tpu.memory_space<vmem>>
      tpu.wait_dma2 semaphore(%run_scoped3A : memref<!tpu.dma_semaphore, #tpu.memory_space<semaphore_mem>>) src(%dma_wait3A_142 : memref<2000xf32, #tpu.memory_space<vmem>>) dst(%dma_wait3A_140 : memref<2000xf32, #tpu.memory_space<vmem_shared>>)
      tpu.yield
    }) : () -> ()
    %add3A_61 = arith.constant 26000 : i32
    %add3A_62 = arith.addi %mul3A_34, %add3A_61 : i32
    "tpu.region"() ({
      %run_scoped3A = tpu.sem_alloc : memref<!tpu.dma_semaphore, #tpu.memory_space<semaphore_mem>>
      %dma_start3A_131 = arith.constant 0 : i32
      %dma_start3A_132 = tpu.memref_slice %arg10[%dma_start3A_131] : memref<2048xf32, #tpu.memory_space<vmem>> -> memref<2000xf32, #tpu.memory_space<vmem>>
      %dma_start3A_133 = tpu.memref_slice %arg11[%add3A_62] : memref<1280000xf32, #tpu.memory_space<vmem_shared>> -> memref<2000xf32, #tpu.memory_space<vmem_shared>>
      %dma_start3A_134 = tpu.memref_slice %arg11[%add3A_62] : memref<1280000xf32, #tpu.memory_space<vmem_shared>> -> memref<2000xf32, #tpu.memory_space<vmem_shared>>
      %dma_start3A_135 = arith.constant 0 : i32
      %dma_start3A_136 = tpu.memref_slice %arg10[%dma_start3A_135] : memref<2048xf32, #tpu.memory_space<vmem>> -> memref<2000xf32, #tpu.memory_space<vmem>>
      tpu.enqueue_dma source(%dma_start3A_136 : memref<2000xf32, #tpu.memory_space<vmem>>) target(%dma_start3A_134 : memref<2000xf32, #tpu.memory_space<vmem_shared>>) target_semaphore(%run_scoped3A : memref<!tpu.dma_semaphore, #tpu.memory_space<semaphore_mem>>)
      %dma_wait3A_137 = arith.constant 0 : i32
      %dma_wait3A_138 = tpu.memref_slice %arg10[%dma_wait3A_137] : memref<2048xf32, #tpu.memory_space<vmem>> -> memref<2000xf32, #tpu.memory_space<vmem>>
      %dma_wait3A_139 = tpu.memref_slice %arg11[%add3A_62] : memref<1280000xf32, #tpu.memory_space<vmem_shared>> -> memref<2000xf32, #tpu.memory_space<vmem_shared>>
      %dma_wait3A_140 = tpu.memref_slice %arg11[%add3A_62] : memref<1280000xf32, #tpu.memory_space<vmem_shared>> -> memref<2000xf32, #tpu.memory_space<vmem_shared>>
      %dma_wait3A_141 = arith.constant 0 : i32
      %dma_wait3A_142 = tpu.memref_slice %arg10[%dma_wait3A_141] : memref<2048xf32, #tpu.memory_space<vmem>> -> memref<2000xf32, #tpu.memory_space<vmem>>
      tpu.wait_dma2 semaphore(%run_scoped3A : memref<!tpu.dma_semaphore, #tpu.memory_space<semaphore_mem>>) src(%dma_wait3A_142 : memref<2000xf32, #tpu.memory_space<vmem>>) dst(%dma_wait3A_140 : memref<2000xf32, #tpu.memory_space<vmem_shared>>)
      tpu.yield
    }) : () -> ()
    %add3A_63 = arith.constant 28000 : i32
    %add3A_64 = arith.addi %mul3A_34, %add3A_63 : i32
    "tpu.region"() ({
      %run_scoped3A = tpu.sem_alloc : memref<!tpu.dma_semaphore, #tpu.memory_space<semaphore_mem>>
      %dma_start3A_131 = arith.constant 0 : i32
      %dma_start3A_132 = tpu.memref_slice %arg10[%dma_start3A_131] : memref<2048xf32, #tpu.memory_space<vmem>> -> memref<2000xf32, #tpu.memory_space<vmem>>
      %dma_start3A_133 = tpu.memref_slice %arg11[%add3A_64] : memref<1280000xf32, #tpu.memory_space<vmem_shared>> -> memref<2000xf32, #tpu.memory_space<vmem_shared>>
      %dma_start3A_134 = tpu.memref_slice %arg11[%add3A_64] : memref<1280000xf32, #tpu.memory_space<vmem_shared>> -> memref<2000xf32, #tpu.memory_space<vmem_shared>>
      %dma_start3A_135 = arith.constant 0 : i32
      %dma_start3A_136 = tpu.memref_slice %arg10[%dma_start3A_135] : memref<2048xf32, #tpu.memory_space<vmem>> -> memref<2000xf32, #tpu.memory_space<vmem>>
      tpu.enqueue_dma source(%dma_start3A_136 : memref<2000xf32, #tpu.memory_space<vmem>>) target(%dma_start3A_134 : memref<2000xf32, #tpu.memory_space<vmem_shared>>) target_semaphore(%run_scoped3A : memref<!tpu.dma_semaphore, #tpu.memory_space<semaphore_mem>>)
      %dma_wait3A_137 = arith.constant 0 : i32
      %dma_wait3A_138 = tpu.memref_slice %arg10[%dma_wait3A_137] : memref<2048xf32, #tpu.memory_space<vmem>> -> memref<2000xf32, #tpu.memory_space<vmem>>
      %dma_wait3A_139 = tpu.memref_slice %arg11[%add3A_64] : memref<1280000xf32, #tpu.memory_space<vmem_shared>> -> memref<2000xf32, #tpu.memory_space<vmem_shared>>
      %dma_wait3A_140 = tpu.memref_slice %arg11[%add3A_64] : memref<1280000xf32, #tpu.memory_space<vmem_shared>> -> memref<2000xf32, #tpu.memory_space<vmem_shared>>
      %dma_wait3A_141 = arith.constant 0 : i32
      %dma_wait3A_142 = tpu.memref_slice %arg10[%dma_wait3A_141] : memref<2048xf32, #tpu.memory_space<vmem>> -> memref<2000xf32, #tpu.memory_space<vmem>>
      tpu.wait_dma2 semaphore(%run_scoped3A : memref<!tpu.dma_semaphore, #tpu.memory_space<semaphore_mem>>) src(%dma_wait3A_142 : memref<2000xf32, #tpu.memory_space<vmem>>) dst(%dma_wait3A_140 : memref<2000xf32, #tpu.memory_space<vmem_shared>>)
      tpu.yield
    }) : () -> ()
    %add3A_65 = arith.constant 30000 : i32
    %add3A_66 = arith.addi %mul3A_34, %add3A_65 : i32
    "tpu.region"() ({
      %run_scoped3A = tpu.sem_alloc : memref<!tpu.dma_semaphore, #tpu.memory_space<semaphore_mem>>
      %dma_start3A_131 = arith.constant 0 : i32
      %dma_start3A_132 = tpu.memref_slice %arg10[%dma_start3A_131] : memref<2048xf32, #tpu.memory_space<vmem>> -> memref<2000xf32, #tpu.memory_space<vmem>>
      %dma_start3A_133 = tpu.memref_slice %arg11[%add3A_66] : memref<1280000xf32, #tpu.memory_space<vmem_shared>> -> memref<2000xf32, #tpu.memory_space<vmem_shared>>
      %dma_start3A_134 = tpu.memref_slice %arg11[%add3A_66] : memref<1280000xf32, #tpu.memory_space<vmem_shared>> -> memref<2000xf32, #tpu.memory_space<vmem_shared>>
      %dma_start3A_135 = arith.constant 0 : i32
      %dma_start3A_136 = tpu.memref_slice %arg10[%dma_start3A_135] : memref<2048xf32, #tpu.memory_space<vmem>> -> memref<2000xf32, #tpu.memory_space<vmem>>
      tpu.enqueue_dma source(%dma_start3A_136 : memref<2000xf32, #tpu.memory_space<vmem>>) target(%dma_start3A_134 : memref<2000xf32, #tpu.memory_space<vmem_shared>>) target_semaphore(%run_scoped3A : memref<!tpu.dma_semaphore, #tpu.memory_space<semaphore_mem>>)
      %dma_wait3A_137 = arith.constant 0 : i32
      %dma_wait3A_138 = tpu.memref_slice %arg10[%dma_wait3A_137] : memref<2048xf32, #tpu.memory_space<vmem>> -> memref<2000xf32, #tpu.memory_space<vmem>>
      %dma_wait3A_139 = tpu.memref_slice %arg11[%add3A_66] : memref<1280000xf32, #tpu.memory_space<vmem_shared>> -> memref<2000xf32, #tpu.memory_space<vmem_shared>>
      %dma_wait3A_140 = tpu.memref_slice %arg11[%add3A_66] : memref<1280000xf32, #tpu.memory_space<vmem_shared>> -> memref<2000xf32, #tpu.memory_space<vmem_shared>>
      %dma_wait3A_141 = arith.constant 0 : i32
      %dma_wait3A_142 = tpu.memref_slice %arg10[%dma_wait3A_141] : memref<2048xf32, #tpu.memory_space<vmem>> -> memref<2000xf32, #tpu.memory_space<vmem>>
      tpu.wait_dma2 semaphore(%run_scoped3A : memref<!tpu.dma_semaphore, #tpu.memory_space<semaphore_mem>>) src(%dma_wait3A_142 : memref<2000xf32, #tpu.memory_space<vmem>>) dst(%dma_wait3A_140 : memref<2000xf32, #tpu.memory_space<vmem_shared>>)
      tpu.yield
    }) : () -> ()
    %add3A_67 = arith.constant 32000 : i32
    %add3A_68 = arith.addi %mul3A_34, %add3A_67 : i32
    "tpu.region"() ({
      %run_scoped3A = tpu.sem_alloc : memref<!tpu.dma_semaphore, #tpu.memory_space<semaphore_mem>>
      %dma_start3A_131 = arith.constant 0 : i32
      %dma_start3A_132 = tpu.memref_slice %arg10[%dma_start3A_131] : memref<2048xf32, #tpu.memory_space<vmem>> -> memref<2000xf32, #tpu.memory_space<vmem>>
      %dma_start3A_133 = tpu.memref_slice %arg11[%add3A_68] : memref<1280000xf32, #tpu.memory_space<vmem_shared>> -> memref<2000xf32, #tpu.memory_space<vmem_shared>>
      %dma_start3A_134 = tpu.memref_slice %arg11[%add3A_68] : memref<1280000xf32, #tpu.memory_space<vmem_shared>> -> memref<2000xf32, #tpu.memory_space<vmem_shared>>
      %dma_start3A_135 = arith.constant 0 : i32
      %dma_start3A_136 = tpu.memref_slice %arg10[%dma_start3A_135] : memref<2048xf32, #tpu.memory_space<vmem>> -> memref<2000xf32, #tpu.memory_space<vmem>>
      tpu.enqueue_dma source(%dma_start3A_136 : memref<2000xf32, #tpu.memory_space<vmem>>) target(%dma_start3A_134 : memref<2000xf32, #tpu.memory_space<vmem_shared>>) target_semaphore(%run_scoped3A : memref<!tpu.dma_semaphore, #tpu.memory_space<semaphore_mem>>)
      %dma_wait3A_137 = arith.constant 0 : i32
      %dma_wait3A_138 = tpu.memref_slice %arg10[%dma_wait3A_137] : memref<2048xf32, #tpu.memory_space<vmem>> -> memref<2000xf32, #tpu.memory_space<vmem>>
      %dma_wait3A_139 = tpu.memref_slice %arg11[%add3A_68] : memref<1280000xf32, #tpu.memory_space<vmem_shared>> -> memref<2000xf32, #tpu.memory_space<vmem_shared>>
      %dma_wait3A_140 = tpu.memref_slice %arg11[%add3A_68] : memref<1280000xf32, #tpu.memory_space<vmem_shared>> -> memref<2000xf32, #tpu.memory_space<vmem_shared>>
      %dma_wait3A_141 = arith.constant 0 : i32
      %dma_wait3A_142 = tpu.memref_slice %arg10[%dma_wait3A_141] : memref<2048xf32, #tpu.memory_space<vmem>> -> memref<2000xf32, #tpu.memory_space<vmem>>
      tpu.wait_dma2 semaphore(%run_scoped3A : memref<!tpu.dma_semaphore, #tpu.memory_space<semaphore_mem>>) src(%dma_wait3A_142 : memref<2000xf32, #tpu.memory_space<vmem>>) dst(%dma_wait3A_140 : memref<2000xf32, #tpu.memory_space<vmem_shared>>)
      tpu.yield
    }) : () -> ()
    %add3A_69 = arith.constant 34000 : i32
    %add3A_70 = arith.addi %mul3A_34, %add3A_69 : i32
    "tpu.region"() ({
      %run_scoped3A = tpu.sem_alloc : memref<!tpu.dma_semaphore, #tpu.memory_space<semaphore_mem>>
      %dma_start3A_131 = arith.constant 0 : i32
      %dma_start3A_132 = tpu.memref_slice %arg10[%dma_start3A_131] : memref<2048xf32, #tpu.memory_space<vmem>> -> memref<2000xf32, #tpu.memory_space<vmem>>
      %dma_start3A_133 = tpu.memref_slice %arg11[%add3A_70] : memref<1280000xf32, #tpu.memory_space<vmem_shared>> -> memref<2000xf32, #tpu.memory_space<vmem_shared>>
      %dma_start3A_134 = tpu.memref_slice %arg11[%add3A_70] : memref<1280000xf32, #tpu.memory_space<vmem_shared>> -> memref<2000xf32, #tpu.memory_space<vmem_shared>>
      %dma_start3A_135 = arith.constant 0 : i32
      %dma_start3A_136 = tpu.memref_slice %arg10[%dma_start3A_135] : memref<2048xf32, #tpu.memory_space<vmem>> -> memref<2000xf32, #tpu.memory_space<vmem>>
      tpu.enqueue_dma source(%dma_start3A_136 : memref<2000xf32, #tpu.memory_space<vmem>>) target(%dma_start3A_134 : memref<2000xf32, #tpu.memory_space<vmem_shared>>) target_semaphore(%run_scoped3A : memref<!tpu.dma_semaphore, #tpu.memory_space<semaphore_mem>>)
      %dma_wait3A_137 = arith.constant 0 : i32
      %dma_wait3A_138 = tpu.memref_slice %arg10[%dma_wait3A_137] : memref<2048xf32, #tpu.memory_space<vmem>> -> memref<2000xf32, #tpu.memory_space<vmem>>
      %dma_wait3A_139 = tpu.memref_slice %arg11[%add3A_70] : memref<1280000xf32, #tpu.memory_space<vmem_shared>> -> memref<2000xf32, #tpu.memory_space<vmem_shared>>
      %dma_wait3A_140 = tpu.memref_slice %arg11[%add3A_70] : memref<1280000xf32, #tpu.memory_space<vmem_shared>> -> memref<2000xf32, #tpu.memory_space<vmem_shared>>
      %dma_wait3A_141 = arith.constant 0 : i32
      %dma_wait3A_142 = tpu.memref_slice %arg10[%dma_wait3A_141] : memref<2048xf32, #tpu.memory_space<vmem>> -> memref<2000xf32, #tpu.memory_space<vmem>>
      tpu.wait_dma2 semaphore(%run_scoped3A : memref<!tpu.dma_semaphore, #tpu.memory_space<semaphore_mem>>) src(%dma_wait3A_142 : memref<2000xf32, #tpu.memory_space<vmem>>) dst(%dma_wait3A_140 : memref<2000xf32, #tpu.memory_space<vmem_shared>>)
      tpu.yield
    }) : () -> ()
    %add3A_71 = arith.constant 36000 : i32
    %add3A_72 = arith.addi %mul3A_34, %add3A_71 : i32
    "tpu.region"() ({
      %run_scoped3A = tpu.sem_alloc : memref<!tpu.dma_semaphore, #tpu.memory_space<semaphore_mem>>
      %dma_start3A_131 = arith.constant 0 : i32
      %dma_start3A_132 = tpu.memref_slice %arg10[%dma_start3A_131] : memref<2048xf32, #tpu.memory_space<vmem>> -> memref<2000xf32, #tpu.memory_space<vmem>>
      %dma_start3A_133 = tpu.memref_slice %arg11[%add3A_72] : memref<1280000xf32, #tpu.memory_space<vmem_shared>> -> memref<2000xf32, #tpu.memory_space<vmem_shared>>
      %dma_start3A_134 = tpu.memref_slice %arg11[%add3A_72] : memref<1280000xf32, #tpu.memory_space<vmem_shared>> -> memref<2000xf32, #tpu.memory_space<vmem_shared>>
      %dma_start3A_135 = arith.constant 0 : i32
      %dma_start3A_136 = tpu.memref_slice %arg10[%dma_start3A_135] : memref<2048xf32, #tpu.memory_space<vmem>> -> memref<2000xf32, #tpu.memory_space<vmem>>
      tpu.enqueue_dma source(%dma_start3A_136 : memref<2000xf32, #tpu.memory_space<vmem>>) target(%dma_start3A_134 : memref<2000xf32, #tpu.memory_space<vmem_shared>>) target_semaphore(%run_scoped3A : memref<!tpu.dma_semaphore, #tpu.memory_space<semaphore_mem>>)
      %dma_wait3A_137 = arith.constant 0 : i32
      %dma_wait3A_138 = tpu.memref_slice %arg10[%dma_wait3A_137] : memref<2048xf32, #tpu.memory_space<vmem>> -> memref<2000xf32, #tpu.memory_space<vmem>>
      %dma_wait3A_139 = tpu.memref_slice %arg11[%add3A_72] : memref<1280000xf32, #tpu.memory_space<vmem_shared>> -> memref<2000xf32, #tpu.memory_space<vmem_shared>>
      %dma_wait3A_140 = tpu.memref_slice %arg11[%add3A_72] : memref<1280000xf32, #tpu.memory_space<vmem_shared>> -> memref<2000xf32, #tpu.memory_space<vmem_shared>>
      %dma_wait3A_141 = arith.constant 0 : i32
      %dma_wait3A_142 = tpu.memref_slice %arg10[%dma_wait3A_141] : memref<2048xf32, #tpu.memory_space<vmem>> -> memref<2000xf32, #tpu.memory_space<vmem>>
      tpu.wait_dma2 semaphore(%run_scoped3A : memref<!tpu.dma_semaphore, #tpu.memory_space<semaphore_mem>>) src(%dma_wait3A_142 : memref<2000xf32, #tpu.memory_space<vmem>>) dst(%dma_wait3A_140 : memref<2000xf32, #tpu.memory_space<vmem_shared>>)
      tpu.yield
    }) : () -> ()
    %add3A_73 = arith.constant 38000 : i32
    %add3A_74 = arith.addi %mul3A_34, %add3A_73 : i32
    "tpu.region"() ({
      %run_scoped3A = tpu.sem_alloc : memref<!tpu.dma_semaphore, #tpu.memory_space<semaphore_mem>>
      %dma_start3A_131 = arith.constant 0 : i32
      %dma_start3A_132 = tpu.memref_slice %arg10[%dma_start3A_131] : memref<2048xf32, #tpu.memory_space<vmem>> -> memref<2000xf32, #tpu.memory_space<vmem>>
      %dma_start3A_133 = tpu.memref_slice %arg11[%add3A_74] : memref<1280000xf32, #tpu.memory_space<vmem_shared>> -> memref<2000xf32, #tpu.memory_space<vmem_shared>>
      %dma_start3A_134 = tpu.memref_slice %arg11[%add3A_74] : memref<1280000xf32, #tpu.memory_space<vmem_shared>> -> memref<2000xf32, #tpu.memory_space<vmem_shared>>
      %dma_start3A_135 = arith.constant 0 : i32
      %dma_start3A_136 = tpu.memref_slice %arg10[%dma_start3A_135] : memref<2048xf32, #tpu.memory_space<vmem>> -> memref<2000xf32, #tpu.memory_space<vmem>>
      tpu.enqueue_dma source(%dma_start3A_136 : memref<2000xf32, #tpu.memory_space<vmem>>) target(%dma_start3A_134 : memref<2000xf32, #tpu.memory_space<vmem_shared>>) target_semaphore(%run_scoped3A : memref<!tpu.dma_semaphore, #tpu.memory_space<semaphore_mem>>)
      %dma_wait3A_137 = arith.constant 0 : i32
      %dma_wait3A_138 = tpu.memref_slice %arg10[%dma_wait3A_137] : memref<2048xf32, #tpu.memory_space<vmem>> -> memref<2000xf32, #tpu.memory_space<vmem>>
      %dma_wait3A_139 = tpu.memref_slice %arg11[%add3A_74] : memref<1280000xf32, #tpu.memory_space<vmem_shared>> -> memref<2000xf32, #tpu.memory_space<vmem_shared>>
      %dma_wait3A_140 = tpu.memref_slice %arg11[%add3A_74] : memref<1280000xf32, #tpu.memory_space<vmem_shared>> -> memref<2000xf32, #tpu.memory_space<vmem_shared>>
      %dma_wait3A_141 = arith.constant 0 : i32
      %dma_wait3A_142 = tpu.memref_slice %arg10[%dma_wait3A_141] : memref<2048xf32, #tpu.memory_space<vmem>> -> memref<2000xf32, #tpu.memory_space<vmem>>
      tpu.wait_dma2 semaphore(%run_scoped3A : memref<!tpu.dma_semaphore, #tpu.memory_space<semaphore_mem>>) src(%dma_wait3A_142 : memref<2000xf32, #tpu.memory_space<vmem>>) dst(%dma_wait3A_140 : memref<2000xf32, #tpu.memory_space<vmem_shared>>)
      tpu.yield
    }) : () -> ()
    %add3A_75 = arith.constant 40000 : i32
    %add3A_76 = arith.addi %mul3A_34, %add3A_75 : i32
    "tpu.region"() ({
      %run_scoped3A = tpu.sem_alloc : memref<!tpu.dma_semaphore, #tpu.memory_space<semaphore_mem>>
      %dma_start3A_131 = arith.constant 0 : i32
      %dma_start3A_132 = tpu.memref_slice %arg10[%dma_start3A_131] : memref<2048xf32, #tpu.memory_space<vmem>> -> memref<2000xf32, #tpu.memory_space<vmem>>
      %dma_start3A_133 = tpu.memref_slice %arg11[%add3A_76] : memref<1280000xf32, #tpu.memory_space<vmem_shared>> -> memref<2000xf32, #tpu.memory_space<vmem_shared>>
      %dma_start3A_134 = tpu.memref_slice %arg11[%add3A_76] : memref<1280000xf32, #tpu.memory_space<vmem_shared>> -> memref<2000xf32, #tpu.memory_space<vmem_shared>>
      %dma_start3A_135 = arith.constant 0 : i32
      %dma_start3A_136 = tpu.memref_slice %arg10[%dma_start3A_135] : memref<2048xf32, #tpu.memory_space<vmem>> -> memref<2000xf32, #tpu.memory_space<vmem>>
      tpu.enqueue_dma source(%dma_start3A_136 : memref<2000xf32, #tpu.memory_space<vmem>>) target(%dma_start3A_134 : memref<2000xf32, #tpu.memory_space<vmem_shared>>) target_semaphore(%run_scoped3A : memref<!tpu.dma_semaphore, #tpu.memory_space<semaphore_mem>>)
      %dma_wait3A_137 = arith.constant 0 : i32
      %dma_wait3A_138 = tpu.memref_slice %arg10[%dma_wait3A_137] : memref<2048xf32, #tpu.memory_space<vmem>> -> memref<2000xf32, #tpu.memory_space<vmem>>
      %dma_wait3A_139 = tpu.memref_slice %arg11[%add3A_76] : memref<1280000xf32, #tpu.memory_space<vmem_shared>> -> memref<2000xf32, #tpu.memory_space<vmem_shared>>
      %dma_wait3A_140 = tpu.memref_slice %arg11[%add3A_76] : memref<1280000xf32, #tpu.memory_space<vmem_shared>> -> memref<2000xf32, #tpu.memory_space<vmem_shared>>
      %dma_wait3A_141 = arith.constant 0 : i32
      %dma_wait3A_142 = tpu.memref_slice %arg10[%dma_wait3A_141] : memref<2048xf32, #tpu.memory_space<vmem>> -> memref<2000xf32, #tpu.memory_space<vmem>>
      tpu.wait_dma2 semaphore(%run_scoped3A : memref<!tpu.dma_semaphore, #tpu.memory_space<semaphore_mem>>) src(%dma_wait3A_142 : memref<2000xf32, #tpu.memory_space<vmem>>) dst(%dma_wait3A_140 : memref<2000xf32, #tpu.memory_space<vmem_shared>>)
      tpu.yield
    }) : () -> ()
    %add3A_77 = arith.constant 42000 : i32
    %add3A_78 = arith.addi %mul3A_34, %add3A_77 : i32
    "tpu.region"() ({
      %run_scoped3A = tpu.sem_alloc : memref<!tpu.dma_semaphore, #tpu.memory_space<semaphore_mem>>
      %dma_start3A_131 = arith.constant 0 : i32
      %dma_start3A_132 = tpu.memref_slice %arg10[%dma_start3A_131] : memref<2048xf32, #tpu.memory_space<vmem>> -> memref<2000xf32, #tpu.memory_space<vmem>>
      %dma_start3A_133 = tpu.memref_slice %arg11[%add3A_78] : memref<1280000xf32, #tpu.memory_space<vmem_shared>> -> memref<2000xf32, #tpu.memory_space<vmem_shared>>
      %dma_start3A_134 = tpu.memref_slice %arg11[%add3A_78] : memref<1280000xf32, #tpu.memory_space<vmem_shared>> -> memref<2000xf32, #tpu.memory_space<vmem_shared>>
      %dma_start3A_135 = arith.constant 0 : i32
      %dma_start3A_136 = tpu.memref_slice %arg10[%dma_start3A_135] : memref<2048xf32, #tpu.memory_space<vmem>> -> memref<2000xf32, #tpu.memory_space<vmem>>
      tpu.enqueue_dma source(%dma_start3A_136 : memref<2000xf32, #tpu.memory_space<vmem>>) target(%dma_start3A_134 : memref<2000xf32, #tpu.memory_space<vmem_shared>>) target_semaphore(%run_scoped3A : memref<!tpu.dma_semaphore, #tpu.memory_space<semaphore_mem>>)
      %dma_wait3A_137 = arith.constant 0 : i32
      %dma_wait3A_138 = tpu.memref_slice %arg10[%dma_wait3A_137] : memref<2048xf32, #tpu.memory_space<vmem>> -> memref<2000xf32, #tpu.memory_space<vmem>>
      %dma_wait3A_139 = tpu.memref_slice %arg11[%add3A_78] : memref<1280000xf32, #tpu.memory_space<vmem_shared>> -> memref<2000xf32, #tpu.memory_space<vmem_shared>>
      %dma_wait3A_140 = tpu.memref_slice %arg11[%add3A_78] : memref<1280000xf32, #tpu.memory_space<vmem_shared>> -> memref<2000xf32, #tpu.memory_space<vmem_shared>>
      %dma_wait3A_141 = arith.constant 0 : i32
      %dma_wait3A_142 = tpu.memref_slice %arg10[%dma_wait3A_141] : memref<2048xf32, #tpu.memory_space<vmem>> -> memref<2000xf32, #tpu.memory_space<vmem>>
      tpu.wait_dma2 semaphore(%run_scoped3A : memref<!tpu.dma_semaphore, #tpu.memory_space<semaphore_mem>>) src(%dma_wait3A_142 : memref<2000xf32, #tpu.memory_space<vmem>>) dst(%dma_wait3A_140 : memref<2000xf32, #tpu.memory_space<vmem_shared>>)
      tpu.yield
    }) : () -> ()
    %add3A_79 = arith.constant 44000 : i32
    %add3A_80 = arith.addi %mul3A_34, %add3A_79 : i32
    "tpu.region"() ({
      %run_scoped3A = tpu.sem_alloc : memref<!tpu.dma_semaphore, #tpu.memory_space<semaphore_mem>>
      %dma_start3A_131 = arith.constant 0 : i32
      %dma_start3A_132 = tpu.memref_slice %arg10[%dma_start3A_131] : memref<2048xf32, #tpu.memory_space<vmem>> -> memref<2000xf32, #tpu.memory_space<vmem>>
      %dma_start3A_133 = tpu.memref_slice %arg11[%add3A_80] : memref<1280000xf32, #tpu.memory_space<vmem_shared>> -> memref<2000xf32, #tpu.memory_space<vmem_shared>>
      %dma_start3A_134 = tpu.memref_slice %arg11[%add3A_80] : memref<1280000xf32, #tpu.memory_space<vmem_shared>> -> memref<2000xf32, #tpu.memory_space<vmem_shared>>
      %dma_start3A_135 = arith.constant 0 : i32
      %dma_start3A_136 = tpu.memref_slice %arg10[%dma_start3A_135] : memref<2048xf32, #tpu.memory_space<vmem>> -> memref<2000xf32, #tpu.memory_space<vmem>>
      tpu.enqueue_dma source(%dma_start3A_136 : memref<2000xf32, #tpu.memory_space<vmem>>) target(%dma_start3A_134 : memref<2000xf32, #tpu.memory_space<vmem_shared>>) target_semaphore(%run_scoped3A : memref<!tpu.dma_semaphore, #tpu.memory_space<semaphore_mem>>)
      %dma_wait3A_137 = arith.constant 0 : i32
      %dma_wait3A_138 = tpu.memref_slice %arg10[%dma_wait3A_137] : memref<2048xf32, #tpu.memory_space<vmem>> -> memref<2000xf32, #tpu.memory_space<vmem>>
      %dma_wait3A_139 = tpu.memref_slice %arg11[%add3A_80] : memref<1280000xf32, #tpu.memory_space<vmem_shared>> -> memref<2000xf32, #tpu.memory_space<vmem_shared>>
      %dma_wait3A_140 = tpu.memref_slice %arg11[%add3A_80] : memref<1280000xf32, #tpu.memory_space<vmem_shared>> -> memref<2000xf32, #tpu.memory_space<vmem_shared>>
      %dma_wait3A_141 = arith.constant 0 : i32
      %dma_wait3A_142 = tpu.memref_slice %arg10[%dma_wait3A_141] : memref<2048xf32, #tpu.memory_space<vmem>> -> memref<2000xf32, #tpu.memory_space<vmem>>
      tpu.wait_dma2 semaphore(%run_scoped3A : memref<!tpu.dma_semaphore, #tpu.memory_space<semaphore_mem>>) src(%dma_wait3A_142 : memref<2000xf32, #tpu.memory_space<vmem>>) dst(%dma_wait3A_140 : memref<2000xf32, #tpu.memory_space<vmem_shared>>)
      tpu.yield
    }) : () -> ()
    %add3A_81 = arith.constant 46000 : i32
    %add3A_82 = arith.addi %mul3A_34, %add3A_81 : i32
    "tpu.region"() ({
      %run_scoped3A = tpu.sem_alloc : memref<!tpu.dma_semaphore, #tpu.memory_space<semaphore_mem>>
      %dma_start3A_131 = arith.constant 0 : i32
      %dma_start3A_132 = tpu.memref_slice %arg10[%dma_start3A_131] : memref<2048xf32, #tpu.memory_space<vmem>> -> memref<2000xf32, #tpu.memory_space<vmem>>
      %dma_start3A_133 = tpu.memref_slice %arg11[%add3A_82] : memref<1280000xf32, #tpu.memory_space<vmem_shared>> -> memref<2000xf32, #tpu.memory_space<vmem_shared>>
      %dma_start3A_134 = tpu.memref_slice %arg11[%add3A_82] : memref<1280000xf32, #tpu.memory_space<vmem_shared>> -> memref<2000xf32, #tpu.memory_space<vmem_shared>>
      %dma_start3A_135 = arith.constant 0 : i32
      %dma_start3A_136 = tpu.memref_slice %arg10[%dma_start3A_135] : memref<2048xf32, #tpu.memory_space<vmem>> -> memref<2000xf32, #tpu.memory_space<vmem>>
      tpu.enqueue_dma source(%dma_start3A_136 : memref<2000xf32, #tpu.memory_space<vmem>>) target(%dma_start3A_134 : memref<2000xf32, #tpu.memory_space<vmem_shared>>) target_semaphore(%run_scoped3A : memref<!tpu.dma_semaphore, #tpu.memory_space<semaphore_mem>>)
      %dma_wait3A_137 = arith.constant 0 : i32
      %dma_wait3A_138 = tpu.memref_slice %arg10[%dma_wait3A_137] : memref<2048xf32, #tpu.memory_space<vmem>> -> memref<2000xf32, #tpu.memory_space<vmem>>
      %dma_wait3A_139 = tpu.memref_slice %arg11[%add3A_82] : memref<1280000xf32, #tpu.memory_space<vmem_shared>> -> memref<2000xf32, #tpu.memory_space<vmem_shared>>
      %dma_wait3A_140 = tpu.memref_slice %arg11[%add3A_82] : memref<1280000xf32, #tpu.memory_space<vmem_shared>> -> memref<2000xf32, #tpu.memory_space<vmem_shared>>
      %dma_wait3A_141 = arith.constant 0 : i32
      %dma_wait3A_142 = tpu.memref_slice %arg10[%dma_wait3A_141] : memref<2048xf32, #tpu.memory_space<vmem>> -> memref<2000xf32, #tpu.memory_space<vmem>>
      tpu.wait_dma2 semaphore(%run_scoped3A : memref<!tpu.dma_semaphore, #tpu.memory_space<semaphore_mem>>) src(%dma_wait3A_142 : memref<2000xf32, #tpu.memory_space<vmem>>) dst(%dma_wait3A_140 : memref<2000xf32, #tpu.memory_space<vmem_shared>>)
      tpu.yield
    }) : () -> ()
    %add3A_83 = arith.constant 48000 : i32
    %add3A_84 = arith.addi %mul3A_34, %add3A_83 : i32
    "tpu.region"() ({
      %run_scoped3A = tpu.sem_alloc : memref<!tpu.dma_semaphore, #tpu.memory_space<semaphore_mem>>
      %dma_start3A_131 = arith.constant 0 : i32
      %dma_start3A_132 = tpu.memref_slice %arg10[%dma_start3A_131] : memref<2048xf32, #tpu.memory_space<vmem>> -> memref<2000xf32, #tpu.memory_space<vmem>>
      %dma_start3A_133 = tpu.memref_slice %arg11[%add3A_84] : memref<1280000xf32, #tpu.memory_space<vmem_shared>> -> memref<2000xf32, #tpu.memory_space<vmem_shared>>
      %dma_start3A_134 = tpu.memref_slice %arg11[%add3A_84] : memref<1280000xf32, #tpu.memory_space<vmem_shared>> -> memref<2000xf32, #tpu.memory_space<vmem_shared>>
      %dma_start3A_135 = arith.constant 0 : i32
      %dma_start3A_136 = tpu.memref_slice %arg10[%dma_start3A_135] : memref<2048xf32, #tpu.memory_space<vmem>> -> memref<2000xf32, #tpu.memory_space<vmem>>
      tpu.enqueue_dma source(%dma_start3A_136 : memref<2000xf32, #tpu.memory_space<vmem>>) target(%dma_start3A_134 : memref<2000xf32, #tpu.memory_space<vmem_shared>>) target_semaphore(%run_scoped3A : memref<!tpu.dma_semaphore, #tpu.memory_space<semaphore_mem>>)
      %dma_wait3A_137 = arith.constant 0 : i32
      %dma_wait3A_138 = tpu.memref_slice %arg10[%dma_wait3A_137] : memref<2048xf32, #tpu.memory_space<vmem>> -> memref<2000xf32, #tpu.memory_space<vmem>>
      %dma_wait3A_139 = tpu.memref_slice %arg11[%add3A_84] : memref<1280000xf32, #tpu.memory_space<vmem_shared>> -> memref<2000xf32, #tpu.memory_space<vmem_shared>>
      %dma_wait3A_140 = tpu.memref_slice %arg11[%add3A_84] : memref<1280000xf32, #tpu.memory_space<vmem_shared>> -> memref<2000xf32, #tpu.memory_space<vmem_shared>>
      %dma_wait3A_141 = arith.constant 0 : i32
      %dma_wait3A_142 = tpu.memref_slice %arg10[%dma_wait3A_141] : memref<2048xf32, #tpu.memory_space<vmem>> -> memref<2000xf32, #tpu.memory_space<vmem>>
      tpu.wait_dma2 semaphore(%run_scoped3A : memref<!tpu.dma_semaphore, #tpu.memory_space<semaphore_mem>>) src(%dma_wait3A_142 : memref<2000xf32, #tpu.memory_space<vmem>>) dst(%dma_wait3A_140 : memref<2000xf32, #tpu.memory_space<vmem_shared>>)
      tpu.yield
    }) : () -> ()
    %add3A_85 = arith.constant 50000 : i32
    %add3A_86 = arith.addi %mul3A_34, %add3A_85 : i32
    "tpu.region"() ({
      %run_scoped3A = tpu.sem_alloc : memref<!tpu.dma_semaphore, #tpu.memory_space<semaphore_mem>>
      %dma_start3A_131 = arith.constant 0 : i32
      %dma_start3A_132 = tpu.memref_slice %arg10[%dma_start3A_131] : memref<2048xf32, #tpu.memory_space<vmem>> -> memref<2000xf32, #tpu.memory_space<vmem>>
      %dma_start3A_133 = tpu.memref_slice %arg11[%add3A_86] : memref<1280000xf32, #tpu.memory_space<vmem_shared>> -> memref<2000xf32, #tpu.memory_space<vmem_shared>>
      %dma_start3A_134 = tpu.memref_slice %arg11[%add3A_86] : memref<1280000xf32, #tpu.memory_space<vmem_shared>> -> memref<2000xf32, #tpu.memory_space<vmem_shared>>
      %dma_start3A_135 = arith.constant 0 : i32
      %dma_start3A_136 = tpu.memref_slice %arg10[%dma_start3A_135] : memref<2048xf32, #tpu.memory_space<vmem>> -> memref<2000xf32, #tpu.memory_space<vmem>>
      tpu.enqueue_dma source(%dma_start3A_136 : memref<2000xf32, #tpu.memory_space<vmem>>) target(%dma_start3A_134 : memref<2000xf32, #tpu.memory_space<vmem_shared>>) target_semaphore(%run_scoped3A : memref<!tpu.dma_semaphore, #tpu.memory_space<semaphore_mem>>)
      %dma_wait3A_137 = arith.constant 0 : i32
      %dma_wait3A_138 = tpu.memref_slice %arg10[%dma_wait3A_137] : memref<2048xf32, #tpu.memory_space<vmem>> -> memref<2000xf32, #tpu.memory_space<vmem>>
      %dma_wait3A_139 = tpu.memref_slice %arg11[%add3A_86] : memref<1280000xf32, #tpu.memory_space<vmem_shared>> -> memref<2000xf32, #tpu.memory_space<vmem_shared>>
      %dma_wait3A_140 = tpu.memref_slice %arg11[%add3A_86] : memref<1280000xf32, #tpu.memory_space<vmem_shared>> -> memref<2000xf32, #tpu.memory_space<vmem_shared>>
      %dma_wait3A_141 = arith.constant 0 : i32
      %dma_wait3A_142 = tpu.memref_slice %arg10[%dma_wait3A_141] : memref<2048xf32, #tpu.memory_space<vmem>> -> memref<2000xf32, #tpu.memory_space<vmem>>
      tpu.wait_dma2 semaphore(%run_scoped3A : memref<!tpu.dma_semaphore, #tpu.memory_space<semaphore_mem>>) src(%dma_wait3A_142 : memref<2000xf32, #tpu.memory_space<vmem>>) dst(%dma_wait3A_140 : memref<2000xf32, #tpu.memory_space<vmem_shared>>)
      tpu.yield
    }) : () -> ()
    %add3A_87 = arith.constant 52000 : i32
    %add3A_88 = arith.addi %mul3A_34, %add3A_87 : i32
    "tpu.region"() ({
      %run_scoped3A = tpu.sem_alloc : memref<!tpu.dma_semaphore, #tpu.memory_space<semaphore_mem>>
      %dma_start3A_131 = arith.constant 0 : i32
      %dma_start3A_132 = tpu.memref_slice %arg10[%dma_start3A_131] : memref<2048xf32, #tpu.memory_space<vmem>> -> memref<2000xf32, #tpu.memory_space<vmem>>
      %dma_start3A_133 = tpu.memref_slice %arg11[%add3A_88] : memref<1280000xf32, #tpu.memory_space<vmem_shared>> -> memref<2000xf32, #tpu.memory_space<vmem_shared>>
      %dma_start3A_134 = tpu.memref_slice %arg11[%add3A_88] : memref<1280000xf32, #tpu.memory_space<vmem_shared>> -> memref<2000xf32, #tpu.memory_space<vmem_shared>>
      %dma_start3A_135 = arith.constant 0 : i32
      %dma_start3A_136 = tpu.memref_slice %arg10[%dma_start3A_135] : memref<2048xf32, #tpu.memory_space<vmem>> -> memref<2000xf32, #tpu.memory_space<vmem>>
      tpu.enqueue_dma source(%dma_start3A_136 : memref<2000xf32, #tpu.memory_space<vmem>>) target(%dma_start3A_134 : memref<2000xf32, #tpu.memory_space<vmem_shared>>) target_semaphore(%run_scoped3A : memref<!tpu.dma_semaphore, #tpu.memory_space<semaphore_mem>>)
      %dma_wait3A_137 = arith.constant 0 : i32
      %dma_wait3A_138 = tpu.memref_slice %arg10[%dma_wait3A_137] : memref<2048xf32, #tpu.memory_space<vmem>> -> memref<2000xf32, #tpu.memory_space<vmem>>
      %dma_wait3A_139 = tpu.memref_slice %arg11[%add3A_88] : memref<1280000xf32, #tpu.memory_space<vmem_shared>> -> memref<2000xf32, #tpu.memory_space<vmem_shared>>
      %dma_wait3A_140 = tpu.memref_slice %arg11[%add3A_88] : memref<1280000xf32, #tpu.memory_space<vmem_shared>> -> memref<2000xf32, #tpu.memory_space<vmem_shared>>
      %dma_wait3A_141 = arith.constant 0 : i32
      %dma_wait3A_142 = tpu.memref_slice %arg10[%dma_wait3A_141] : memref<2048xf32, #tpu.memory_space<vmem>> -> memref<2000xf32, #tpu.memory_space<vmem>>
      tpu.wait_dma2 semaphore(%run_scoped3A : memref<!tpu.dma_semaphore, #tpu.memory_space<semaphore_mem>>) src(%dma_wait3A_142 : memref<2000xf32, #tpu.memory_space<vmem>>) dst(%dma_wait3A_140 : memref<2000xf32, #tpu.memory_space<vmem_shared>>)
      tpu.yield
    }) : () -> ()
    %add3A_89 = arith.constant 54000 : i32
    %add3A_90 = arith.addi %mul3A_34, %add3A_89 : i32
    "tpu.region"() ({
      %run_scoped3A = tpu.sem_alloc : memref<!tpu.dma_semaphore, #tpu.memory_space<semaphore_mem>>
      %dma_start3A_131 = arith.constant 0 : i32
      %dma_start3A_132 = tpu.memref_slice %arg10[%dma_start3A_131] : memref<2048xf32, #tpu.memory_space<vmem>> -> memref<2000xf32, #tpu.memory_space<vmem>>
      %dma_start3A_133 = tpu.memref_slice %arg11[%add3A_90] : memref<1280000xf32, #tpu.memory_space<vmem_shared>> -> memref<2000xf32, #tpu.memory_space<vmem_shared>>
      %dma_start3A_134 = tpu.memref_slice %arg11[%add3A_90] : memref<1280000xf32, #tpu.memory_space<vmem_shared>> -> memref<2000xf32, #tpu.memory_space<vmem_shared>>
      %dma_start3A_135 = arith.constant 0 : i32
      %dma_start3A_136 = tpu.memref_slice %arg10[%dma_start3A_135] : memref<2048xf32, #tpu.memory_space<vmem>> -> memref<2000xf32, #tpu.memory_space<vmem>>
      tpu.enqueue_dma source(%dma_start3A_136 : memref<2000xf32, #tpu.memory_space<vmem>>) target(%dma_start3A_134 : memref<2000xf32, #tpu.memory_space<vmem_shared>>) target_semaphore(%run_scoped3A : memref<!tpu.dma_semaphore, #tpu.memory_space<semaphore_mem>>)
      %dma_wait3A_137 = arith.constant 0 : i32
      %dma_wait3A_138 = tpu.memref_slice %arg10[%dma_wait3A_137] : memref<2048xf32, #tpu.memory_space<vmem>> -> memref<2000xf32, #tpu.memory_space<vmem>>
      %dma_wait3A_139 = tpu.memref_slice %arg11[%add3A_90] : memref<1280000xf32, #tpu.memory_space<vmem_shared>> -> memref<2000xf32, #tpu.memory_space<vmem_shared>>
      %dma_wait3A_140 = tpu.memref_slice %arg11[%add3A_90] : memref<1280000xf32, #tpu.memory_space<vmem_shared>> -> memref<2000xf32, #tpu.memory_space<vmem_shared>>
      %dma_wait3A_141 = arith.constant 0 : i32
      %dma_wait3A_142 = tpu.memref_slice %arg10[%dma_wait3A_141] : memref<2048xf32, #tpu.memory_space<vmem>> -> memref<2000xf32, #tpu.memory_space<vmem>>
      tpu.wait_dma2 semaphore(%run_scoped3A : memref<!tpu.dma_semaphore, #tpu.memory_space<semaphore_mem>>) src(%dma_wait3A_142 : memref<2000xf32, #tpu.memory_space<vmem>>) dst(%dma_wait3A_140 : memref<2000xf32, #tpu.memory_space<vmem_shared>>)
      tpu.yield
    }) : () -> ()
    %add3A_91 = arith.constant 56000 : i32
    %add3A_92 = arith.addi %mul3A_34, %add3A_91 : i32
    "tpu.region"() ({
      %run_scoped3A = tpu.sem_alloc : memref<!tpu.dma_semaphore, #tpu.memory_space<semaphore_mem>>
      %dma_start3A_131 = arith.constant 0 : i32
      %dma_start3A_132 = tpu.memref_slice %arg10[%dma_start3A_131] : memref<2048xf32, #tpu.memory_space<vmem>> -> memref<2000xf32, #tpu.memory_space<vmem>>
      %dma_start3A_133 = tpu.memref_slice %arg11[%add3A_92] : memref<1280000xf32, #tpu.memory_space<vmem_shared>> -> memref<2000xf32, #tpu.memory_space<vmem_shared>>
      %dma_start3A_134 = tpu.memref_slice %arg11[%add3A_92] : memref<1280000xf32, #tpu.memory_space<vmem_shared>> -> memref<2000xf32, #tpu.memory_space<vmem_shared>>
      %dma_start3A_135 = arith.constant 0 : i32
      %dma_start3A_136 = tpu.memref_slice %arg10[%dma_start3A_135] : memref<2048xf32, #tpu.memory_space<vmem>> -> memref<2000xf32, #tpu.memory_space<vmem>>
      tpu.enqueue_dma source(%dma_start3A_136 : memref<2000xf32, #tpu.memory_space<vmem>>) target(%dma_start3A_134 : memref<2000xf32, #tpu.memory_space<vmem_shared>>) target_semaphore(%run_scoped3A : memref<!tpu.dma_semaphore, #tpu.memory_space<semaphore_mem>>)
      %dma_wait3A_137 = arith.constant 0 : i32
      %dma_wait3A_138 = tpu.memref_slice %arg10[%dma_wait3A_137] : memref<2048xf32, #tpu.memory_space<vmem>> -> memref<2000xf32, #tpu.memory_space<vmem>>
      %dma_wait3A_139 = tpu.memref_slice %arg11[%add3A_92] : memref<1280000xf32, #tpu.memory_space<vmem_shared>> -> memref<2000xf32, #tpu.memory_space<vmem_shared>>
      %dma_wait3A_140 = tpu.memref_slice %arg11[%add3A_92] : memref<1280000xf32, #tpu.memory_space<vmem_shared>> -> memref<2000xf32, #tpu.memory_space<vmem_shared>>
      %dma_wait3A_141 = arith.constant 0 : i32
      %dma_wait3A_142 = tpu.memref_slice %arg10[%dma_wait3A_141] : memref<2048xf32, #tpu.memory_space<vmem>> -> memref<2000xf32, #tpu.memory_space<vmem>>
      tpu.wait_dma2 semaphore(%run_scoped3A : memref<!tpu.dma_semaphore, #tpu.memory_space<semaphore_mem>>) src(%dma_wait3A_142 : memref<2000xf32, #tpu.memory_space<vmem>>) dst(%dma_wait3A_140 : memref<2000xf32, #tpu.memory_space<vmem_shared>>)
      tpu.yield
    }) : () -> ()
    %add3A_93 = arith.constant 58000 : i32
    %add3A_94 = arith.addi %mul3A_34, %add3A_93 : i32
    "tpu.region"() ({
      %run_scoped3A = tpu.sem_alloc : memref<!tpu.dma_semaphore, #tpu.memory_space<semaphore_mem>>
      %dma_start3A_131 = arith.constant 0 : i32
      %dma_start3A_132 = tpu.memref_slice %arg10[%dma_start3A_131] : memref<2048xf32, #tpu.memory_space<vmem>> -> memref<2000xf32, #tpu.memory_space<vmem>>
      %dma_start3A_133 = tpu.memref_slice %arg11[%add3A_94] : memref<1280000xf32, #tpu.memory_space<vmem_shared>> -> memref<2000xf32, #tpu.memory_space<vmem_shared>>
      %dma_start3A_134 = tpu.memref_slice %arg11[%add3A_94] : memref<1280000xf32, #tpu.memory_space<vmem_shared>> -> memref<2000xf32, #tpu.memory_space<vmem_shared>>
      %dma_start3A_135 = arith.constant 0 : i32
      %dma_start3A_136 = tpu.memref_slice %arg10[%dma_start3A_135] : memref<2048xf32, #tpu.memory_space<vmem>> -> memref<2000xf32, #tpu.memory_space<vmem>>
      tpu.enqueue_dma source(%dma_start3A_136 : memref<2000xf32, #tpu.memory_space<vmem>>) target(%dma_start3A_134 : memref<2000xf32, #tpu.memory_space<vmem_shared>>) target_semaphore(%run_scoped3A : memref<!tpu.dma_semaphore, #tpu.memory_space<semaphore_mem>>)
      %dma_wait3A_137 = arith.constant 0 : i32
      %dma_wait3A_138 = tpu.memref_slice %arg10[%dma_wait3A_137] : memref<2048xf32, #tpu.memory_space<vmem>> -> memref<2000xf32, #tpu.memory_space<vmem>>
      %dma_wait3A_139 = tpu.memref_slice %arg11[%add3A_94] : memref<1280000xf32, #tpu.memory_space<vmem_shared>> -> memref<2000xf32, #tpu.memory_space<vmem_shared>>
      %dma_wait3A_140 = tpu.memref_slice %arg11[%add3A_94] : memref<1280000xf32, #tpu.memory_space<vmem_shared>> -> memref<2000xf32, #tpu.memory_space<vmem_shared>>
      %dma_wait3A_141 = arith.constant 0 : i32
      %dma_wait3A_142 = tpu.memref_slice %arg10[%dma_wait3A_141] : memref<2048xf32, #tpu.memory_space<vmem>> -> memref<2000xf32, #tpu.memory_space<vmem>>
      tpu.wait_dma2 semaphore(%run_scoped3A : memref<!tpu.dma_semaphore, #tpu.memory_space<semaphore_mem>>) src(%dma_wait3A_142 : memref<2000xf32, #tpu.memory_space<vmem>>) dst(%dma_wait3A_140 : memref<2000xf32, #tpu.memory_space<vmem_shared>>)
      tpu.yield
    }) : () -> ()
    %add3A_95 = arith.constant 60000 : i32
    %add3A_96 = arith.addi %mul3A_34, %add3A_95 : i32
    "tpu.region"() ({
      %run_scoped3A = tpu.sem_alloc : memref<!tpu.dma_semaphore, #tpu.memory_space<semaphore_mem>>
      %dma_start3A_131 = arith.constant 0 : i32
      %dma_start3A_132 = tpu.memref_slice %arg10[%dma_start3A_131] : memref<2048xf32, #tpu.memory_space<vmem>> -> memref<2000xf32, #tpu.memory_space<vmem>>
      %dma_start3A_133 = tpu.memref_slice %arg11[%add3A_96] : memref<1280000xf32, #tpu.memory_space<vmem_shared>> -> memref<2000xf32, #tpu.memory_space<vmem_shared>>
      %dma_start3A_134 = tpu.memref_slice %arg11[%add3A_96] : memref<1280000xf32, #tpu.memory_space<vmem_shared>> -> memref<2000xf32, #tpu.memory_space<vmem_shared>>
      %dma_start3A_135 = arith.constant 0 : i32
      %dma_start3A_136 = tpu.memref_slice %arg10[%dma_start3A_135] : memref<2048xf32, #tpu.memory_space<vmem>> -> memref<2000xf32, #tpu.memory_space<vmem>>
      tpu.enqueue_dma source(%dma_start3A_136 : memref<2000xf32, #tpu.memory_space<vmem>>) target(%dma_start3A_134 : memref<2000xf32, #tpu.memory_space<vmem_shared>>) target_semaphore(%run_scoped3A : memref<!tpu.dma_semaphore, #tpu.memory_space<semaphore_mem>>)
      %dma_wait3A_137 = arith.constant 0 : i32
      %dma_wait3A_138 = tpu.memref_slice %arg10[%dma_wait3A_137] : memref<2048xf32, #tpu.memory_space<vmem>> -> memref<2000xf32, #tpu.memory_space<vmem>>
      %dma_wait3A_139 = tpu.memref_slice %arg11[%add3A_96] : memref<1280000xf32, #tpu.memory_space<vmem_shared>> -> memref<2000xf32, #tpu.memory_space<vmem_shared>>
      %dma_wait3A_140 = tpu.memref_slice %arg11[%add3A_96] : memref<1280000xf32, #tpu.memory_space<vmem_shared>> -> memref<2000xf32, #tpu.memory_space<vmem_shared>>
      %dma_wait3A_141 = arith.constant 0 : i32
      %dma_wait3A_142 = tpu.memref_slice %arg10[%dma_wait3A_141] : memref<2048xf32, #tpu.memory_space<vmem>> -> memref<2000xf32, #tpu.memory_space<vmem>>
      tpu.wait_dma2 semaphore(%run_scoped3A : memref<!tpu.dma_semaphore, #tpu.memory_space<semaphore_mem>>) src(%dma_wait3A_142 : memref<2000xf32, #tpu.memory_space<vmem>>) dst(%dma_wait3A_140 : memref<2000xf32, #tpu.memory_space<vmem_shared>>)
      tpu.yield
    }) : () -> ()
    %add3A_97 = arith.constant 62000 : i32
    %add3A_98 = arith.addi %mul3A_34, %add3A_97 : i32
    "tpu.region"() ({
      %run_scoped3A = tpu.sem_alloc : memref<!tpu.dma_semaphore, #tpu.memory_space<semaphore_mem>>
      %dma_start3A_131 = arith.constant 0 : i32
      %dma_start3A_132 = tpu.memref_slice %arg10[%dma_start3A_131] : memref<2048xf32, #tpu.memory_space<vmem>> -> memref<2000xf32, #tpu.memory_space<vmem>>
      %dma_start3A_133 = tpu.memref_slice %arg11[%add3A_98] : memref<1280000xf32, #tpu.memory_space<vmem_shared>> -> memref<2000xf32, #tpu.memory_space<vmem_shared>>
      %dma_start3A_134 = tpu.memref_slice %arg11[%add3A_98] : memref<1280000xf32, #tpu.memory_space<vmem_shared>> -> memref<2000xf32, #tpu.memory_space<vmem_shared>>
      %dma_start3A_135 = arith.constant 0 : i32
      %dma_start3A_136 = tpu.memref_slice %arg10[%dma_start3A_135] : memref<2048xf32, #tpu.memory_space<vmem>> -> memref<2000xf32, #tpu.memory_space<vmem>>
      tpu.enqueue_dma source(%dma_start3A_136 : memref<2000xf32, #tpu.memory_space<vmem>>) target(%dma_start3A_134 : memref<2000xf32, #tpu.memory_space<vmem_shared>>) target_semaphore(%run_scoped3A : memref<!tpu.dma_semaphore, #tpu.memory_space<semaphore_mem>>)
      %dma_wait3A_137 = arith.constant 0 : i32
      %dma_wait3A_138 = tpu.memref_slice %arg10[%dma_wait3A_137] : memref<2048xf32, #tpu.memory_space<vmem>> -> memref<2000xf32, #tpu.memory_space<vmem>>
      %dma_wait3A_139 = tpu.memref_slice %arg11[%add3A_98] : memref<1280000xf32, #tpu.memory_space<vmem_shared>> -> memref<2000xf32, #tpu.memory_space<vmem_shared>>
      %dma_wait3A_140 = tpu.memref_slice %arg11[%add3A_98] : memref<1280000xf32, #tpu.memory_space<vmem_shared>> -> memref<2000xf32, #tpu.memory_space<vmem_shared>>
      %dma_wait3A_141 = arith.constant 0 : i32
      %dma_wait3A_142 = tpu.memref_slice %arg10[%dma_wait3A_141] : memref<2048xf32, #tpu.memory_space<vmem>> -> memref<2000xf32, #tpu.memory_space<vmem>>
      tpu.wait_dma2 semaphore(%run_scoped3A : memref<!tpu.dma_semaphore, #tpu.memory_space<semaphore_mem>>) src(%dma_wait3A_142 : memref<2000xf32, #tpu.memory_space<vmem>>) dst(%dma_wait3A_140 : memref<2000xf32, #tpu.memory_space<vmem_shared>>)
      tpu.yield
    }) : () -> ()
    %add3A_99 = arith.constant 64000 : i32
    %add3A_100 = arith.addi %mul3A_34, %add3A_99 : i32
    "tpu.region"() ({
      %run_scoped3A = tpu.sem_alloc : memref<!tpu.dma_semaphore, #tpu.memory_space<semaphore_mem>>
      %dma_start3A_131 = arith.constant 0 : i32
      %dma_start3A_132 = tpu.memref_slice %arg10[%dma_start3A_131] : memref<2048xf32, #tpu.memory_space<vmem>> -> memref<2000xf32, #tpu.memory_space<vmem>>
      %dma_start3A_133 = tpu.memref_slice %arg11[%add3A_100] : memref<1280000xf32, #tpu.memory_space<vmem_shared>> -> memref<2000xf32, #tpu.memory_space<vmem_shared>>
      %dma_start3A_134 = tpu.memref_slice %arg11[%add3A_100] : memref<1280000xf32, #tpu.memory_space<vmem_shared>> -> memref<2000xf32, #tpu.memory_space<vmem_shared>>
      %dma_start3A_135 = arith.constant 0 : i32
      %dma_start3A_136 = tpu.memref_slice %arg10[%dma_start3A_135] : memref<2048xf32, #tpu.memory_space<vmem>> -> memref<2000xf32, #tpu.memory_space<vmem>>
      tpu.enqueue_dma source(%dma_start3A_136 : memref<2000xf32, #tpu.memory_space<vmem>>) target(%dma_start3A_134 : memref<2000xf32, #tpu.memory_space<vmem_shared>>) target_semaphore(%run_scoped3A : memref<!tpu.dma_semaphore, #tpu.memory_space<semaphore_mem>>)
      %dma_wait3A_137 = arith.constant 0 : i32
      %dma_wait3A_138 = tpu.memref_slice %arg10[%dma_wait3A_137] : memref<2048xf32, #tpu.memory_space<vmem>> -> memref<2000xf32, #tpu.memory_space<vmem>>
      %dma_wait3A_139 = tpu.memref_slice %arg11[%add3A_100] : memref<1280000xf32, #tpu.memory_space<vmem_shared>> -> memref<2000xf32, #tpu.memory_space<vmem_shared>>
      %dma_wait3A_140 = tpu.memref_slice %arg11[%add3A_100] : memref<1280000xf32, #tpu.memory_space<vmem_shared>> -> memref<2000xf32, #tpu.memory_space<vmem_shared>>
      %dma_wait3A_141 = arith.constant 0 : i32
      %dma_wait3A_142 = tpu.memref_slice %arg10[%dma_wait3A_141] : memref<2048xf32, #tpu.memory_space<vmem>> -> memref<2000xf32, #tpu.memory_space<vmem>>
      tpu.wait_dma2 semaphore(%run_scoped3A : memref<!tpu.dma_semaphore, #tpu.memory_space<semaphore_mem>>) src(%dma_wait3A_142 : memref<2000xf32, #tpu.memory_space<vmem>>) dst(%dma_wait3A_140 : memref<2000xf32, #tpu.memory_space<vmem_shared>>)
      tpu.yield
    }) : () -> ()
    %add3A_101 = arith.constant 66000 : i32
    %add3A_102 = arith.addi %mul3A_34, %add3A_101 : i32
    "tpu.region"() ({
      %run_scoped3A = tpu.sem_alloc : memref<!tpu.dma_semaphore, #tpu.memory_space<semaphore_mem>>
      %dma_start3A_131 = arith.constant 0 : i32
      %dma_start3A_132 = tpu.memref_slice %arg10[%dma_start3A_131] : memref<2048xf32, #tpu.memory_space<vmem>> -> memref<2000xf32, #tpu.memory_space<vmem>>
      %dma_start3A_133 = tpu.memref_slice %arg11[%add3A_102] : memref<1280000xf32, #tpu.memory_space<vmem_shared>> -> memref<2000xf32, #tpu.memory_space<vmem_shared>>
      %dma_start3A_134 = tpu.memref_slice %arg11[%add3A_102] : memref<1280000xf32, #tpu.memory_space<vmem_shared>> -> memref<2000xf32, #tpu.memory_space<vmem_shared>>
      %dma_start3A_135 = arith.constant 0 : i32
      %dma_start3A_136 = tpu.memref_slice %arg10[%dma_start3A_135] : memref<2048xf32, #tpu.memory_space<vmem>> -> memref<2000xf32, #tpu.memory_space<vmem>>
      tpu.enqueue_dma source(%dma_start3A_136 : memref<2000xf32, #tpu.memory_space<vmem>>) target(%dma_start3A_134 : memref<2000xf32, #tpu.memory_space<vmem_shared>>) target_semaphore(%run_scoped3A : memref<!tpu.dma_semaphore, #tpu.memory_space<semaphore_mem>>)
      %dma_wait3A_137 = arith.constant 0 : i32
      %dma_wait3A_138 = tpu.memref_slice %arg10[%dma_wait3A_137] : memref<2048xf32, #tpu.memory_space<vmem>> -> memref<2000xf32, #tpu.memory_space<vmem>>
      %dma_wait3A_139 = tpu.memref_slice %arg11[%add3A_102] : memref<1280000xf32, #tpu.memory_space<vmem_shared>> -> memref<2000xf32, #tpu.memory_space<vmem_shared>>
      %dma_wait3A_140 = tpu.memref_slice %arg11[%add3A_102] : memref<1280000xf32, #tpu.memory_space<vmem_shared>> -> memref<2000xf32, #tpu.memory_space<vmem_shared>>
      %dma_wait3A_141 = arith.constant 0 : i32
      %dma_wait3A_142 = tpu.memref_slice %arg10[%dma_wait3A_141] : memref<2048xf32, #tpu.memory_space<vmem>> -> memref<2000xf32, #tpu.memory_space<vmem>>
      tpu.wait_dma2 semaphore(%run_scoped3A : memref<!tpu.dma_semaphore, #tpu.memory_space<semaphore_mem>>) src(%dma_wait3A_142 : memref<2000xf32, #tpu.memory_space<vmem>>) dst(%dma_wait3A_140 : memref<2000xf32, #tpu.memory_space<vmem_shared>>)
      tpu.yield
    }) : () -> ()
    %add3A_103 = arith.constant 68000 : i32
    %add3A_104 = arith.addi %mul3A_34, %add3A_103 : i32
    "tpu.region"() ({
      %run_scoped3A = tpu.sem_alloc : memref<!tpu.dma_semaphore, #tpu.memory_space<semaphore_mem>>
      %dma_start3A_131 = arith.constant 0 : i32
      %dma_start3A_132 = tpu.memref_slice %arg10[%dma_start3A_131] : memref<2048xf32, #tpu.memory_space<vmem>> -> memref<2000xf32, #tpu.memory_space<vmem>>
      %dma_start3A_133 = tpu.memref_slice %arg11[%add3A_104] : memref<1280000xf32, #tpu.memory_space<vmem_shared>> -> memref<2000xf32, #tpu.memory_space<vmem_shared>>
      %dma_start3A_134 = tpu.memref_slice %arg11[%add3A_104] : memref<1280000xf32, #tpu.memory_space<vmem_shared>> -> memref<2000xf32, #tpu.memory_space<vmem_shared>>
      %dma_start3A_135 = arith.constant 0 : i32
      %dma_start3A_136 = tpu.memref_slice %arg10[%dma_start3A_135] : memref<2048xf32, #tpu.memory_space<vmem>> -> memref<2000xf32, #tpu.memory_space<vmem>>
      tpu.enqueue_dma source(%dma_start3A_136 : memref<2000xf32, #tpu.memory_space<vmem>>) target(%dma_start3A_134 : memref<2000xf32, #tpu.memory_space<vmem_shared>>) target_semaphore(%run_scoped3A : memref<!tpu.dma_semaphore, #tpu.memory_space<semaphore_mem>>)
      %dma_wait3A_137 = arith.constant 0 : i32
      %dma_wait3A_138 = tpu.memref_slice %arg10[%dma_wait3A_137] : memref<2048xf32, #tpu.memory_space<vmem>> -> memref<2000xf32, #tpu.memory_space<vmem>>
      %dma_wait3A_139 = tpu.memref_slice %arg11[%add3A_104] : memref<1280000xf32, #tpu.memory_space<vmem_shared>> -> memref<2000xf32, #tpu.memory_space<vmem_shared>>
      %dma_wait3A_140 = tpu.memref_slice %arg11[%add3A_104] : memref<1280000xf32, #tpu.memory_space<vmem_shared>> -> memref<2000xf32, #tpu.memory_space<vmem_shared>>
      %dma_wait3A_141 = arith.constant 0 : i32
      %dma_wait3A_142 = tpu.memref_slice %arg10[%dma_wait3A_141] : memref<2048xf32, #tpu.memory_space<vmem>> -> memref<2000xf32, #tpu.memory_space<vmem>>
      tpu.wait_dma2 semaphore(%run_scoped3A : memref<!tpu.dma_semaphore, #tpu.memory_space<semaphore_mem>>) src(%dma_wait3A_142 : memref<2000xf32, #tpu.memory_space<vmem>>) dst(%dma_wait3A_140 : memref<2000xf32, #tpu.memory_space<vmem_shared>>)
      tpu.yield
    }) : () -> ()
    %add3A_105 = arith.constant 70000 : i32
    %add3A_106 = arith.addi %mul3A_34, %add3A_105 : i32
    "tpu.region"() ({
      %run_scoped3A = tpu.sem_alloc : memref<!tpu.dma_semaphore, #tpu.memory_space<semaphore_mem>>
      %dma_start3A_131 = arith.constant 0 : i32
      %dma_start3A_132 = tpu.memref_slice %arg10[%dma_start3A_131] : memref<2048xf32, #tpu.memory_space<vmem>> -> memref<2000xf32, #tpu.memory_space<vmem>>
      %dma_start3A_133 = tpu.memref_slice %arg11[%add3A_106] : memref<1280000xf32, #tpu.memory_space<vmem_shared>> -> memref<2000xf32, #tpu.memory_space<vmem_shared>>
      %dma_start3A_134 = tpu.memref_slice %arg11[%add3A_106] : memref<1280000xf32, #tpu.memory_space<vmem_shared>> -> memref<2000xf32, #tpu.memory_space<vmem_shared>>
      %dma_start3A_135 = arith.constant 0 : i32
      %dma_start3A_136 = tpu.memref_slice %arg10[%dma_start3A_135] : memref<2048xf32, #tpu.memory_space<vmem>> -> memref<2000xf32, #tpu.memory_space<vmem>>
      tpu.enqueue_dma source(%dma_start3A_136 : memref<2000xf32, #tpu.memory_space<vmem>>) target(%dma_start3A_134 : memref<2000xf32, #tpu.memory_space<vmem_shared>>) target_semaphore(%run_scoped3A : memref<!tpu.dma_semaphore, #tpu.memory_space<semaphore_mem>>)
      %dma_wait3A_137 = arith.constant 0 : i32
      %dma_wait3A_138 = tpu.memref_slice %arg10[%dma_wait3A_137] : memref<2048xf32, #tpu.memory_space<vmem>> -> memref<2000xf32, #tpu.memory_space<vmem>>
      %dma_wait3A_139 = tpu.memref_slice %arg11[%add3A_106] : memref<1280000xf32, #tpu.memory_space<vmem_shared>> -> memref<2000xf32, #tpu.memory_space<vmem_shared>>
      %dma_wait3A_140 = tpu.memref_slice %arg11[%add3A_106] : memref<1280000xf32, #tpu.memory_space<vmem_shared>> -> memref<2000xf32, #tpu.memory_space<vmem_shared>>
      %dma_wait3A_141 = arith.constant 0 : i32
      %dma_wait3A_142 = tpu.memref_slice %arg10[%dma_wait3A_141] : memref<2048xf32, #tpu.memory_space<vmem>> -> memref<2000xf32, #tpu.memory_space<vmem>>
      tpu.wait_dma2 semaphore(%run_scoped3A : memref<!tpu.dma_semaphore, #tpu.memory_space<semaphore_mem>>) src(%dma_wait3A_142 : memref<2000xf32, #tpu.memory_space<vmem>>) dst(%dma_wait3A_140 : memref<2000xf32, #tpu.memory_space<vmem_shared>>)
      tpu.yield
    }) : () -> ()
    %add3A_107 = arith.constant 72000 : i32
    %add3A_108 = arith.addi %mul3A_34, %add3A_107 : i32
    "tpu.region"() ({
      %run_scoped3A = tpu.sem_alloc : memref<!tpu.dma_semaphore, #tpu.memory_space<semaphore_mem>>
      %dma_start3A_131 = arith.constant 0 : i32
      %dma_start3A_132 = tpu.memref_slice %arg10[%dma_start3A_131] : memref<2048xf32, #tpu.memory_space<vmem>> -> memref<2000xf32, #tpu.memory_space<vmem>>
      %dma_start3A_133 = tpu.memref_slice %arg11[%add3A_108] : memref<1280000xf32, #tpu.memory_space<vmem_shared>> -> memref<2000xf32, #tpu.memory_space<vmem_shared>>
      %dma_start3A_134 = tpu.memref_slice %arg11[%add3A_108] : memref<1280000xf32, #tpu.memory_space<vmem_shared>> -> memref<2000xf32, #tpu.memory_space<vmem_shared>>
      %dma_start3A_135 = arith.constant 0 : i32
      %dma_start3A_136 = tpu.memref_slice %arg10[%dma_start3A_135] : memref<2048xf32, #tpu.memory_space<vmem>> -> memref<2000xf32, #tpu.memory_space<vmem>>
      tpu.enqueue_dma source(%dma_start3A_136 : memref<2000xf32, #tpu.memory_space<vmem>>) target(%dma_start3A_134 : memref<2000xf32, #tpu.memory_space<vmem_shared>>) target_semaphore(%run_scoped3A : memref<!tpu.dma_semaphore, #tpu.memory_space<semaphore_mem>>)
      %dma_wait3A_137 = arith.constant 0 : i32
      %dma_wait3A_138 = tpu.memref_slice %arg10[%dma_wait3A_137] : memref<2048xf32, #tpu.memory_space<vmem>> -> memref<2000xf32, #tpu.memory_space<vmem>>
      %dma_wait3A_139 = tpu.memref_slice %arg11[%add3A_108] : memref<1280000xf32, #tpu.memory_space<vmem_shared>> -> memref<2000xf32, #tpu.memory_space<vmem_shared>>
      %dma_wait3A_140 = tpu.memref_slice %arg11[%add3A_108] : memref<1280000xf32, #tpu.memory_space<vmem_shared>> -> memref<2000xf32, #tpu.memory_space<vmem_shared>>
      %dma_wait3A_141 = arith.constant 0 : i32
      %dma_wait3A_142 = tpu.memref_slice %arg10[%dma_wait3A_141] : memref<2048xf32, #tpu.memory_space<vmem>> -> memref<2000xf32, #tpu.memory_space<vmem>>
      tpu.wait_dma2 semaphore(%run_scoped3A : memref<!tpu.dma_semaphore, #tpu.memory_space<semaphore_mem>>) src(%dma_wait3A_142 : memref<2000xf32, #tpu.memory_space<vmem>>) dst(%dma_wait3A_140 : memref<2000xf32, #tpu.memory_space<vmem_shared>>)
      tpu.yield
    }) : () -> ()
    %add3A_109 = arith.constant 74000 : i32
    %add3A_110 = arith.addi %mul3A_34, %add3A_109 : i32
    "tpu.region"() ({
      %run_scoped3A = tpu.sem_alloc : memref<!tpu.dma_semaphore, #tpu.memory_space<semaphore_mem>>
      %dma_start3A_131 = arith.constant 0 : i32
      %dma_start3A_132 = tpu.memref_slice %arg10[%dma_start3A_131] : memref<2048xf32, #tpu.memory_space<vmem>> -> memref<2000xf32, #tpu.memory_space<vmem>>
      %dma_start3A_133 = tpu.memref_slice %arg11[%add3A_110] : memref<1280000xf32, #tpu.memory_space<vmem_shared>> -> memref<2000xf32, #tpu.memory_space<vmem_shared>>
      %dma_start3A_134 = tpu.memref_slice %arg11[%add3A_110] : memref<1280000xf32, #tpu.memory_space<vmem_shared>> -> memref<2000xf32, #tpu.memory_space<vmem_shared>>
      %dma_start3A_135 = arith.constant 0 : i32
      %dma_start3A_136 = tpu.memref_slice %arg10[%dma_start3A_135] : memref<2048xf32, #tpu.memory_space<vmem>> -> memref<2000xf32, #tpu.memory_space<vmem>>
      tpu.enqueue_dma source(%dma_start3A_136 : memref<2000xf32, #tpu.memory_space<vmem>>) target(%dma_start3A_134 : memref<2000xf32, #tpu.memory_space<vmem_shared>>) target_semaphore(%run_scoped3A : memref<!tpu.dma_semaphore, #tpu.memory_space<semaphore_mem>>)
      %dma_wait3A_137 = arith.constant 0 : i32
      %dma_wait3A_138 = tpu.memref_slice %arg10[%dma_wait3A_137] : memref<2048xf32, #tpu.memory_space<vmem>> -> memref<2000xf32, #tpu.memory_space<vmem>>
      %dma_wait3A_139 = tpu.memref_slice %arg11[%add3A_110] : memref<1280000xf32, #tpu.memory_space<vmem_shared>> -> memref<2000xf32, #tpu.memory_space<vmem_shared>>
      %dma_wait3A_140 = tpu.memref_slice %arg11[%add3A_110] : memref<1280000xf32, #tpu.memory_space<vmem_shared>> -> memref<2000xf32, #tpu.memory_space<vmem_shared>>
      %dma_wait3A_141 = arith.constant 0 : i32
      %dma_wait3A_142 = tpu.memref_slice %arg10[%dma_wait3A_141] : memref<2048xf32, #tpu.memory_space<vmem>> -> memref<2000xf32, #tpu.memory_space<vmem>>
      tpu.wait_dma2 semaphore(%run_scoped3A : memref<!tpu.dma_semaphore, #tpu.memory_space<semaphore_mem>>) src(%dma_wait3A_142 : memref<2000xf32, #tpu.memory_space<vmem>>) dst(%dma_wait3A_140 : memref<2000xf32, #tpu.memory_space<vmem_shared>>)
      tpu.yield
    }) : () -> ()
    %add3A_111 = arith.constant 76000 : i32
    %add3A_112 = arith.addi %mul3A_34, %add3A_111 : i32
    "tpu.region"() ({
      %run_scoped3A = tpu.sem_alloc : memref<!tpu.dma_semaphore, #tpu.memory_space<semaphore_mem>>
      %dma_start3A_131 = arith.constant 0 : i32
      %dma_start3A_132 = tpu.memref_slice %arg10[%dma_start3A_131] : memref<2048xf32, #tpu.memory_space<vmem>> -> memref<2000xf32, #tpu.memory_space<vmem>>
      %dma_start3A_133 = tpu.memref_slice %arg11[%add3A_112] : memref<1280000xf32, #tpu.memory_space<vmem_shared>> -> memref<2000xf32, #tpu.memory_space<vmem_shared>>
      %dma_start3A_134 = tpu.memref_slice %arg11[%add3A_112] : memref<1280000xf32, #tpu.memory_space<vmem_shared>> -> memref<2000xf32, #tpu.memory_space<vmem_shared>>
      %dma_start3A_135 = arith.constant 0 : i32
      %dma_start3A_136 = tpu.memref_slice %arg10[%dma_start3A_135] : memref<2048xf32, #tpu.memory_space<vmem>> -> memref<2000xf32, #tpu.memory_space<vmem>>
      tpu.enqueue_dma source(%dma_start3A_136 : memref<2000xf32, #tpu.memory_space<vmem>>) target(%dma_start3A_134 : memref<2000xf32, #tpu.memory_space<vmem_shared>>) target_semaphore(%run_scoped3A : memref<!tpu.dma_semaphore, #tpu.memory_space<semaphore_mem>>)
      %dma_wait3A_137 = arith.constant 0 : i32
      %dma_wait3A_138 = tpu.memref_slice %arg10[%dma_wait3A_137] : memref<2048xf32, #tpu.memory_space<vmem>> -> memref<2000xf32, #tpu.memory_space<vmem>>
      %dma_wait3A_139 = tpu.memref_slice %arg11[%add3A_112] : memref<1280000xf32, #tpu.memory_space<vmem_shared>> -> memref<2000xf32, #tpu.memory_space<vmem_shared>>
      %dma_wait3A_140 = tpu.memref_slice %arg11[%add3A_112] : memref<1280000xf32, #tpu.memory_space<vmem_shared>> -> memref<2000xf32, #tpu.memory_space<vmem_shared>>
      %dma_wait3A_141 = arith.constant 0 : i32
      %dma_wait3A_142 = tpu.memref_slice %arg10[%dma_wait3A_141] : memref<2048xf32, #tpu.memory_space<vmem>> -> memref<2000xf32, #tpu.memory_space<vmem>>
      tpu.wait_dma2 semaphore(%run_scoped3A : memref<!tpu.dma_semaphore, #tpu.memory_space<semaphore_mem>>) src(%dma_wait3A_142 : memref<2000xf32, #tpu.memory_space<vmem>>) dst(%dma_wait3A_140 : memref<2000xf32, #tpu.memory_space<vmem_shared>>)
      tpu.yield
    }) : () -> ()
    %add3A_113 = arith.constant 78000 : i32
    %add3A_114 = arith.addi %mul3A_34, %add3A_113 : i32
    "tpu.region"() ({
      %run_scoped3A = tpu.sem_alloc : memref<!tpu.dma_semaphore, #tpu.memory_space<semaphore_mem>>
      %dma_start3A_131 = arith.constant 0 : i32
      %dma_start3A_132 = tpu.memref_slice %arg10[%dma_start3A_131] : memref<2048xf32, #tpu.memory_space<vmem>> -> memref<2000xf32, #tpu.memory_space<vmem>>
      %dma_start3A_133 = tpu.memref_slice %arg11[%add3A_114] : memref<1280000xf32, #tpu.memory_space<vmem_shared>> -> memref<2000xf32, #tpu.memory_space<vmem_shared>>
      %dma_start3A_134 = tpu.memref_slice %arg11[%add3A_114] : memref<1280000xf32, #tpu.memory_space<vmem_shared>> -> memref<2000xf32, #tpu.memory_space<vmem_shared>>
      %dma_start3A_135 = arith.constant 0 : i32
      %dma_start3A_136 = tpu.memref_slice %arg10[%dma_start3A_135] : memref<2048xf32, #tpu.memory_space<vmem>> -> memref<2000xf32, #tpu.memory_space<vmem>>
      tpu.enqueue_dma source(%dma_start3A_136 : memref<2000xf32, #tpu.memory_space<vmem>>) target(%dma_start3A_134 : memref<2000xf32, #tpu.memory_space<vmem_shared>>) target_semaphore(%run_scoped3A : memref<!tpu.dma_semaphore, #tpu.memory_space<semaphore_mem>>)
      %dma_wait3A_137 = arith.constant 0 : i32
      %dma_wait3A_138 = tpu.memref_slice %arg10[%dma_wait3A_137] : memref<2048xf32, #tpu.memory_space<vmem>> -> memref<2000xf32, #tpu.memory_space<vmem>>
      %dma_wait3A_139 = tpu.memref_slice %arg11[%add3A_114] : memref<1280000xf32, #tpu.memory_space<vmem_shared>> -> memref<2000xf32, #tpu.memory_space<vmem_shared>>
      %dma_wait3A_140 = tpu.memref_slice %arg11[%add3A_114] : memref<1280000xf32, #tpu.memory_space<vmem_shared>> -> memref<2000xf32, #tpu.memory_space<vmem_shared>>
      %dma_wait3A_141 = arith.constant 0 : i32
      %dma_wait3A_142 = tpu.memref_slice %arg10[%dma_wait3A_141] : memref<2048xf32, #tpu.memory_space<vmem>> -> memref<2000xf32, #tpu.memory_space<vmem>>
      tpu.wait_dma2 semaphore(%run_scoped3A : memref<!tpu.dma_semaphore, #tpu.memory_space<semaphore_mem>>) src(%dma_wait3A_142 : memref<2000xf32, #tpu.memory_space<vmem>>) dst(%dma_wait3A_140 : memref<2000xf32, #tpu.memory_space<vmem_shared>>)
      tpu.yield
    }) : () -> ()
    %dma_wait3A = tpu.memref_slice %arg2[%mul3A_2] : memref<640000xi32, #tpu.memory_space<hbm>> -> memref<10000xi32, #tpu.memory_space<hbm>>
    %dma_wait3A_115 = tpu.memref_slice %arg2[%mul3A_2] : memref<640000xi32, #tpu.memory_space<hbm>> -> memref<10000xi32, #tpu.memory_space<hbm>>
    tpu.wait_dma2 semaphore(%arg13 : memref<!tpu.dma_semaphore, #tpu.memory_space<semaphore_mem>>) src(%dma_wait3A_115 : memref<10000xi32, #tpu.memory_space<hbm>>) dst(%arg5 : memref<10000xi32, #tpu.memory_space<vmem>>)
    %dma_wait3A_116 = tpu.memref_slice %arg2[%add3A_7] : memref<640000xi32, #tpu.memory_space<hbm>> -> memref<10000xi32, #tpu.memory_space<hbm>>
    %dma_wait3A_117 = tpu.memref_slice %arg2[%add3A_7] : memref<640000xi32, #tpu.memory_space<hbm>> -> memref<10000xi32, #tpu.memory_space<hbm>>
    tpu.wait_dma2 semaphore(%arg13 : memref<!tpu.dma_semaphore, #tpu.memory_space<semaphore_mem>>) src(%dma_wait3A_117 : memref<10000xi32, #tpu.memory_space<hbm>>) dst(%arg6 : memref<10000xi32, #tpu.memory_space<vmem>>)
    tpu.wait_dma2 semaphore(%arg13 : memref<!tpu.dma_semaphore, #tpu.memory_space<semaphore_mem>>) src(%arg3 : memref<10000xi32, #tpu.memory_space<hbm>>) dst(%arg7 : memref<10000xi32, #tpu.memory_space<vmem>>)
    %scan3A_118 = arith.constant 0 : i32
    %scan3A_119 = arith.constant 0 : i32
    %scan3A_120 = arith.constant 125 : i32
    %scan3A_121 = arith.addi %scan3A_119, %scan3A_120 : i32
    %scan3A_122 = arith.constant 1 : i32
    scf.for %scan3A_131 = %scan3A_119 to %scan3A_121 step %scan3A_122  : i32 {
      %mul3A_132 = arith.constant 80 : i32
      %mul3A_133 = arith.muli %scan3A_131, %mul3A_132 : i32
      %add3A_134 = arith.constant 0 : i32
      %add3A_135 = arith.addi %mul3A_133, %add3A_134 : i32
      %get3A = arith.index_cast %add3A_135 : i32 to index
      %get3A_136 = tpu.vector_load %arg5[%get3A] {strides = array<i32>} : memref<10000xi32, #tpu.memory_space<vmem>>, vector<16xi32>,
      %gather3A = tpu.vector_load_idx %arg7[%get3A_136] : memref<10000xi32, #tpu.memory_space<vmem>>[vector<16xi32>], vector<16xi32>,
      %get3A_137 = arith.index_cast %add3A_135 : i32 to index
      %get3A_138 = tpu.vector_load %arg6[%get3A_137] {strides = array<i32>} : memref<10000xi32, #tpu.memory_space<vmem>>, vector<16xi32>,
      %mul3A_139 = arith.constant 128 : i32
      %mul3A_140 = vector.broadcast %mul3A_139 : i32 to vector<16xi32>
      %mul3A_141 = arith.muli %get3A_138, %mul3A_140 : vector<16xi32>
      %add3A_142 = arith.addi %mul3A_141, %gather3A : vector<16xi32>
      %swap3A_143 = arith.index_cast %scan3A_131 : i32 to index
      %swap3A_144 = arith.constant 0 : index
      %swap3A_145 = tpu.vector_load %arg8[%swap3A_143, %swap3A_144] {strides = array<i32>} : memref<125x80xi32, #tpu.memory_space<vmem>>, vector<16xi32>,
      tpu.vector_store %arg8[%swap3A_143, %swap3A_144], %add3A_142 {strides = array<i32>} : memref<125x80xi32, #tpu.memory_space<vmem>>, vector<16xi32>,
      %mul3A_146 = arith.constant 80 : i32
      %mul3A_147 = arith.muli %scan3A_131, %mul3A_146 : i32
      %add3A_148 = arith.constant 16 : i32
      %add3A_149 = arith.addi %mul3A_147, %add3A_148 : i32
      %get3A_150 = arith.index_cast %add3A_149 : i32 to index
      %get3A_151 = tpu.vector_load %arg5[%get3A_150] {strides = array<i32>} : memref<10000xi32, #tpu.memory_space<vmem>>, vector<16xi32>,
      %gather3A_152 = tpu.vector_load_idx %arg7[%get3A_151] : memref<10000xi32, #tpu.memory_space<vmem>>[vector<16xi32>], vector<16xi32>,
      %get3A_153 = arith.index_cast %add3A_149 : i32 to index
      %get3A_154 = tpu.vector_load %arg6[%get3A_153] {strides = array<i32>} : memref<10000xi32, #tpu.memory_space<vmem>>, vector<16xi32>,
      %mul3A_155 = arith.constant 128 : i32
      %mul3A_156 = vector.broadcast %mul3A_155 : i32 to vector<16xi32>
      %mul3A_157 = arith.muli %get3A_154, %mul3A_156 : vector<16xi32>
      %add3A_158 = arith.addi %mul3A_157, %gather3A_152 : vector<16xi32>
      %swap3A_159 = arith.index_cast %scan3A_131 : i32 to index
      %swap3A_160 = arith.constant 16 : index
      %swap3A_161 = tpu.vector_load %arg8[%swap3A_159, %swap3A_160] {strides = array<i32>} : memref<125x80xi32, #tpu.memory_space<vmem>>, vector<16xi32>,
      tpu.vector_store %arg8[%swap3A_159, %swap3A_160], %add3A_158 {strides = array<i32>} : memref<125x80xi32, #tpu.memory_space<vmem>>, vector<16xi32>,
      %mul3A_162 = arith.constant 80 : i32
      %mul3A_163 = arith.muli %scan3A_131, %mul3A_162 : i32
      %add3A_164 = arith.constant 32 : i32
      %add3A_165 = arith.addi %mul3A_163, %add3A_164 : i32
      %get3A_166 = arith.index_cast %add3A_165 : i32 to index
      %get3A_167 = tpu.vector_load %arg5[%get3A_166] {strides = array<i32>} : memref<10000xi32, #tpu.memory_space<vmem>>, vector<16xi32>,
      %gather3A_168 = tpu.vector_load_idx %arg7[%get3A_167] : memref<10000xi32, #tpu.memory_space<vmem>>[vector<16xi32>], vector<16xi32>,
      %get3A_169 = arith.index_cast %add3A_165 : i32 to index
      %get3A_170 = tpu.vector_load %arg6[%get3A_169] {strides = array<i32>} : memref<10000xi32, #tpu.memory_space<vmem>>, vector<16xi32>,
      %mul3A_171 = arith.constant 128 : i32
      %mul3A_172 = vector.broadcast %mul3A_171 : i32 to vector<16xi32>
      %mul3A_173 = arith.muli %get3A_170, %mul3A_172 : vector<16xi32>
      %add3A_174 = arith.addi %mul3A_173, %gather3A_168 : vector<16xi32>
      %swap3A_175 = arith.index_cast %scan3A_131 : i32 to index
      %swap3A_176 = arith.constant 32 : index
      %swap3A_177 = tpu.vector_load %arg8[%swap3A_175, %swap3A_176] {strides = array<i32>} : memref<125x80xi32, #tpu.memory_space<vmem>>, vector<16xi32>,
      tpu.vector_store %arg8[%swap3A_175, %swap3A_176], %add3A_174 {strides = array<i32>} : memref<125x80xi32, #tpu.memory_space<vmem>>, vector<16xi32>,
      %mul3A_178 = arith.constant 80 : i32
      %mul3A_179 = arith.muli %scan3A_131, %mul3A_178 : i32
      %add3A_180 = arith.constant 48 : i32
      %add3A_181 = arith.addi %mul3A_179, %add3A_180 : i32
      %get3A_182 = arith.index_cast %add3A_181 : i32 to index
      %get3A_183 = tpu.vector_load %arg5[%get3A_182] {strides = array<i32>} : memref<10000xi32, #tpu.memory_space<vmem>>, vector<16xi32>,
      %gather3A_184 = tpu.vector_load_idx %arg7[%get3A_183] : memref<10000xi32, #tpu.memory_space<vmem>>[vector<16xi32>], vector<16xi32>,
      %get3A_185 = arith.index_cast %add3A_181 : i32 to index
      %get3A_186 = tpu.vector_load %arg6[%get3A_185] {strides = array<i32>} : memref<10000xi32, #tpu.memory_space<vmem>>, vector<16xi32>,
      %mul3A_187 = arith.constant 128 : i32
      %mul3A_188 = vector.broadcast %mul3A_187 : i32 to vector<16xi32>
      %mul3A_189 = arith.muli %get3A_186, %mul3A_188 : vector<16xi32>
      %add3A_190 = arith.addi %mul3A_189, %gather3A_184 : vector<16xi32>
      %swap3A_191 = arith.index_cast %scan3A_131 : i32 to index
      %swap3A_192 = arith.constant 48 : index
      %swap3A_193 = tpu.vector_load %arg8[%swap3A_191, %swap3A_192] {strides = array<i32>} : memref<125x80xi32, #tpu.memory_space<vmem>>, vector<16xi32>,
      tpu.vector_store %arg8[%swap3A_191, %swap3A_192], %add3A_190 {strides = array<i32>} : memref<125x80xi32, #tpu.memory_space<vmem>>, vector<16xi32>,
      %mul3A_194 = arith.constant 80 : i32
      %mul3A_195 = arith.muli %scan3A_131, %mul3A_194 : i32
      %add3A_196 = arith.constant 64 : i32
      %add3A_197 = arith.addi %mul3A_195, %add3A_196 : i32
      %get3A_198 = arith.index_cast %add3A_197 : i32 to index
      %get3A_199 = tpu.vector_load %arg5[%get3A_198] {strides = array<i32>} : memref<10000xi32, #tpu.memory_space<vmem>>, vector<16xi32>,
      %gather3A_200 = tpu.vector_load_idx %arg7[%get3A_199] : memref<10000xi32, #tpu.memory_space<vmem>>[vector<16xi32>], vector<16xi32>,
      %get3A_201 = arith.index_cast %add3A_197 : i32 to index
      %get3A_202 = tpu.vector_load %arg6[%get3A_201] {strides = array<i32>} : memref<10000xi32, #tpu.memory_space<vmem>>, vector<16xi32>,
      %mul3A_203 = arith.constant 128 : i32
      %mul3A_204 = vector.broadcast %mul3A_203 : i32 to vector<16xi32>
      %mul3A_205 = arith.muli %get3A_202, %mul3A_204 : vector<16xi32>
      %add3A_206 = arith.addi %mul3A_205, %gather3A_200 : vector<16xi32>
      %swap3A_207 = arith.index_cast %scan3A_131 : i32 to index
      %swap3A_208 = arith.constant 64 : index
      %swap3A_209 = tpu.vector_load %arg8[%swap3A_207, %swap3A_208] {strides = array<i32>} : memref<125x80xi32, #tpu.memory_space<vmem>>, vector<16xi32>,
      tpu.vector_store %arg8[%swap3A_207, %swap3A_208], %add3A_206 {strides = array<i32>} : memref<125x80xi32, #tpu.memory_space<vmem>>, vector<16xi32>,
    }
    %scan3A_123 = arith.constant 125 : i32
    %barrier3A = arith.constant 0 : index
    tpu.barrier barrier_id(%barrier3A)
    %scan3A_124 = arith.constant 0 : i32
    %scan3A_125 = arith.constant 0 : i32
    %scan3A_126 = arith.constant 5 : i32
    %scan3A_127 = arith.addi %scan3A_125, %scan3A_126 : i32
    %scan3A_128 = arith.constant 1 : i32
    scf.for %scan3A_131 = %scan3A_125 to %scan3A_127 step %scan3A_128  : i32 {
      %mul3A_132 = arith.constant 25 : i32
      %mul3A_133 = arith.muli %scan3A_131, %mul3A_132 : i32
      %add3A_134 = arith.constant 0 : i32
      %add3A_135 = arith.addi %mul3A_133, %add3A_134 : i32
      %dma_start3A_136 = arith.constant 0 : i32
      %dma_start3A_137 = tpu.memref_slice %arg8[%add3A_135, %dma_start3A_136] : memref<125x80xi32, #tpu.memory_space<vmem>> -> memref<1x80xi32, #tpu.memory_space<vmem>>
      %dma_start3A_138 = tpu.memref_squeeze %dma_start3A_137 : memref<1x80xi32, #tpu.memory_space<vmem>> -> memref<80xi32, #tpu.memory_space<vmem>>
      %dma_start3A_139 = arith.constant 0 : i32
      %dma_start3A_140 = tpu.memref_slice %arg11[%dma_start3A_139] : memref<1280000xf32, #tpu.memory_space<vmem_shared>> -> memref<1280000xf32, #tpu.memory_space<vmem_shared>>
      tpu.enqueue_indirect_dma source(%arg9 : memref<80xf32, #tpu.memory_space<vmem>>) target(%dma_start3A_140 : memref<1280000xf32, #tpu.memory_space<vmem_shared>>) offsets(%dma_start3A_138 : memref<80xi32, #tpu.memory_space<vmem>>) semaphore(%arg12 : memref<!tpu.dma_semaphore, #tpu.memory_space<semaphore_mem>>) {add = true}
      %mul3A_141 = arith.constant 25 : i32
      %mul3A_142 = arith.muli %scan3A_131, %mul3A_141 : i32
      %add3A_143 = arith.constant 1 : i32
      %add3A_144 = arith.addi %mul3A_142, %add3A_143 : i32
      %dma_start3A_145 = arith.constant 0 : i32
      %dma_start3A_146 = tpu.memref_slice %arg8[%add3A_144, %dma_start3A_145] : memref<125x80xi32, #tpu.memory_space<vmem>> -> memref<1x80xi32, #tpu.memory_space<vmem>>
      %dma_start3A_147 = tpu.memref_squeeze %dma_start3A_146 : memref<1x80xi32, #tpu.memory_space<vmem>> -> memref<80xi32, #tpu.memory_space<vmem>>
      %dma_start3A_148 = arith.constant 0 : i32
      %dma_start3A_149 = tpu.memref_slice %arg11[%dma_start3A_148] : memref<1280000xf32, #tpu.memory_space<vmem_shared>> -> memref<1280000xf32, #tpu.memory_space<vmem_shared>>
      tpu.enqueue_indirect_dma source(%arg9 : memref<80xf32, #tpu.memory_space<vmem>>) target(%dma_start3A_149 : memref<1280000xf32, #tpu.memory_space<vmem_shared>>) offsets(%dma_start3A_147 : memref<80xi32, #tpu.memory_space<vmem>>) semaphore(%arg12 : memref<!tpu.dma_semaphore, #tpu.memory_space<semaphore_mem>>) {add = true}
      %mul3A_150 = arith.constant 25 : i32
      %mul3A_151 = arith.muli %scan3A_131, %mul3A_150 : i32
      %add3A_152 = arith.constant 2 : i32
      %add3A_153 = arith.addi %mul3A_151, %add3A_152 : i32
      %dma_start3A_154 = arith.constant 0 : i32
      %dma_start3A_155 = tpu.memref_slice %arg8[%add3A_153, %dma_start3A_154] : memref<125x80xi32, #tpu.memory_space<vmem>> -> memref<1x80xi32, #tpu.memory_space<vmem>>
      %dma_start3A_156 = tpu.memref_squeeze %dma_start3A_155 : memref<1x80xi32, #tpu.memory_space<vmem>> -> memref<80xi32, #tpu.memory_space<vmem>>
      %dma_start3A_157 = arith.constant 0 : i32
      %dma_start3A_158 = tpu.memref_slice %arg11[%dma_start3A_157] : memref<1280000xf32, #tpu.memory_space<vmem_shared>> -> memref<1280000xf32, #tpu.memory_space<vmem_shared>>
      tpu.enqueue_indirect_dma source(%arg9 : memref<80xf32, #tpu.memory_space<vmem>>) target(%dma_start3A_158 : memref<1280000xf32, #tpu.memory_space<vmem_shared>>) offsets(%dma_start3A_156 : memref<80xi32, #tpu.memory_space<vmem>>) semaphore(%arg12 : memref<!tpu.dma_semaphore, #tpu.memory_space<semaphore_mem>>) {add = true}
      %mul3A_159 = arith.constant 25 : i32
      %mul3A_160 = arith.muli %scan3A_131, %mul3A_159 : i32
      %add3A_161 = arith.constant 3 : i32
      %add3A_162 = arith.addi %mul3A_160, %add3A_161 : i32
      %dma_start3A_163 = arith.constant 0 : i32
      %dma_start3A_164 = tpu.memref_slice %arg8[%add3A_162, %dma_start3A_163] : memref<125x80xi32, #tpu.memory_space<vmem>> -> memref<1x80xi32, #tpu.memory_space<vmem>>
      %dma_start3A_165 = tpu.memref_squeeze %dma_start3A_164 : memref<1x80xi32, #tpu.memory_space<vmem>> -> memref<80xi32, #tpu.memory_space<vmem>>
      %dma_start3A_166 = arith.constant 0 : i32
      %dma_start3A_167 = tpu.memref_slice %arg11[%dma_start3A_166] : memref<1280000xf32, #tpu.memory_space<vmem_shared>> -> memref<1280000xf32, #tpu.memory_space<vmem_shared>>
      tpu.enqueue_indirect_dma source(%arg9 : memref<80xf32, #tpu.memory_space<vmem>>) target(%dma_start3A_167 : memref<1280000xf32, #tpu.memory_space<vmem_shared>>) offsets(%dma_start3A_165 : memref<80xi32, #tpu.memory_space<vmem>>) semaphore(%arg12 : memref<!tpu.dma_semaphore, #tpu.memory_space<semaphore_mem>>) {add = true}
      %mul3A_168 = arith.constant 25 : i32
      %mul3A_169 = arith.muli %scan3A_131, %mul3A_168 : i32
      %add3A_170 = arith.constant 4 : i32
      %add3A_171 = arith.addi %mul3A_169, %add3A_170 : i32
      %dma_start3A_172 = arith.constant 0 : i32
      %dma_start3A_173 = tpu.memref_slice %arg8[%add3A_171, %dma_start3A_172] : memref<125x80xi32, #tpu.memory_space<vmem>> -> memref<1x80xi32, #tpu.memory_space<vmem>>
      %dma_start3A_174 = tpu.memref_squeeze %dma_start3A_173 : memref<1x80xi32, #tpu.memory_space<vmem>> -> memref<80xi32, #tpu.memory_space<vmem>>
      %dma_start3A_175 = arith.constant 0 : i32
      %dma_start3A_176 = tpu.memref_slice %arg11[%dma_start3A_175] : memref<1280000xf32, #tpu.memory_space<vmem_shared>> -> memref<1280000xf32, #tpu.memory_space<vmem_shared>>
      tpu.enqueue_indirect_dma source(%arg9 : memref<80xf32, #tpu.memory_space<vmem>>) target(%dma_start3A_176 : memref<1280000xf32, #tpu.memory_space<vmem_shared>>) offsets(%dma_start3A_174 : memref<80xi32, #tpu.memory_space<vmem>>) semaphore(%arg12 : memref<!tpu.dma_semaphore, #tpu.memory_space<semaphore_mem>>) {add = true}
      %mul3A_177 = arith.constant 25 : i32
      %mul3A_178 = arith.muli %scan3A_131, %mul3A_177 : i32
      %add3A_179 = arith.constant 5 : i32
      %add3A_180 = arith.addi %mul3A_178, %add3A_179 : i32
      %dma_start3A_181 = arith.constant 0 : i32
      %dma_start3A_182 = tpu.memref_slice %arg8[%add3A_180, %dma_start3A_181] : memref<125x80xi32, #tpu.memory_space<vmem>> -> memref<1x80xi32, #tpu.memory_space<vmem>>
      %dma_start3A_183 = tpu.memref_squeeze %dma_start3A_182 : memref<1x80xi32, #tpu.memory_space<vmem>> -> memref<80xi32, #tpu.memory_space<vmem>>
      %dma_start3A_184 = arith.constant 0 : i32
      %dma_start3A_185 = tpu.memref_slice %arg11[%dma_start3A_184] : memref<1280000xf32, #tpu.memory_space<vmem_shared>> -> memref<1280000xf32, #tpu.memory_space<vmem_shared>>
      tpu.enqueue_indirect_dma source(%arg9 : memref<80xf32, #tpu.memory_space<vmem>>) target(%dma_start3A_185 : memref<1280000xf32, #tpu.memory_space<vmem_shared>>) offsets(%dma_start3A_183 : memref<80xi32, #tpu.memory_space<vmem>>) semaphore(%arg12 : memref<!tpu.dma_semaphore, #tpu.memory_space<semaphore_mem>>) {add = true}
      %mul3A_186 = arith.constant 25 : i32
      %mul3A_187 = arith.muli %scan3A_131, %mul3A_186 : i32
      %add3A_188 = arith.constant 6 : i32
      %add3A_189 = arith.addi %mul3A_187, %add3A_188 : i32
      %dma_start3A_190 = arith.constant 0 : i32
      %dma_start3A_191 = tpu.memref_slice %arg8[%add3A_189, %dma_start3A_190] : memref<125x80xi32, #tpu.memory_space<vmem>> -> memref<1x80xi32, #tpu.memory_space<vmem>>
      %dma_start3A_192 = tpu.memref_squeeze %dma_start3A_191 : memref<1x80xi32, #tpu.memory_space<vmem>> -> memref<80xi32, #tpu.memory_space<vmem>>
      %dma_start3A_193 = arith.constant 0 : i32
      %dma_start3A_194 = tpu.memref_slice %arg11[%dma_start3A_193] : memref<1280000xf32, #tpu.memory_space<vmem_shared>> -> memref<1280000xf32, #tpu.memory_space<vmem_shared>>
      tpu.enqueue_indirect_dma source(%arg9 : memref<80xf32, #tpu.memory_space<vmem>>) target(%dma_start3A_194 : memref<1280000xf32, #tpu.memory_space<vmem_shared>>) offsets(%dma_start3A_192 : memref<80xi32, #tpu.memory_space<vmem>>) semaphore(%arg12 : memref<!tpu.dma_semaphore, #tpu.memory_space<semaphore_mem>>) {add = true}
      %mul3A_195 = arith.constant 25 : i32
      %mul3A_196 = arith.muli %scan3A_131, %mul3A_195 : i32
      %add3A_197 = arith.constant 7 : i32
      %add3A_198 = arith.addi %mul3A_196, %add3A_197 : i32
      %dma_start3A_199 = arith.constant 0 : i32
      %dma_start3A_200 = tpu.memref_slice %arg8[%add3A_198, %dma_start3A_199] : memref<125x80xi32, #tpu.memory_space<vmem>> -> memref<1x80xi32, #tpu.memory_space<vmem>>
      %dma_start3A_201 = tpu.memref_squeeze %dma_start3A_200 : memref<1x80xi32, #tpu.memory_space<vmem>> -> memref<80xi32, #tpu.memory_space<vmem>>
      %dma_start3A_202 = arith.constant 0 : i32
      %dma_start3A_203 = tpu.memref_slice %arg11[%dma_start3A_202] : memref<1280000xf32, #tpu.memory_space<vmem_shared>> -> memref<1280000xf32, #tpu.memory_space<vmem_shared>>
      tpu.enqueue_indirect_dma source(%arg9 : memref<80xf32, #tpu.memory_space<vmem>>) target(%dma_start3A_203 : memref<1280000xf32, #tpu.memory_space<vmem_shared>>) offsets(%dma_start3A_201 : memref<80xi32, #tpu.memory_space<vmem>>) semaphore(%arg12 : memref<!tpu.dma_semaphore, #tpu.memory_space<semaphore_mem>>) {add = true}
      %mul3A_204 = arith.constant 25 : i32
      %mul3A_205 = arith.muli %scan3A_131, %mul3A_204 : i32
      %add3A_206 = arith.constant 8 : i32
      %add3A_207 = arith.addi %mul3A_205, %add3A_206 : i32
      %dma_start3A_208 = arith.constant 0 : i32
      %dma_start3A_209 = tpu.memref_slice %arg8[%add3A_207, %dma_start3A_208] : memref<125x80xi32, #tpu.memory_space<vmem>> -> memref<1x80xi32, #tpu.memory_space<vmem>>
      %dma_start3A_210 = tpu.memref_squeeze %dma_start3A_209 : memref<1x80xi32, #tpu.memory_space<vmem>> -> memref<80xi32, #tpu.memory_space<vmem>>
      %dma_start3A_211 = arith.constant 0 : i32
      %dma_start3A_212 = tpu.memref_slice %arg11[%dma_start3A_211] : memref<1280000xf32, #tpu.memory_space<vmem_shared>> -> memref<1280000xf32, #tpu.memory_space<vmem_shared>>
      tpu.enqueue_indirect_dma source(%arg9 : memref<80xf32, #tpu.memory_space<vmem>>) target(%dma_start3A_212 : memref<1280000xf32, #tpu.memory_space<vmem_shared>>) offsets(%dma_start3A_210 : memref<80xi32, #tpu.memory_space<vmem>>) semaphore(%arg12 : memref<!tpu.dma_semaphore, #tpu.memory_space<semaphore_mem>>) {add = true}
      %mul3A_213 = arith.constant 25 : i32
      %mul3A_214 = arith.muli %scan3A_131, %mul3A_213 : i32
      %add3A_215 = arith.constant 9 : i32
      %add3A_216 = arith.addi %mul3A_214, %add3A_215 : i32
      %dma_start3A_217 = arith.constant 0 : i32
      %dma_start3A_218 = tpu.memref_slice %arg8[%add3A_216, %dma_start3A_217] : memref<125x80xi32, #tpu.memory_space<vmem>> -> memref<1x80xi32, #tpu.memory_space<vmem>>
      %dma_start3A_219 = tpu.memref_squeeze %dma_start3A_218 : memref<1x80xi32, #tpu.memory_space<vmem>> -> memref<80xi32, #tpu.memory_space<vmem>>
      %dma_start3A_220 = arith.constant 0 : i32
      %dma_start3A_221 = tpu.memref_slice %arg11[%dma_start3A_220] : memref<1280000xf32, #tpu.memory_space<vmem_shared>> -> memref<1280000xf32, #tpu.memory_space<vmem_shared>>
      tpu.enqueue_indirect_dma source(%arg9 : memref<80xf32, #tpu.memory_space<vmem>>) target(%dma_start3A_221 : memref<1280000xf32, #tpu.memory_space<vmem_shared>>) offsets(%dma_start3A_219 : memref<80xi32, #tpu.memory_space<vmem>>) semaphore(%arg12 : memref<!tpu.dma_semaphore, #tpu.memory_space<semaphore_mem>>) {add = true}
      %mul3A_222 = arith.constant 25 : i32
      %mul3A_223 = arith.muli %scan3A_131, %mul3A_222 : i32
      %add3A_224 = arith.constant 10 : i32
      %add3A_225 = arith.addi %mul3A_223, %add3A_224 : i32
      %dma_start3A_226 = arith.constant 0 : i32
      %dma_start3A_227 = tpu.memref_slice %arg8[%add3A_225, %dma_start3A_226] : memref<125x80xi32, #tpu.memory_space<vmem>> -> memref<1x80xi32, #tpu.memory_space<vmem>>
      %dma_start3A_228 = tpu.memref_squeeze %dma_start3A_227 : memref<1x80xi32, #tpu.memory_space<vmem>> -> memref<80xi32, #tpu.memory_space<vmem>>
      %dma_start3A_229 = arith.constant 0 : i32
      %dma_start3A_230 = tpu.memref_slice %arg11[%dma_start3A_229] : memref<1280000xf32, #tpu.memory_space<vmem_shared>> -> memref<1280000xf32, #tpu.memory_space<vmem_shared>>
      tpu.enqueue_indirect_dma source(%arg9 : memref<80xf32, #tpu.memory_space<vmem>>) target(%dma_start3A_230 : memref<1280000xf32, #tpu.memory_space<vmem_shared>>) offsets(%dma_start3A_228 : memref<80xi32, #tpu.memory_space<vmem>>) semaphore(%arg12 : memref<!tpu.dma_semaphore, #tpu.memory_space<semaphore_mem>>) {add = true}
      %mul3A_231 = arith.constant 25 : i32
      %mul3A_232 = arith.muli %scan3A_131, %mul3A_231 : i32
      %add3A_233 = arith.constant 11 : i32
      %add3A_234 = arith.addi %mul3A_232, %add3A_233 : i32
      %dma_start3A_235 = arith.constant 0 : i32
      %dma_start3A_236 = tpu.memref_slice %arg8[%add3A_234, %dma_start3A_235] : memref<125x80xi32, #tpu.memory_space<vmem>> -> memref<1x80xi32, #tpu.memory_space<vmem>>
      %dma_start3A_237 = tpu.memref_squeeze %dma_start3A_236 : memref<1x80xi32, #tpu.memory_space<vmem>> -> memref<80xi32, #tpu.memory_space<vmem>>
      %dma_start3A_238 = arith.constant 0 : i32
      %dma_start3A_239 = tpu.memref_slice %arg11[%dma_start3A_238] : memref<1280000xf32, #tpu.memory_space<vmem_shared>> -> memref<1280000xf32, #tpu.memory_space<vmem_shared>>
      tpu.enqueue_indirect_dma source(%arg9 : memref<80xf32, #tpu.memory_space<vmem>>) target(%dma_start3A_239 : memref<1280000xf32, #tpu.memory_space<vmem_shared>>) offsets(%dma_start3A_237 : memref<80xi32, #tpu.memory_space<vmem>>) semaphore(%arg12 : memref<!tpu.dma_semaphore, #tpu.memory_space<semaphore_mem>>) {add = true}
      %mul3A_240 = arith.constant 25 : i32
      %mul3A_241 = arith.muli %scan3A_131, %mul3A_240 : i32
      %add3A_242 = arith.constant 12 : i32
      %add3A_243 = arith.addi %mul3A_241, %add3A_242 : i32
      %dma_start3A_244 = arith.constant 0 : i32
      %dma_start3A_245 = tpu.memref_slice %arg8[%add3A_243, %dma_start3A_244] : memref<125x80xi32, #tpu.memory_space<vmem>> -> memref<1x80xi32, #tpu.memory_space<vmem>>
      %dma_start3A_246 = tpu.memref_squeeze %dma_start3A_245 : memref<1x80xi32, #tpu.memory_space<vmem>> -> memref<80xi32, #tpu.memory_space<vmem>>
      %dma_start3A_247 = arith.constant 0 : i32
      %dma_start3A_248 = tpu.memref_slice %arg11[%dma_start3A_247] : memref<1280000xf32, #tpu.memory_space<vmem_shared>> -> memref<1280000xf32, #tpu.memory_space<vmem_shared>>
      tpu.enqueue_indirect_dma source(%arg9 : memref<80xf32, #tpu.memory_space<vmem>>) target(%dma_start3A_248 : memref<1280000xf32, #tpu.memory_space<vmem_shared>>) offsets(%dma_start3A_246 : memref<80xi32, #tpu.memory_space<vmem>>) semaphore(%arg12 : memref<!tpu.dma_semaphore, #tpu.memory_space<semaphore_mem>>) {add = true}
      %mul3A_249 = arith.constant 25 : i32
      %mul3A_250 = arith.muli %scan3A_131, %mul3A_249 : i32
      %add3A_251 = arith.constant 13 : i32
      %add3A_252 = arith.addi %mul3A_250, %add3A_251 : i32
      %dma_start3A_253 = arith.constant 0 : i32
      %dma_start3A_254 = tpu.memref_slice %arg8[%add3A_252, %dma_start3A_253] : memref<125x80xi32, #tpu.memory_space<vmem>> -> memref<1x80xi32, #tpu.memory_space<vmem>>
      %dma_start3A_255 = tpu.memref_squeeze %dma_start3A_254 : memref<1x80xi32, #tpu.memory_space<vmem>> -> memref<80xi32, #tpu.memory_space<vmem>>
      %dma_start3A_256 = arith.constant 0 : i32
      %dma_start3A_257 = tpu.memref_slice %arg11[%dma_start3A_256] : memref<1280000xf32, #tpu.memory_space<vmem_shared>> -> memref<1280000xf32, #tpu.memory_space<vmem_shared>>
      tpu.enqueue_indirect_dma source(%arg9 : memref<80xf32, #tpu.memory_space<vmem>>) target(%dma_start3A_257 : memref<1280000xf32, #tpu.memory_space<vmem_shared>>) offsets(%dma_start3A_255 : memref<80xi32, #tpu.memory_space<vmem>>) semaphore(%arg12 : memref<!tpu.dma_semaphore, #tpu.memory_space<semaphore_mem>>) {add = true}
      %mul3A_258 = arith.constant 25 : i32
      %mul3A_259 = arith.muli %scan3A_131, %mul3A_258 : i32
      %add3A_260 = arith.constant 14 : i32
      %add3A_261 = arith.addi %mul3A_259, %add3A_260 : i32
      %dma_start3A_262 = arith.constant 0 : i32
      %dma_start3A_263 = tpu.memref_slice %arg8[%add3A_261, %dma_start3A_262] : memref<125x80xi32, #tpu.memory_space<vmem>> -> memref<1x80xi32, #tpu.memory_space<vmem>>
      %dma_start3A_264 = tpu.memref_squeeze %dma_start3A_263 : memref<1x80xi32, #tpu.memory_space<vmem>> -> memref<80xi32, #tpu.memory_space<vmem>>
      %dma_start3A_265 = arith.constant 0 : i32
      %dma_start3A_266 = tpu.memref_slice %arg11[%dma_start3A_265] : memref<1280000xf32, #tpu.memory_space<vmem_shared>> -> memref<1280000xf32, #tpu.memory_space<vmem_shared>>
      tpu.enqueue_indirect_dma source(%arg9 : memref<80xf32, #tpu.memory_space<vmem>>) target(%dma_start3A_266 : memref<1280000xf32, #tpu.memory_space<vmem_shared>>) offsets(%dma_start3A_264 : memref<80xi32, #tpu.memory_space<vmem>>) semaphore(%arg12 : memref<!tpu.dma_semaphore, #tpu.memory_space<semaphore_mem>>) {add = true}
      %mul3A_267 = arith.constant 25 : i32
      %mul3A_268 = arith.muli %scan3A_131, %mul3A_267 : i32
      %add3A_269 = arith.constant 15 : i32
      %add3A_270 = arith.addi %mul3A_268, %add3A_269 : i32
      %dma_start3A_271 = arith.constant 0 : i32
      %dma_start3A_272 = tpu.memref_slice %arg8[%add3A_270, %dma_start3A_271] : memref<125x80xi32, #tpu.memory_space<vmem>> -> memref<1x80xi32, #tpu.memory_space<vmem>>
      %dma_start3A_273 = tpu.memref_squeeze %dma_start3A_272 : memref<1x80xi32, #tpu.memory_space<vmem>> -> memref<80xi32, #tpu.memory_space<vmem>>
      %dma_start3A_274 = arith.constant 0 : i32
      %dma_start3A_275 = tpu.memref_slice %arg11[%dma_start3A_274] : memref<1280000xf32, #tpu.memory_space<vmem_shared>> -> memref<1280000xf32, #tpu.memory_space<vmem_shared>>
      tpu.enqueue_indirect_dma source(%arg9 : memref<80xf32, #tpu.memory_space<vmem>>) target(%dma_start3A_275 : memref<1280000xf32, #tpu.memory_space<vmem_shared>>) offsets(%dma_start3A_273 : memref<80xi32, #tpu.memory_space<vmem>>) semaphore(%arg12 : memref<!tpu.dma_semaphore, #tpu.memory_space<semaphore_mem>>) {add = true}
      %mul3A_276 = arith.constant 25 : i32
      %mul3A_277 = arith.muli %scan3A_131, %mul3A_276 : i32
      %add3A_278 = arith.constant 16 : i32
      %add3A_279 = arith.addi %mul3A_277, %add3A_278 : i32
      %dma_start3A_280 = arith.constant 0 : i32
      %dma_start3A_281 = tpu.memref_slice %arg8[%add3A_279, %dma_start3A_280] : memref<125x80xi32, #tpu.memory_space<vmem>> -> memref<1x80xi32, #tpu.memory_space<vmem>>
      %dma_start3A_282 = tpu.memref_squeeze %dma_start3A_281 : memref<1x80xi32, #tpu.memory_space<vmem>> -> memref<80xi32, #tpu.memory_space<vmem>>
      %dma_start3A_283 = arith.constant 0 : i32
      %dma_start3A_284 = tpu.memref_slice %arg11[%dma_start3A_283] : memref<1280000xf32, #tpu.memory_space<vmem_shared>> -> memref<1280000xf32, #tpu.memory_space<vmem_shared>>
      tpu.enqueue_indirect_dma source(%arg9 : memref<80xf32, #tpu.memory_space<vmem>>) target(%dma_start3A_284 : memref<1280000xf32, #tpu.memory_space<vmem_shared>>) offsets(%dma_start3A_282 : memref<80xi32, #tpu.memory_space<vmem>>) semaphore(%arg12 : memref<!tpu.dma_semaphore, #tpu.memory_space<semaphore_mem>>) {add = true}
      %mul3A_285 = arith.constant 25 : i32
      %mul3A_286 = arith.muli %scan3A_131, %mul3A_285 : i32
      %add3A_287 = arith.constant 17 : i32
      %add3A_288 = arith.addi %mul3A_286, %add3A_287 : i32
      %dma_start3A_289 = arith.constant 0 : i32
      %dma_start3A_290 = tpu.memref_slice %arg8[%add3A_288, %dma_start3A_289] : memref<125x80xi32, #tpu.memory_space<vmem>> -> memref<1x80xi32, #tpu.memory_space<vmem>>
      %dma_start3A_291 = tpu.memref_squeeze %dma_start3A_290 : memref<1x80xi32, #tpu.memory_space<vmem>> -> memref<80xi32, #tpu.memory_space<vmem>>
      %dma_start3A_292 = arith.constant 0 : i32
      %dma_start3A_293 = tpu.memref_slice %arg11[%dma_start3A_292] : memref<1280000xf32, #tpu.memory_space<vmem_shared>> -> memref<1280000xf32, #tpu.memory_space<vmem_shared>>
      tpu.enqueue_indirect_dma source(%arg9 : memref<80xf32, #tpu.memory_space<vmem>>) target(%dma_start3A_293 : memref<1280000xf32, #tpu.memory_space<vmem_shared>>) offsets(%dma_start3A_291 : memref<80xi32, #tpu.memory_space<vmem>>) semaphore(%arg12 : memref<!tpu.dma_semaphore, #tpu.memory_space<semaphore_mem>>) {add = true}
      %mul3A_294 = arith.constant 25 : i32
      %mul3A_295 = arith.muli %scan3A_131, %mul3A_294 : i32
      %add3A_296 = arith.constant 18 : i32
      %add3A_297 = arith.addi %mul3A_295, %add3A_296 : i32
      %dma_start3A_298 = arith.constant 0 : i32
      %dma_start3A_299 = tpu.memref_slice %arg8[%add3A_297, %dma_start3A_298] : memref<125x80xi32, #tpu.memory_space<vmem>> -> memref<1x80xi32, #tpu.memory_space<vmem>>
      %dma_start3A_300 = tpu.memref_squeeze %dma_start3A_299 : memref<1x80xi32, #tpu.memory_space<vmem>> -> memref<80xi32, #tpu.memory_space<vmem>>
      %dma_start3A_301 = arith.constant 0 : i32
      %dma_start3A_302 = tpu.memref_slice %arg11[%dma_start3A_301] : memref<1280000xf32, #tpu.memory_space<vmem_shared>> -> memref<1280000xf32, #tpu.memory_space<vmem_shared>>
      tpu.enqueue_indirect_dma source(%arg9 : memref<80xf32, #tpu.memory_space<vmem>>) target(%dma_start3A_302 : memref<1280000xf32, #tpu.memory_space<vmem_shared>>) offsets(%dma_start3A_300 : memref<80xi32, #tpu.memory_space<vmem>>) semaphore(%arg12 : memref<!tpu.dma_semaphore, #tpu.memory_space<semaphore_mem>>) {add = true}
      %mul3A_303 = arith.constant 25 : i32
      %mul3A_304 = arith.muli %scan3A_131, %mul3A_303 : i32
      %add3A_305 = arith.constant 19 : i32
      %add3A_306 = arith.addi %mul3A_304, %add3A_305 : i32
      %dma_start3A_307 = arith.constant 0 : i32
      %dma_start3A_308 = tpu.memref_slice %arg8[%add3A_306, %dma_start3A_307] : memref<125x80xi32, #tpu.memory_space<vmem>> -> memref<1x80xi32, #tpu.memory_space<vmem>>
      %dma_start3A_309 = tpu.memref_squeeze %dma_start3A_308 : memref<1x80xi32, #tpu.memory_space<vmem>> -> memref<80xi32, #tpu.memory_space<vmem>>
      %dma_start3A_310 = arith.constant 0 : i32
      %dma_start3A_311 = tpu.memref_slice %arg11[%dma_start3A_310] : memref<1280000xf32, #tpu.memory_space<vmem_shared>> -> memref<1280000xf32, #tpu.memory_space<vmem_shared>>
      tpu.enqueue_indirect_dma source(%arg9 : memref<80xf32, #tpu.memory_space<vmem>>) target(%dma_start3A_311 : memref<1280000xf32, #tpu.memory_space<vmem_shared>>) offsets(%dma_start3A_309 : memref<80xi32, #tpu.memory_space<vmem>>) semaphore(%arg12 : memref<!tpu.dma_semaphore, #tpu.memory_space<semaphore_mem>>) {add = true}
      %mul3A_312 = arith.constant 25 : i32
      %mul3A_313 = arith.muli %scan3A_131, %mul3A_312 : i32
      %add3A_314 = arith.constant 20 : i32
      %add3A_315 = arith.addi %mul3A_313, %add3A_314 : i32
      %dma_start3A_316 = arith.constant 0 : i32
      %dma_start3A_317 = tpu.memref_slice %arg8[%add3A_315, %dma_start3A_316] : memref<125x80xi32, #tpu.memory_space<vmem>> -> memref<1x80xi32, #tpu.memory_space<vmem>>
      %dma_start3A_318 = tpu.memref_squeeze %dma_start3A_317 : memref<1x80xi32, #tpu.memory_space<vmem>> -> memref<80xi32, #tpu.memory_space<vmem>>
      %dma_start3A_319 = arith.constant 0 : i32
      %dma_start3A_320 = tpu.memref_slice %arg11[%dma_start3A_319] : memref<1280000xf32, #tpu.memory_space<vmem_shared>> -> memref<1280000xf32, #tpu.memory_space<vmem_shared>>
      tpu.enqueue_indirect_dma source(%arg9 : memref<80xf32, #tpu.memory_space<vmem>>) target(%dma_start3A_320 : memref<1280000xf32, #tpu.memory_space<vmem_shared>>) offsets(%dma_start3A_318 : memref<80xi32, #tpu.memory_space<vmem>>) semaphore(%arg12 : memref<!tpu.dma_semaphore, #tpu.memory_space<semaphore_mem>>) {add = true}
      %mul3A_321 = arith.constant 25 : i32
      %mul3A_322 = arith.muli %scan3A_131, %mul3A_321 : i32
      %add3A_323 = arith.constant 21 : i32
      %add3A_324 = arith.addi %mul3A_322, %add3A_323 : i32
      %dma_start3A_325 = arith.constant 0 : i32
      %dma_start3A_326 = tpu.memref_slice %arg8[%add3A_324, %dma_start3A_325] : memref<125x80xi32, #tpu.memory_space<vmem>> -> memref<1x80xi32, #tpu.memory_space<vmem>>
      %dma_start3A_327 = tpu.memref_squeeze %dma_start3A_326 : memref<1x80xi32, #tpu.memory_space<vmem>> -> memref<80xi32, #tpu.memory_space<vmem>>
      %dma_start3A_328 = arith.constant 0 : i32
      %dma_start3A_329 = tpu.memref_slice %arg11[%dma_start3A_328] : memref<1280000xf32, #tpu.memory_space<vmem_shared>> -> memref<1280000xf32, #tpu.memory_space<vmem_shared>>
      tpu.enqueue_indirect_dma source(%arg9 : memref<80xf32, #tpu.memory_space<vmem>>) target(%dma_start3A_329 : memref<1280000xf32, #tpu.memory_space<vmem_shared>>) offsets(%dma_start3A_327 : memref<80xi32, #tpu.memory_space<vmem>>) semaphore(%arg12 : memref<!tpu.dma_semaphore, #tpu.memory_space<semaphore_mem>>) {add = true}
      %mul3A_330 = arith.constant 25 : i32
      %mul3A_331 = arith.muli %scan3A_131, %mul3A_330 : i32
      %add3A_332 = arith.constant 22 : i32
      %add3A_333 = arith.addi %mul3A_331, %add3A_332 : i32
      %dma_start3A_334 = arith.constant 0 : i32
      %dma_start3A_335 = tpu.memref_slice %arg8[%add3A_333, %dma_start3A_334] : memref<125x80xi32, #tpu.memory_space<vmem>> -> memref<1x80xi32, #tpu.memory_space<vmem>>
      %dma_start3A_336 = tpu.memref_squeeze %dma_start3A_335 : memref<1x80xi32, #tpu.memory_space<vmem>> -> memref<80xi32, #tpu.memory_space<vmem>>
      %dma_start3A_337 = arith.constant 0 : i32
      %dma_start3A_338 = tpu.memref_slice %arg11[%dma_start3A_337] : memref<1280000xf32, #tpu.memory_space<vmem_shared>> -> memref<1280000xf32, #tpu.memory_space<vmem_shared>>
      tpu.enqueue_indirect_dma source(%arg9 : memref<80xf32, #tpu.memory_space<vmem>>) target(%dma_start3A_338 : memref<1280000xf32, #tpu.memory_space<vmem_shared>>) offsets(%dma_start3A_336 : memref<80xi32, #tpu.memory_space<vmem>>) semaphore(%arg12 : memref<!tpu.dma_semaphore, #tpu.memory_space<semaphore_mem>>) {add = true}
      %mul3A_339 = arith.constant 25 : i32
      %mul3A_340 = arith.muli %scan3A_131, %mul3A_339 : i32
      %add3A_341 = arith.constant 23 : i32
      %add3A_342 = arith.addi %mul3A_340, %add3A_341 : i32
      %dma_start3A_343 = arith.constant 0 : i32
      %dma_start3A_344 = tpu.memref_slice %arg8[%add3A_342, %dma_start3A_343] : memref<125x80xi32, #tpu.memory_space<vmem>> -> memref<1x80xi32, #tpu.memory_space<vmem>>
      %dma_start3A_345 = tpu.memref_squeeze %dma_start3A_344 : memref<1x80xi32, #tpu.memory_space<vmem>> -> memref<80xi32, #tpu.memory_space<vmem>>
      %dma_start3A_346 = arith.constant 0 : i32
      %dma_start3A_347 = tpu.memref_slice %arg11[%dma_start3A_346] : memref<1280000xf32, #tpu.memory_space<vmem_shared>> -> memref<1280000xf32, #tpu.memory_space<vmem_shared>>
      tpu.enqueue_indirect_dma source(%arg9 : memref<80xf32, #tpu.memory_space<vmem>>) target(%dma_start3A_347 : memref<1280000xf32, #tpu.memory_space<vmem_shared>>) offsets(%dma_start3A_345 : memref<80xi32, #tpu.memory_space<vmem>>) semaphore(%arg12 : memref<!tpu.dma_semaphore, #tpu.memory_space<semaphore_mem>>) {add = true}
      %mul3A_348 = arith.constant 25 : i32
      %mul3A_349 = arith.muli %scan3A_131, %mul3A_348 : i32
      %add3A_350 = arith.constant 24 : i32
      %add3A_351 = arith.addi %mul3A_349, %add3A_350 : i32
      %dma_start3A_352 = arith.constant 0 : i32
      %dma_start3A_353 = tpu.memref_slice %arg8[%add3A_351, %dma_start3A_352] : memref<125x80xi32, #tpu.memory_space<vmem>> -> memref<1x80xi32, #tpu.memory_space<vmem>>
      %dma_start3A_354 = tpu.memref_squeeze %dma_start3A_353 : memref<1x80xi32, #tpu.memory_space<vmem>> -> memref<80xi32, #tpu.memory_space<vmem>>
      %dma_start3A_355 = arith.constant 0 : i32
      %dma_start3A_356 = tpu.memref_slice %arg11[%dma_start3A_355] : memref<1280000xf32, #tpu.memory_space<vmem_shared>> -> memref<1280000xf32, #tpu.memory_space<vmem_shared>>
      tpu.enqueue_indirect_dma source(%arg9 : memref<80xf32, #tpu.memory_space<vmem>>) target(%dma_start3A_356 : memref<1280000xf32, #tpu.memory_space<vmem_shared>>) offsets(%dma_start3A_354 : memref<80xi32, #tpu.memory_space<vmem>>) semaphore(%arg12 : memref<!tpu.dma_semaphore, #tpu.memory_space<semaphore_mem>>) {add = true}
      %dma_wait3A_357 = arith.constant 0 : i32
      %dma_wait3A_358 = tpu.memref_slice %arg8[%add3A_135, %dma_wait3A_357] : memref<125x80xi32, #tpu.memory_space<vmem>> -> memref<1x80xi32, #tpu.memory_space<vmem>>
      %dma_wait3A_359 = tpu.memref_squeeze %dma_wait3A_358 : memref<1x80xi32, #tpu.memory_space<vmem>> -> memref<80xi32, #tpu.memory_space<vmem>>
      %dma_wait3A_360 = arith.constant 0 : i32
      %dma_wait3A_361 = tpu.memref_slice %arg11[%dma_wait3A_360] : memref<1280000xf32, #tpu.memory_space<vmem_shared>> -> memref<1280000xf32, #tpu.memory_space<vmem_shared>>
      tpu.wait_indirect_dma semaphore(%arg12 : memref<!tpu.dma_semaphore, #tpu.memory_space<semaphore_mem>>) src(%arg9 : memref<80xf32, #tpu.memory_space<vmem>>) dst(%dma_wait3A_361 : memref<1280000xf32, #tpu.memory_space<vmem_shared>>)
      %dma_wait3A_362 = arith.constant 0 : i32
      %dma_wait3A_363 = tpu.memref_slice %arg8[%add3A_144, %dma_wait3A_362] : memref<125x80xi32, #tpu.memory_space<vmem>> -> memref<1x80xi32, #tpu.memory_space<vmem>>
      %dma_wait3A_364 = tpu.memref_squeeze %dma_wait3A_363 : memref<1x80xi32, #tpu.memory_space<vmem>> -> memref<80xi32, #tpu.memory_space<vmem>>
      %dma_wait3A_365 = arith.constant 0 : i32
      %dma_wait3A_366 = tpu.memref_slice %arg11[%dma_wait3A_365] : memref<1280000xf32, #tpu.memory_space<vmem_shared>> -> memref<1280000xf32, #tpu.memory_space<vmem_shared>>
      tpu.wait_indirect_dma semaphore(%arg12 : memref<!tpu.dma_semaphore, #tpu.memory_space<semaphore_mem>>) src(%arg9 : memref<80xf32, #tpu.memory_space<vmem>>) dst(%dma_wait3A_366 : memref<1280000xf32, #tpu.memory_space<vmem_shared>>)
      %dma_wait3A_367 = arith.constant 0 : i32
      %dma_wait3A_368 = tpu.memref_slice %arg8[%add3A_153, %dma_wait3A_367] : memref<125x80xi32, #tpu.memory_space<vmem>> -> memref<1x80xi32, #tpu.memory_space<vmem>>
      %dma_wait3A_369 = tpu.memref_squeeze %dma_wait3A_368 : memref<1x80xi32, #tpu.memory_space<vmem>> -> memref<80xi32, #tpu.memory_space<vmem>>
      %dma_wait3A_370 = arith.constant 0 : i32
      %dma_wait3A_371 = tpu.memref_slice %arg11[%dma_wait3A_370] : memref<1280000xf32, #tpu.memory_space<vmem_shared>> -> memref<1280000xf32, #tpu.memory_space<vmem_shared>>
      tpu.wait_indirect_dma semaphore(%arg12 : memref<!tpu.dma_semaphore, #tpu.memory_space<semaphore_mem>>) src(%arg9 : memref<80xf32, #tpu.memory_space<vmem>>) dst(%dma_wait3A_371 : memref<1280000xf32, #tpu.memory_space<vmem_shared>>)
      %dma_wait3A_372 = arith.constant 0 : i32
      %dma_wait3A_373 = tpu.memref_slice %arg8[%add3A_162, %dma_wait3A_372] : memref<125x80xi32, #tpu.memory_space<vmem>> -> memref<1x80xi32, #tpu.memory_space<vmem>>
      %dma_wait3A_374 = tpu.memref_squeeze %dma_wait3A_373 : memref<1x80xi32, #tpu.memory_space<vmem>> -> memref<80xi32, #tpu.memory_space<vmem>>
      %dma_wait3A_375 = arith.constant 0 : i32
      %dma_wait3A_376 = tpu.memref_slice %arg11[%dma_wait3A_375] : memref<1280000xf32, #tpu.memory_space<vmem_shared>> -> memref<1280000xf32, #tpu.memory_space<vmem_shared>>
      tpu.wait_indirect_dma semaphore(%arg12 : memref<!tpu.dma_semaphore, #tpu.memory_space<semaphore_mem>>) src(%arg9 : memref<80xf32, #tpu.memory_space<vmem>>) dst(%dma_wait3A_376 : memref<1280000xf32, #tpu.memory_space<vmem_shared>>)
      %dma_wait3A_377 = arith.constant 0 : i32
      %dma_wait3A_378 = tpu.memref_slice %arg8[%add3A_171, %dma_wait3A_377] : memref<125x80xi32, #tpu.memory_space<vmem>> -> memref<1x80xi32, #tpu.memory_space<vmem>>
      %dma_wait3A_379 = tpu.memref_squeeze %dma_wait3A_378 : memref<1x80xi32, #tpu.memory_space<vmem>> -> memref<80xi32, #tpu.memory_space<vmem>>
      %dma_wait3A_380 = arith.constant 0 : i32
      %dma_wait3A_381 = tpu.memref_slice %arg11[%dma_wait3A_380] : memref<1280000xf32, #tpu.memory_space<vmem_shared>> -> memref<1280000xf32, #tpu.memory_space<vmem_shared>>
      tpu.wait_indirect_dma semaphore(%arg12 : memref<!tpu.dma_semaphore, #tpu.memory_space<semaphore_mem>>) src(%arg9 : memref<80xf32, #tpu.memory_space<vmem>>) dst(%dma_wait3A_381 : memref<1280000xf32, #tpu.memory_space<vmem_shared>>)
      %dma_wait3A_382 = arith.constant 0 : i32
      %dma_wait3A_383 = tpu.memref_slice %arg8[%add3A_180, %dma_wait3A_382] : memref<125x80xi32, #tpu.memory_space<vmem>> -> memref<1x80xi32, #tpu.memory_space<vmem>>
      %dma_wait3A_384 = tpu.memref_squeeze %dma_wait3A_383 : memref<1x80xi32, #tpu.memory_space<vmem>> -> memref<80xi32, #tpu.memory_space<vmem>>
      %dma_wait3A_385 = arith.constant 0 : i32
      %dma_wait3A_386 = tpu.memref_slice %arg11[%dma_wait3A_385] : memref<1280000xf32, #tpu.memory_space<vmem_shared>> -> memref<1280000xf32, #tpu.memory_space<vmem_shared>>
      tpu.wait_indirect_dma semaphore(%arg12 : memref<!tpu.dma_semaphore, #tpu.memory_space<semaphore_mem>>) src(%arg9 : memref<80xf32, #tpu.memory_space<vmem>>) dst(%dma_wait3A_386 : memref<1280000xf32, #tpu.memory_space<vmem_shared>>)
      %dma_wait3A_387 = arith.constant 0 : i32
      %dma_wait3A_388 = tpu.memref_slice %arg8[%add3A_189, %dma_wait3A_387] : memref<125x80xi32, #tpu.memory_space<vmem>> -> memref<1x80xi32, #tpu.memory_space<vmem>>
      %dma_wait3A_389 = tpu.memref_squeeze %dma_wait3A_388 : memref<1x80xi32, #tpu.memory_space<vmem>> -> memref<80xi32, #tpu.memory_space<vmem>>
      %dma_wait3A_390 = arith.constant 0 : i32
      %dma_wait3A_391 = tpu.memref_slice %arg11[%dma_wait3A_390] : memref<1280000xf32, #tpu.memory_space<vmem_shared>> -> memref<1280000xf32, #tpu.memory_space<vmem_shared>>
      tpu.wait_indirect_dma semaphore(%arg12 : memref<!tpu.dma_semaphore, #tpu.memory_space<semaphore_mem>>) src(%arg9 : memref<80xf32, #tpu.memory_space<vmem>>) dst(%dma_wait3A_391 : memref<1280000xf32, #tpu.memory_space<vmem_shared>>)
      %dma_wait3A_392 = arith.constant 0 : i32
      %dma_wait3A_393 = tpu.memref_slice %arg8[%add3A_198, %dma_wait3A_392] : memref<125x80xi32, #tpu.memory_space<vmem>> -> memref<1x80xi32, #tpu.memory_space<vmem>>
      %dma_wait3A_394 = tpu.memref_squeeze %dma_wait3A_393 : memref<1x80xi32, #tpu.memory_space<vmem>> -> memref<80xi32, #tpu.memory_space<vmem>>
      %dma_wait3A_395 = arith.constant 0 : i32
      %dma_wait3A_396 = tpu.memref_slice %arg11[%dma_wait3A_395] : memref<1280000xf32, #tpu.memory_space<vmem_shared>> -> memref<1280000xf32, #tpu.memory_space<vmem_shared>>
      tpu.wait_indirect_dma semaphore(%arg12 : memref<!tpu.dma_semaphore, #tpu.memory_space<semaphore_mem>>) src(%arg9 : memref<80xf32, #tpu.memory_space<vmem>>) dst(%dma_wait3A_396 : memref<1280000xf32, #tpu.memory_space<vmem_shared>>)
      %dma_wait3A_397 = arith.constant 0 : i32
      %dma_wait3A_398 = tpu.memref_slice %arg8[%add3A_207, %dma_wait3A_397] : memref<125x80xi32, #tpu.memory_space<vmem>> -> memref<1x80xi32, #tpu.memory_space<vmem>>
      %dma_wait3A_399 = tpu.memref_squeeze %dma_wait3A_398 : memref<1x80xi32, #tpu.memory_space<vmem>> -> memref<80xi32, #tpu.memory_space<vmem>>
      %dma_wait3A_400 = arith.constant 0 : i32
      %dma_wait3A_401 = tpu.memref_slice %arg11[%dma_wait3A_400] : memref<1280000xf32, #tpu.memory_space<vmem_shared>> -> memref<1280000xf32, #tpu.memory_space<vmem_shared>>
      tpu.wait_indirect_dma semaphore(%arg12 : memref<!tpu.dma_semaphore, #tpu.memory_space<semaphore_mem>>) src(%arg9 : memref<80xf32, #tpu.memory_space<vmem>>) dst(%dma_wait3A_401 : memref<1280000xf32, #tpu.memory_space<vmem_shared>>)
      %dma_wait3A_402 = arith.constant 0 : i32
      %dma_wait3A_403 = tpu.memref_slice %arg8[%add3A_216, %dma_wait3A_402] : memref<125x80xi32, #tpu.memory_space<vmem>> -> memref<1x80xi32, #tpu.memory_space<vmem>>
      %dma_wait3A_404 = tpu.memref_squeeze %dma_wait3A_403 : memref<1x80xi32, #tpu.memory_space<vmem>> -> memref<80xi32, #tpu.memory_space<vmem>>
      %dma_wait3A_405 = arith.constant 0 : i32
      %dma_wait3A_406 = tpu.memref_slice %arg11[%dma_wait3A_405] : memref<1280000xf32, #tpu.memory_space<vmem_shared>> -> memref<1280000xf32, #tpu.memory_space<vmem_shared>>
      tpu.wait_indirect_dma semaphore(%arg12 : memref<!tpu.dma_semaphore, #tpu.memory_space<semaphore_mem>>) src(%arg9 : memref<80xf32, #tpu.memory_space<vmem>>) dst(%dma_wait3A_406 : memref<1280000xf32, #tpu.memory_space<vmem_shared>>)
      %dma_wait3A_407 = arith.constant 0 : i32
      %dma_wait3A_408 = tpu.memref_slice %arg8[%add3A_225, %dma_wait3A_407] : memref<125x80xi32, #tpu.memory_space<vmem>> -> memref<1x80xi32, #tpu.memory_space<vmem>>
      %dma_wait3A_409 = tpu.memref_squeeze %dma_wait3A_408 : memref<1x80xi32, #tpu.memory_space<vmem>> -> memref<80xi32, #tpu.memory_space<vmem>>
      %dma_wait3A_410 = arith.constant 0 : i32
      %dma_wait3A_411 = tpu.memref_slice %arg11[%dma_wait3A_410] : memref<1280000xf32, #tpu.memory_space<vmem_shared>> -> memref<1280000xf32, #tpu.memory_space<vmem_shared>>
      tpu.wait_indirect_dma semaphore(%arg12 : memref<!tpu.dma_semaphore, #tpu.memory_space<semaphore_mem>>) src(%arg9 : memref<80xf32, #tpu.memory_space<vmem>>) dst(%dma_wait3A_411 : memref<1280000xf32, #tpu.memory_space<vmem_shared>>)
      %dma_wait3A_412 = arith.constant 0 : i32
      %dma_wait3A_413 = tpu.memref_slice %arg8[%add3A_234, %dma_wait3A_412] : memref<125x80xi32, #tpu.memory_space<vmem>> -> memref<1x80xi32, #tpu.memory_space<vmem>>
      %dma_wait3A_414 = tpu.memref_squeeze %dma_wait3A_413 : memref<1x80xi32, #tpu.memory_space<vmem>> -> memref<80xi32, #tpu.memory_space<vmem>>
      %dma_wait3A_415 = arith.constant 0 : i32
      %dma_wait3A_416 = tpu.memref_slice %arg11[%dma_wait3A_415] : memref<1280000xf32, #tpu.memory_space<vmem_shared>> -> memref<1280000xf32, #tpu.memory_space<vmem_shared>>
      tpu.wait_indirect_dma semaphore(%arg12 : memref<!tpu.dma_semaphore, #tpu.memory_space<semaphore_mem>>) src(%arg9 : memref<80xf32, #tpu.memory_space<vmem>>) dst(%dma_wait3A_416 : memref<1280000xf32, #tpu.memory_space<vmem_shared>>)
      %dma_wait3A_417 = arith.constant 0 : i32
      %dma_wait3A_418 = tpu.memref_slice %arg8[%add3A_243, %dma_wait3A_417] : memref<125x80xi32, #tpu.memory_space<vmem>> -> memref<1x80xi32, #tpu.memory_space<vmem>>
      %dma_wait3A_419 = tpu.memref_squeeze %dma_wait3A_418 : memref<1x80xi32, #tpu.memory_space<vmem>> -> memref<80xi32, #tpu.memory_space<vmem>>
      %dma_wait3A_420 = arith.constant 0 : i32
      %dma_wait3A_421 = tpu.memref_slice %arg11[%dma_wait3A_420] : memref<1280000xf32, #tpu.memory_space<vmem_shared>> -> memref<1280000xf32, #tpu.memory_space<vmem_shared>>
      tpu.wait_indirect_dma semaphore(%arg12 : memref<!tpu.dma_semaphore, #tpu.memory_space<semaphore_mem>>) src(%arg9 : memref<80xf32, #tpu.memory_space<vmem>>) dst(%dma_wait3A_421 : memref<1280000xf32, #tpu.memory_space<vmem_shared>>)
      %dma_wait3A_422 = arith.constant 0 : i32
      %dma_wait3A_423 = tpu.memref_slice %arg8[%add3A_252, %dma_wait3A_422] : memref<125x80xi32, #tpu.memory_space<vmem>> -> memref<1x80xi32, #tpu.memory_space<vmem>>
      %dma_wait3A_424 = tpu.memref_squeeze %dma_wait3A_423 : memref<1x80xi32, #tpu.memory_space<vmem>> -> memref<80xi32, #tpu.memory_space<vmem>>
      %dma_wait3A_425 = arith.constant 0 : i32
      %dma_wait3A_426 = tpu.memref_slice %arg11[%dma_wait3A_425] : memref<1280000xf32, #tpu.memory_space<vmem_shared>> -> memref<1280000xf32, #tpu.memory_space<vmem_shared>>
      tpu.wait_indirect_dma semaphore(%arg12 : memref<!tpu.dma_semaphore, #tpu.memory_space<semaphore_mem>>) src(%arg9 : memref<80xf32, #tpu.memory_space<vmem>>) dst(%dma_wait3A_426 : memref<1280000xf32, #tpu.memory_space<vmem_shared>>)
      %dma_wait3A_427 = arith.constant 0 : i32
      %dma_wait3A_428 = tpu.memref_slice %arg8[%add3A_261, %dma_wait3A_427] : memref<125x80xi32, #tpu.memory_space<vmem>> -> memref<1x80xi32, #tpu.memory_space<vmem>>
      %dma_wait3A_429 = tpu.memref_squeeze %dma_wait3A_428 : memref<1x80xi32, #tpu.memory_space<vmem>> -> memref<80xi32, #tpu.memory_space<vmem>>
      %dma_wait3A_430 = arith.constant 0 : i32
      %dma_wait3A_431 = tpu.memref_slice %arg11[%dma_wait3A_430] : memref<1280000xf32, #tpu.memory_space<vmem_shared>> -> memref<1280000xf32, #tpu.memory_space<vmem_shared>>
      tpu.wait_indirect_dma semaphore(%arg12 : memref<!tpu.dma_semaphore, #tpu.memory_space<semaphore_mem>>) src(%arg9 : memref<80xf32, #tpu.memory_space<vmem>>) dst(%dma_wait3A_431 : memref<1280000xf32, #tpu.memory_space<vmem_shared>>)
      %dma_wait3A_432 = arith.constant 0 : i32
      %dma_wait3A_433 = tpu.memref_slice %arg8[%add3A_270, %dma_wait3A_432] : memref<125x80xi32, #tpu.memory_space<vmem>> -> memref<1x80xi32, #tpu.memory_space<vmem>>
      %dma_wait3A_434 = tpu.memref_squeeze %dma_wait3A_433 : memref<1x80xi32, #tpu.memory_space<vmem>> -> memref<80xi32, #tpu.memory_space<vmem>>
      %dma_wait3A_435 = arith.constant 0 : i32
      %dma_wait3A_436 = tpu.memref_slice %arg11[%dma_wait3A_435] : memref<1280000xf32, #tpu.memory_space<vmem_shared>> -> memref<1280000xf32, #tpu.memory_space<vmem_shared>>
      tpu.wait_indirect_dma semaphore(%arg12 : memref<!tpu.dma_semaphore, #tpu.memory_space<semaphore_mem>>) src(%arg9 : memref<80xf32, #tpu.memory_space<vmem>>) dst(%dma_wait3A_436 : memref<1280000xf32, #tpu.memory_space<vmem_shared>>)
      %dma_wait3A_437 = arith.constant 0 : i32
      %dma_wait3A_438 = tpu.memref_slice %arg8[%add3A_279, %dma_wait3A_437] : memref<125x80xi32, #tpu.memory_space<vmem>> -> memref<1x80xi32, #tpu.memory_space<vmem>>
      %dma_wait3A_439 = tpu.memref_squeeze %dma_wait3A_438 : memref<1x80xi32, #tpu.memory_space<vmem>> -> memref<80xi32, #tpu.memory_space<vmem>>
      %dma_wait3A_440 = arith.constant 0 : i32
      %dma_wait3A_441 = tpu.memref_slice %arg11[%dma_wait3A_440] : memref<1280000xf32, #tpu.memory_space<vmem_shared>> -> memref<1280000xf32, #tpu.memory_space<vmem_shared>>
      tpu.wait_indirect_dma semaphore(%arg12 : memref<!tpu.dma_semaphore, #tpu.memory_space<semaphore_mem>>) src(%arg9 : memref<80xf32, #tpu.memory_space<vmem>>) dst(%dma_wait3A_441 : memref<1280000xf32, #tpu.memory_space<vmem_shared>>)
      %dma_wait3A_442 = arith.constant 0 : i32
      %dma_wait3A_443 = tpu.memref_slice %arg8[%add3A_288, %dma_wait3A_442] : memref<125x80xi32, #tpu.memory_space<vmem>> -> memref<1x80xi32, #tpu.memory_space<vmem>>
      %dma_wait3A_444 = tpu.memref_squeeze %dma_wait3A_443 : memref<1x80xi32, #tpu.memory_space<vmem>> -> memref<80xi32, #tpu.memory_space<vmem>>
      %dma_wait3A_445 = arith.constant 0 : i32
      %dma_wait3A_446 = tpu.memref_slice %arg11[%dma_wait3A_445] : memref<1280000xf32, #tpu.memory_space<vmem_shared>> -> memref<1280000xf32, #tpu.memory_space<vmem_shared>>
      tpu.wait_indirect_dma semaphore(%arg12 : memref<!tpu.dma_semaphore, #tpu.memory_space<semaphore_mem>>) src(%arg9 : memref<80xf32, #tpu.memory_space<vmem>>) dst(%dma_wait3A_446 : memref<1280000xf32, #tpu.memory_space<vmem_shared>>)
      %dma_wait3A_447 = arith.constant 0 : i32
      %dma_wait3A_448 = tpu.memref_slice %arg8[%add3A_297, %dma_wait3A_447] : memref<125x80xi32, #tpu.memory_space<vmem>> -> memref<1x80xi32, #tpu.memory_space<vmem>>
      %dma_wait3A_449 = tpu.memref_squeeze %dma_wait3A_448 : memref<1x80xi32, #tpu.memory_space<vmem>> -> memref<80xi32, #tpu.memory_space<vmem>>
      %dma_wait3A_450 = arith.constant 0 : i32
      %dma_wait3A_451 = tpu.memref_slice %arg11[%dma_wait3A_450] : memref<1280000xf32, #tpu.memory_space<vmem_shared>> -> memref<1280000xf32, #tpu.memory_space<vmem_shared>>
      tpu.wait_indirect_dma semaphore(%arg12 : memref<!tpu.dma_semaphore, #tpu.memory_space<semaphore_mem>>) src(%arg9 : memref<80xf32, #tpu.memory_space<vmem>>) dst(%dma_wait3A_451 : memref<1280000xf32, #tpu.memory_space<vmem_shared>>)
      %dma_wait3A_452 = arith.constant 0 : i32
      %dma_wait3A_453 = tpu.memref_slice %arg8[%add3A_306, %dma_wait3A_452] : memref<125x80xi32, #tpu.memory_space<vmem>> -> memref<1x80xi32, #tpu.memory_space<vmem>>
      %dma_wait3A_454 = tpu.memref_squeeze %dma_wait3A_453 : memref<1x80xi32, #tpu.memory_space<vmem>> -> memref<80xi32, #tpu.memory_space<vmem>>
      %dma_wait3A_455 = arith.constant 0 : i32
      %dma_wait3A_456 = tpu.memref_slice %arg11[%dma_wait3A_455] : memref<1280000xf32, #tpu.memory_space<vmem_shared>> -> memref<1280000xf32, #tpu.memory_space<vmem_shared>>
      tpu.wait_indirect_dma semaphore(%arg12 : memref<!tpu.dma_semaphore, #tpu.memory_space<semaphore_mem>>) src(%arg9 : memref<80xf32, #tpu.memory_space<vmem>>) dst(%dma_wait3A_456 : memref<1280000xf32, #tpu.memory_space<vmem_shared>>)
      %dma_wait3A_457 = arith.constant 0 : i32
      %dma_wait3A_458 = tpu.memref_slice %arg8[%add3A_315, %dma_wait3A_457] : memref<125x80xi32, #tpu.memory_space<vmem>> -> memref<1x80xi32, #tpu.memory_space<vmem>>
      %dma_wait3A_459 = tpu.memref_squeeze %dma_wait3A_458 : memref<1x80xi32, #tpu.memory_space<vmem>> -> memref<80xi32, #tpu.memory_space<vmem>>
      %dma_wait3A_460 = arith.constant 0 : i32
      %dma_wait3A_461 = tpu.memref_slice %arg11[%dma_wait3A_460] : memref<1280000xf32, #tpu.memory_space<vmem_shared>> -> memref<1280000xf32, #tpu.memory_space<vmem_shared>>
      tpu.wait_indirect_dma semaphore(%arg12 : memref<!tpu.dma_semaphore, #tpu.memory_space<semaphore_mem>>) src(%arg9 : memref<80xf32, #tpu.memory_space<vmem>>) dst(%dma_wait3A_461 : memref<1280000xf32, #tpu.memory_space<vmem_shared>>)
      %dma_wait3A_462 = arith.constant 0 : i32
      %dma_wait3A_463 = tpu.memref_slice %arg8[%add3A_324, %dma_wait3A_462] : memref<125x80xi32, #tpu.memory_space<vmem>> -> memref<1x80xi32, #tpu.memory_space<vmem>>
      %dma_wait3A_464 = tpu.memref_squeeze %dma_wait3A_463 : memref<1x80xi32, #tpu.memory_space<vmem>> -> memref<80xi32, #tpu.memory_space<vmem>>
      %dma_wait3A_465 = arith.constant 0 : i32
      %dma_wait3A_466 = tpu.memref_slice %arg11[%dma_wait3A_465] : memref<1280000xf32, #tpu.memory_space<vmem_shared>> -> memref<1280000xf32, #tpu.memory_space<vmem_shared>>
      tpu.wait_indirect_dma semaphore(%arg12 : memref<!tpu.dma_semaphore, #tpu.memory_space<semaphore_mem>>) src(%arg9 : memref<80xf32, #tpu.memory_space<vmem>>) dst(%dma_wait3A_466 : memref<1280000xf32, #tpu.memory_space<vmem_shared>>)
      %dma_wait3A_467 = arith.constant 0 : i32
      %dma_wait3A_468 = tpu.memref_slice %arg8[%add3A_333, %dma_wait3A_467] : memref<125x80xi32, #tpu.memory_space<vmem>> -> memref<1x80xi32, #tpu.memory_space<vmem>>
      %dma_wait3A_469 = tpu.memref_squeeze %dma_wait3A_468 : memref<1x80xi32, #tpu.memory_space<vmem>> -> memref<80xi32, #tpu.memory_space<vmem>>
      %dma_wait3A_470 = arith.constant 0 : i32
      %dma_wait3A_471 = tpu.memref_slice %arg11[%dma_wait3A_470] : memref<1280000xf32, #tpu.memory_space<vmem_shared>> -> memref<1280000xf32, #tpu.memory_space<vmem_shared>>
      tpu.wait_indirect_dma semaphore(%arg12 : memref<!tpu.dma_semaphore, #tpu.memory_space<semaphore_mem>>) src(%arg9 : memref<80xf32, #tpu.memory_space<vmem>>) dst(%dma_wait3A_471 : memref<1280000xf32, #tpu.memory_space<vmem_shared>>)
      %dma_wait3A_472 = arith.constant 0 : i32
      %dma_wait3A_473 = tpu.memref_slice %arg8[%add3A_342, %dma_wait3A_472] : memref<125x80xi32, #tpu.memory_space<vmem>> -> memref<1x80xi32, #tpu.memory_space<vmem>>
      %dma_wait3A_474 = tpu.memref_squeeze %dma_wait3A_473 : memref<1x80xi32, #tpu.memory_space<vmem>> -> memref<80xi32, #tpu.memory_space<vmem>>
      %dma_wait3A_475 = arith.constant 0 : i32
      %dma_wait3A_476 = tpu.memref_slice %arg11[%dma_wait3A_475] : memref<1280000xf32, #tpu.memory_space<vmem_shared>> -> memref<1280000xf32, #tpu.memory_space<vmem_shared>>
      tpu.wait_indirect_dma semaphore(%arg12 : memref<!tpu.dma_semaphore, #tpu.memory_space<semaphore_mem>>) src(%arg9 : memref<80xf32, #tpu.memory_space<vmem>>) dst(%dma_wait3A_476 : memref<1280000xf32, #tpu.memory_space<vmem_shared>>)
      %dma_wait3A_477 = arith.constant 0 : i32
      %dma_wait3A_478 = tpu.memref_slice %arg8[%add3A_351, %dma_wait3A_477] : memref<125x80xi32, #tpu.memory_space<vmem>> -> memref<1x80xi32, #tpu.memory_space<vmem>>
      %dma_wait3A_479 = tpu.memref_squeeze %dma_wait3A_478 : memref<1x80xi32, #tpu.memory_space<vmem>> -> memref<80xi32, #tpu.memory_space<vmem>>
      %dma_wait3A_480 = arith.constant 0 : i32
      %dma_wait3A_481 = tpu.memref_slice %arg11[%dma_wait3A_480] : memref<1280000xf32, #tpu.memory_space<vmem_shared>> -> memref<1280000xf32, #tpu.memory_space<vmem_shared>>
      tpu.wait_indirect_dma semaphore(%arg12 : memref<!tpu.dma_semaphore, #tpu.memory_space<semaphore_mem>>) src(%arg9 : memref<80xf32, #tpu.memory_space<vmem>>) dst(%dma_wait3A_481 : memref<1280000xf32, #tpu.memory_space<vmem_shared>>)
    }
    %scan3A_129 = arith.constant 5 : i32
    %barrier3A_130 = arith.constant 0 : index
    tpu.barrier barrier_id(%barrier3A_130)
    "tpu.region"() ({
      %run_scoped3A = tpu.sem_alloc : memref<!tpu.dma_semaphore, #tpu.memory_space<semaphore_mem>>
      %dma_start3A_131 = tpu.memref_slice %arg4[%arg0, %mul3A_34] : memref<2x1280000xf32, #tpu.memory_space<hbm>> -> memref<1x80000xf32, #tpu.memory_space<hbm>>
      %dma_start3A_132 = tpu.memref_squeeze %dma_start3A_131 : memref<1x80000xf32, #tpu.memory_space<hbm>> -> memref<80000xf32, #tpu.memory_space<hbm>>
      %dma_start3A_133 = tpu.memref_slice %arg11[%mul3A_34] : memref<1280000xf32, #tpu.memory_space<vmem_shared>> -> memref<80000xf32, #tpu.memory_space<vmem_shared>>
      tpu.enqueue_dma source(%dma_start3A_133 : memref<80000xf32, #tpu.memory_space<vmem_shared>>) target(%dma_start3A_132 : memref<80000xf32, #tpu.memory_space<hbm>>) target_semaphore(%run_scoped3A : memref<!tpu.dma_semaphore, #tpu.memory_space<semaphore_mem>>)
      %dma_wait3A_134 = tpu.memref_slice %arg4[%arg0, %mul3A_34] : memref<2x1280000xf32, #tpu.memory_space<hbm>> -> memref<1x80000xf32, #tpu.memory_space<hbm>>
      %dma_wait3A_135 = tpu.memref_squeeze %dma_wait3A_134 : memref<1x80000xf32, #tpu.memory_space<hbm>> -> memref<80000xf32, #tpu.memory_space<hbm>>
      %dma_wait3A_136 = tpu.memref_slice %arg11[%mul3A_34] : memref<1280000xf32, #tpu.memory_space<vmem_shared>> -> memref<80000xf32, #tpu.memory_space<vmem_shared>>
      tpu.wait_dma2 semaphore(%run_scoped3A : memref<!tpu.dma_semaphore, #tpu.memory_space<semaphore_mem>>) src(%dma_wait3A_136 : memref<80000xf32, #tpu.memory_space<vmem_shared>>) dst(%dma_wait3A_135 : memref<80000xf32, #tpu.memory_space<hbm>>)
      tpu.yield
    }) : () -> ()
    return
  }
}

module attributes {stable_mosaic.version = 14 : i64} {
  func.func @_tc_body(%arg0: i32, %arg1: memref<2x5000x128xf32, #tpu.memory_space<vmem>>, %arg2: memref<1x1x5000xi32, #tpu.memory_space<vmem>>, %arg3: memref<1x1x5000xi32, #tpu.memory_space<vmem>>, %arg4: memref<128x128xf32, #tpu.memory_space<vmem>>, %arg5: memref<128x128xf32, #tpu.memory_space<vmem>>, %arg6: memref<1x128xf32, #tpu.memory_space<vmem>>, %arg7: memref<128x1xf32, #tpu.memory_space<vmem>>, %arg8: memref<64x1xf32, #tpu.memory_space<vmem>>, %arg9: memref<64x128xf32, #tpu.memory_space<vmem>>) attributes {dimension_semantics = [#tpu.dimension_semantics<arbitrary>], iteration_bounds = array<i64: 2>, scalar_prefetch = 0 : i64, scratch_operands = 1 : i64, tpu.core_type = #tpu.core_type<tc>, window_params = [{transform_indices = @transform_0, window_bounds = array<i64: 2, 5000, 128>}, {transform_indices = @transform_1, window_bounds = array<i64: 1, 1, 5000>}, {transform_indices = @transform_2, window_bounds = array<i64: 1, 1, 5000>}, {pipeline_mode = #tpu.pipeline_mode<synchronous>, transform_indices = @transform_3, window_bounds = array<i64: 128, 128>}, {pipeline_mode = #tpu.pipeline_mode<synchronous>, transform_indices = @transform_4, window_bounds = array<i64: 128, 128>}, {pipeline_mode = #tpu.pipeline_mode<synchronous>, transform_indices = @transform_5, window_bounds = array<i64: 1, 128>}, {pipeline_mode = #tpu.pipeline_mode<synchronous>, transform_indices = @transform_6, window_bounds = array<i64: 128, 1>}, {pipeline_mode = #tpu.pipeline_mode<synchronous>, transform_indices = @transform_7, window_bounds = array<i64: 64, 1>}]} {
    %get3A = arith.constant 0 : index
    %get3A_0 = arith.constant 0 : index
    %get3A_1 = arith.constant 0 : index
    %get3A_2 = vector.load %arg2[%get3A, %get3A_0, %get3A_1] : memref<1x1x5000xi32, #tpu.memory_space<vmem>>, vector<1x1x5000xi32>
    %get3A_3 = vector.shape_cast %get3A_2 : vector<1x1x5000xi32> to vector<5000xi32>
    %broadcast_in_dim3A = vector.shape_cast %get3A_3 : vector<5000xi32> to vector<5000x1xi32>
    %iota3A = tpu.iota {dimensions = array<i32: 1>} : vector<5000x128xi32>
    %eq3A = vector.broadcast %broadcast_in_dim3A : vector<5000x1xi32> to vector<5000x128xi32>
    %eq3A_4 = arith.cmpi eq, %eq3A, %iota3A : vector<5000x128xi32>
    %convert_element_type3A = arith.extui %eq3A_4 : vector<5000x128xi1> to vector<5000x128xi32>
    %convert_element_type3A_5 = arith.sitofp %convert_element_type3A : vector<5000x128xi32> to vector<5000x128xf32>
    %get3A_6 = arith.constant 0 : index
    %get3A_7 = arith.constant 0 : index
    %get3A_8 = arith.constant 0 : index
    %get3A_9 = vector.load %arg1[%get3A_6, %get3A_7, %get3A_8] : memref<2x5000x128xf32, #tpu.memory_space<vmem>>, vector<1x5000x128xf32>
    %get3A_10 = vector.shape_cast %get3A_9 : vector<1x5000x128xf32> to vector<5000x128xf32>
    %get3A_11 = arith.constant 1 : index
    %get3A_12 = arith.constant 0 : index
    %get3A_13 = arith.constant 0 : index
    %get3A_14 = vector.load %arg1[%get3A_11, %get3A_12, %get3A_13] : memref<2x5000x128xf32, #tpu.memory_space<vmem>>, vector<1x5000x128xf32>
    %get3A_15 = vector.shape_cast %get3A_14 : vector<1x5000x128xf32> to vector<5000x128xf32>
    %add3A = arith.addf %get3A_10, %get3A_15 : vector<5000x128xf32>
    %add3A_16 = arith.addf %add3A, %convert_element_type3A_5 : vector<5000x128xf32>
    %get3A_17 = arith.constant 0 : index
    %get3A_18 = arith.constant 0 : index
    %get3A_19 = vector.load %arg4[%get3A_17, %get3A_18] : memref<128x128xf32, #tpu.memory_space<vmem>>, vector<128x128xf32>
    %get3A_20 = arith.constant 0 : index
    %get3A_21 = arith.constant 0 : index
    %get3A_22 = vector.load %arg5[%get3A_20, %get3A_21] : memref<128x128xf32, #tpu.memory_space<vmem>>, vector<128x128xf32>
    %dot_general3A = arith.constant dense<0.000000e+00> : vector<128x128xf32>
    %dot_general3A_23 = tpu.matmul %get3A_19, %get3A_22, %dot_general3A {dimension_numbers = #tpu.dot_dimension_numbers<[1], [0], [0], [1], [0, 0, 1, 1], [], []>, precision = #tpu.contract_precision<fp32>, transpose_lhs_hint = false} : vector<128x128xf32>, vector<128x128xf32>, vector<128x128xf32> -> vector<128x128xf32>
    %convert_element_type3A_24 = arith.truncf %dot_general3A_23 : vector<128x128xf32> to vector<128x128xbf16>
    %convert_element_type3A_25 = arith.extf %convert_element_type3A_24 : vector<128x128xbf16> to vector<128x128xf32>
    %sub3A = arith.subf %dot_general3A_23, %convert_element_type3A_25 : vector<128x128xf32>
    %dot_general3A_26 = arith.constant dense<0.000000e+00> : vector<5000x128xf32>
    %dot_general3A_27 = tpu.matmul %add3A_16, %convert_element_type3A_25, %dot_general3A_26 {dimension_numbers = #tpu.dot_dimension_numbers<[1], [0], [0], [1], [0, 0, 1, 1], [], []>, transpose_lhs_hint = false} : vector<5000x128xf32>, vector<128x128xf32>, vector<5000x128xf32> -> vector<5000x128xf32>
    %dot_general3A_28 = arith.constant dense<0.000000e+00> : vector<5000x128xf32>
    %dot_general3A_29 = tpu.matmul %add3A_16, %sub3A, %dot_general3A_28 {dimension_numbers = #tpu.dot_dimension_numbers<[1], [0], [0], [1], [0, 0, 1, 1], [], []>, transpose_lhs_hint = false} : vector<5000x128xf32>, vector<128x128xf32>, vector<5000x128xf32> -> vector<5000x128xf32>
    %add3A_30 = arith.addf %dot_general3A_27, %dot_general3A_29 : vector<5000x128xf32>
    %get3A_31 = arith.constant 0 : index
    %get3A_32 = arith.constant 0 : index
    %get3A_33 = vector.load %arg6[%get3A_31, %get3A_32] : memref<1x128xf32, #tpu.memory_space<vmem>>, vector<1x128xf32>
    %add3A_34 = vector.broadcast %get3A_33 : vector<1x128xf32> to vector<5000x128xf32>
    %add3A_35 = arith.addf %add3A_30, %add3A_34 : vector<5000x128xf32>
    %max3A = arith.constant 0.000000e+00 : f32
    %max3A_36 = vector.broadcast %max3A : f32 to vector<5000x128xf32>
    %max3A_37 = arith.maximumf %add3A_35, %max3A_36 : vector<5000x128xf32>
    %get3A_38 = arith.constant 0 : index
    %get3A_39 = arith.constant 0 : index
    %get3A_40 = arith.constant 0 : index
    %get3A_41 = vector.load %arg3[%get3A_38, %get3A_39, %get3A_40] : memref<1x1x5000xi32, #tpu.memory_space<vmem>>, vector<1x1x5000xi32>
    %get3A_42 = vector.shape_cast %get3A_41 : vector<1x1x5000xi32> to vector<5000xi32>
    %broadcast_in_dim3A_43 = vector.shape_cast %get3A_42 : vector<5000xi32> to vector<1x5000xi32>
    %iota3A_44 = tpu.iota {dimensions = array<i32: 0>} : vector<64x5000xi32>
    %eq3A_45 = vector.broadcast %broadcast_in_dim3A_43 : vector<1x5000xi32> to vector<64x5000xi32>
    %eq3A_46 = arith.cmpi eq, %eq3A_45, %iota3A_44 : vector<64x5000xi32>
    %convert_element_type3A_47 = arith.extui %eq3A_46 : vector<64x5000xi1> to vector<64x5000xi32>
    %convert_element_type3A_48 = arith.sitofp %convert_element_type3A_47 : vector<64x5000xi32> to vector<64x5000xf32>
    %convert_element_type3A_49 = arith.truncf %max3A_37 : vector<5000x128xf32> to vector<5000x128xbf16>
    %convert_element_type3A_50 = arith.extf %convert_element_type3A_49 : vector<5000x128xbf16> to vector<5000x128xf32>
    %sub3A_51 = arith.subf %max3A_37, %convert_element_type3A_50 : vector<5000x128xf32>
    %dot_general3A_52 = arith.constant dense<0.000000e+00> : vector<64x128xf32>
    %dot_general3A_53 = tpu.matmul %convert_element_type3A_48, %convert_element_type3A_50, %dot_general3A_52 {dimension_numbers = #tpu.dot_dimension_numbers<[1], [0], [0], [1], [0, 0, 1, 1], [], []>, transpose_lhs_hint = false} : vector<64x5000xf32>, vector<5000x128xf32>, vector<64x128xf32> -> vector<64x128xf32>
    %dot_general3A_54 = arith.constant dense<0.000000e+00> : vector<64x128xf32>
    %dot_general3A_55 = tpu.matmul %convert_element_type3A_48, %sub3A_51, %dot_general3A_54 {dimension_numbers = #tpu.dot_dimension_numbers<[1], [0], [0], [1], [0, 0, 1, 1], [], []>, transpose_lhs_hint = false} : vector<64x5000xf32>, vector<5000x128xf32>, vector<64x128xf32> -> vector<64x128xf32>
    %add3A_56 = arith.addf %dot_general3A_53, %dot_general3A_55 : vector<64x128xf32>
    %eq3A_57 = arith.constant 0 : i32
    %eq3A_58 = arith.cmpi eq, %arg0, %eq3A_57 : i32
    %convert_element_type3A_59 = arith.extui %eq3A_58 : i1 to i32
    %cond3A = arith.constant 0 : i32
    %cond3A_60 = arith.cmpi ne, %convert_element_type3A_59, %cond3A : i32
    scf.if %cond3A_60 {
      %swap3A = arith.constant 0 : index
      %swap3A_70 = arith.constant 0 : index
      %swap3A_71 = vector.load %arg9[%swap3A, %swap3A_70] : memref<64x128xf32, #tpu.memory_space<vmem>>, vector<64x128xf32>
      tpu.vector_store %arg9[%swap3A, %swap3A_70], %add3A_56 {strides = array<i32>} : memref<64x128xf32, #tpu.memory_space<vmem>>, vector<64x128xf32>,
    } else {
    }
    %gt3A = arith.constant 0 : i32
    %gt3A_61 = arith.cmpi sgt, %arg0, %gt3A : i32
    %convert_element_type3A_62 = arith.extui %gt3A_61 : i1 to i32
    %cond3A_63 = arith.constant 0 : i32
    %cond3A_64 = arith.cmpi ne, %convert_element_type3A_62, %cond3A_63 : i32
    scf.if %cond3A_64 {
      %get3A_70 = arith.constant 0 : index
      %get3A_71 = arith.constant 0 : index
      %get3A_72 = vector.load %arg9[%get3A_70, %get3A_71] : memref<64x128xf32, #tpu.memory_space<vmem>>, vector<64x128xf32>
      %add3A_73 = arith.addf %get3A_72, %add3A_56 : vector<64x128xf32>
      %swap3A = arith.constant 0 : index
      %swap3A_74 = arith.constant 0 : index
      %swap3A_75 = vector.load %arg9[%swap3A, %swap3A_74] : memref<64x128xf32, #tpu.memory_space<vmem>>, vector<64x128xf32>
      tpu.vector_store %arg9[%swap3A, %swap3A_74], %add3A_73 {strides = array<i32>} : memref<64x128xf32, #tpu.memory_space<vmem>>, vector<64x128xf32>,
    } else {
    }
    %eq3A_65 = arith.constant 1 : i32
    %eq3A_66 = arith.cmpi eq, %arg0, %eq3A_65 : i32
    %convert_element_type3A_67 = arith.extui %eq3A_66 : i1 to i32
    %cond3A_68 = arith.constant 0 : i32
    %cond3A_69 = arith.cmpi ne, %convert_element_type3A_67, %cond3A_68 : i32
    scf.if %cond3A_69 {
      %get3A_70 = arith.constant 0 : index
      %get3A_71 = arith.constant 0 : index
      %get3A_72 = vector.load %arg9[%get3A_70, %get3A_71] : memref<64x128xf32, #tpu.memory_space<vmem>>, vector<64x128xf32>
      %get3A_73 = arith.constant 0 : index
      %get3A_74 = arith.constant 0 : index
      %get3A_75 = vector.load %arg7[%get3A_73, %get3A_74] : memref<128x1xf32, #tpu.memory_space<vmem>>, vector<128x1xf32>
      %dot_general3A_76 = arith.constant dense<0.000000e+00> : vector<64x1xf32>
      %dot_general3A_77 = tpu.matmul %get3A_72, %get3A_75, %dot_general3A_76 {dimension_numbers = #tpu.dot_dimension_numbers<[1], [0], [0], [1], [0, 0, 1, 1], [], []>, precision = #tpu.contract_precision<fp32>, transpose_lhs_hint = false} : vector<64x128xf32>, vector<128x1xf32>, vector<64x1xf32> -> vector<64x1xf32>
      %swap3A = arith.constant 0 : index
      %swap3A_78 = arith.constant 0 : index
      %swap3A_79 = vector.load %arg8[%swap3A, %swap3A_78] : memref<64x1xf32, #tpu.memory_space<vmem>>, vector<64x1xf32>
      tpu.vector_store %arg8[%swap3A, %swap3A_78], %dot_general3A_77 {strides = array<i32>} : memref<64x1xf32, #tpu.memory_space<vmem>>, vector<64x1xf32>,
    } else {
    }
    return
  }
  func.func @transform_0(%arg0: i32) -> (i32, i32, i32) {
    %c0_i32 = arith.constant 0 : i32
    %c0_i32_0 = arith.constant 0 : i32
    %c0_i32_1 = arith.constant 0 : i32
    return %c0_i32, %arg0, %c0_i32_0 : i32, i32, i32
  }
  func.func @transform_1(%arg0: i32) -> (i32, i32, i32) {
    %c0_i32 = arith.constant 0 : i32
    %c0_i32_0 = arith.constant 0 : i32
    %c0_i32_1 = arith.constant 0 : i32
    return %arg0, %c0_i32, %c0_i32_0 : i32, i32, i32
  }
  func.func @transform_2(%arg0: i32) -> (i32, i32, i32) {
    %c0_i32 = arith.constant 0 : i32
    %c0_i32_0 = arith.constant 0 : i32
    %c0_i32_1 = arith.constant 0 : i32
    return %arg0, %c0_i32, %c0_i32_0 : i32, i32, i32
  }
  func.func @transform_3(%arg0: i32) -> (i32, i32) {
    %c0_i32 = arith.constant 0 : i32
    %c0_i32_0 = arith.constant 0 : i32
    %c0_i32_1 = arith.constant 0 : i32
    return %c0_i32, %c0_i32_0 : i32, i32
  }
  func.func @transform_4(%arg0: i32) -> (i32, i32) {
    %c0_i32 = arith.constant 0 : i32
    %c0_i32_0 = arith.constant 0 : i32
    %c0_i32_1 = arith.constant 0 : i32
    return %c0_i32, %c0_i32_0 : i32, i32
  }
  func.func @transform_5(%arg0: i32) -> (i32, i32) {
    %c0_i32 = arith.constant 0 : i32
    %c0_i32_0 = arith.constant 0 : i32
    %c0_i32_1 = arith.constant 0 : i32
    return %c0_i32, %c0_i32_0 : i32, i32
  }
  func.func @transform_6(%arg0: i32) -> (i32, i32) {
    %c0_i32 = arith.constant 0 : i32
    %c0_i32_0 = arith.constant 0 : i32
    %c0_i32_1 = arith.constant 0 : i32
    return %c0_i32, %c0_i32_0 : i32, i32
  }
  func.func @transform_7(%arg0: i32) -> (i32, i32) {
    %c0_i32 = arith.constant 0 : i32
    %c0_i32_0 = arith.constant 0 : i32
    %c0_i32_1 = arith.constant 0 : i32
    return %c0_i32, %c0_i32_0 : i32, i32
  }
}

</mosaic_0001>

<sc_bundles>
// kernel: kernel.4.cloned.1.call-start
scs
__scs_entry_jumppad:
0x0: {  	(pc) =	sbr.rel $0x88, $3  }
0x1: {  	(tag) =	ssettag $0x0;
	lr =	simm.s32 $0x1  }
0x2: {  	[smem:$0x3F9A] =	sst lr;
	_ =	strace $0xD0000000  }
0x3: {  	_ = 	snop  }
0x4: {  	_ = 	snop  }
0x5: {  	_ = 	snop  }
0x6: {  	_ = 	snop  }
0x7: {  	_ = 	snop  }
__scs_overlays_trampoline_lowered:
0x8: {  	[smem:$0x3FA9] =	sst s0  }
0x9: {  	[smem:$0x3FAA] =	sst s1  }
0xa: {  	[smem:$0x3FAB] =	sst s2  }
0xb: {  	[smem:$0x3FAC] =	sst s3  }
0xc: {  	[smem:$0x3FAD] =	sst s4  }
0xd: {  	[smem:$0x3FAE] =	sst s5  }
0xe: {  	[smem:$0x3FAF] =	sst s6  }
0xf: {  	[smem:$0x3FB0] =	sst s7  }
0x10: {  	[smem:$0x3FB1] =	sst s8  }
0x11: {  	[smem:$0x3FB2] =	sst s9;
	s0 =	simm.s32 @!p0 $0x0  }
0x12: {  	s1 =	sld [smem:$0x3F98];
	s0 =	simm.s32 @p0 $0x1  }
0x13: {  	[smem:$0x3FB3] =	sst s0;
	s0 =	simm.s32 @!p1 $0x0  }
0x14: {  	s2 =	sld [smem:$0x3F97];
	s0 =	simm.s32 @p1 $0x1  }
0x15: {  	[smem:$0x3FB4] =	sst s0;
	s0 =	simm.s32 @!p2 $0x0  }
0x16: {  	s3 =	sld [smem:$0x3FDB];
	s0 =	simm.s32 @p2 $0x1  }
0x17: {  	s4 =	simm.s32 $0x1BF5;
	[smem:$0x3FB6] =	sst s0  }
0x18: {  	s0 =	sld [smem:$0x3F99];
	_ =	swait.ge [sflag:s4], $0x0  }
0x19: {  	s7 =	sld [smem:$0x3F9A]  }
0x1a: {  	s8 =	sadd.s32 $0xFFFFE003, lr  }
0x1b: {  	s9 =	sadd.s32 $0xFFFFFEF7, lr;
	s5 =	simm.s32 $0xFFFFFFFF;
	p2 =	slt.u32 s8, $0xFFFFF086  }
0x1c: {  	p1 =	slt.u32 s9, $0xF7A;
	s5 =	simm.s32 @!p2 $0x0  }
0x1d: {  	s5 =	simm.s32 @p1 $0x1;
	p0 =	seq.s32 s7, s2  }
0x1e: {  	s7 =	smul.u32 @!p0 $0xF7A, s2;
	p2 =	seq.s32 @!p0 s5, $0x0  }
0x1f: {  	s9 =	smul.u32 $0xF7A, s1;
	s8 =	simm.s32 @!p0 $0x1BF5;
	p2 =	por !p2, p0  }
0x20: {  	[sflag:s8] =	ssyncset.s32 @!p0 $0xFFFFF086;
	s6 =	sadd.s32 @!p0 s3, s7;
	s7 =	simm.s32 @!p0 $0x108  }
0x21: {  	s3 =	sadd.s32 s3, s9;
	s6 =	sadd.s32 @!p0 $0x88, s6;
	s7 =	simm.s32 @p2 $0x1082  }
0x22: {  	[simem:s7], [sflag:s8] =	dma.local @!p0 [hbm:s6], $0xF7A  }
0x23: {  	s9 =	sor.u32 $0xD0000000, s2;
	s6 =	simm.s32 $0x108;
	_ =	swait.ge @!p0 [sflag:s8], $0x0  }
0x24: {  	s3 =	sadd.s32 $0x88, s3;
	s6 =	simm.s32 @!p1 $0x1082;
	[sflag:s4] =	ssyncset.s32 $0xFFFFF086  }
0x25: {  	[simem:s6], [sflag:s4] =	dma.local [hbm:s3], $0xF7A  }
0x26: {  	[smem:$0x3F9A] =	sst s1;
	(tag) =	ssettag s2;
	_ =	strace s9  }
0x27: {  	s1 =	sld [smem:$0x3FAA]  }
0x28: {  	s2 =	sld [smem:$0x3FAB]  }
0x29: {  	s4 =	sld [smem:$0x3FAD]  }
0x2a: {  	p0 =	seq.s32 s5, $0x0;
	s5 =	sld [smem:$0x3FAE]  }
0x2b: {  	s6 =	sld [smem:$0x3FAF]  }
0x2c: {  	s7 =	sld [smem:$0x3FB0]  }
0x2d: {  	s3 =	simm.s32 $0x108;
	s8 =	sld [smem:$0x3FB1]  }
0x2e: {  	s3 =	simm.s32 @!p0 $0x1082;
	s9 =	sld [smem:$0x3FB2]  }
0x2f: {  	lr =	sadd.s32 s0, s3;
	s0 =	sld [smem:$0x3FA9]  }
0x30: {  	s3 =	sld [smem:$0x3FAC]  }
0x31: {  	[smem:$0x3FB5] =	sst s10  }
0x32: {  	s10 =	sld [smem:$0x3FB3];
	_ =	sdelay $0x3  }
0x33: {  	p0 =	seq.s32 s10, $0x1;
	s10 =	sld [smem:$0x3FB5];
	_ =	sdelay $0x3  }
0x34: {  	[smem:$0x3FB5] =	sst s10  }
0x35: {  	s10 =	sld [smem:$0x3FB4];
	_ =	sdelay $0x3  }
0x36: {  	p1 =	seq.s32 s10, $0x1;
	s10 =	sld [smem:$0x3FB5];
	_ =	sdelay $0x3  }
0x37: {  	[smem:$0x3FB5] =	sst s10  }
0x38: {  	s10 =	sld [smem:$0x3FB6]  }
0x39: {  	_ = 	snop;
	(pc) =	sbr.ind lr, $3  }
0x3a: {  	_ = 	snop  }
0x3b: {  	_ = 	snop  }
0x3c: {  	p2 =	seq.s32 s10, $0x1;
	s10 =	sld [smem:$0x3FB5]  }
0x3d: {  	_ =	shalt  }
0x3e: {  	_ =	shalt  }
0x3f: {  	_ =	shalt  }
0x40: {  	_ =	shalt  }
0x41: {  	_ =	shalt  }
0x42: {  	_ =	shalt  }
0x43: {  	_ =	shalt  }
0x44: {  	_ =	shalt  }
0x45: {  	_ =	shalt  }
0x46: {  	_ =	shalt  }
0x47: {  	_ =	shalt  }
0x48: {  	_ =	shalt  }
0x49: {  	_ =	shalt  }
0x4a: {  	_ =	shalt  }
0x4b: {  	_ =	shalt  }
0x4c: {  	_ =	shalt  }
0x4d: {  	_ =	shalt  }
0x4e: {  	_ =	shalt  }
0x4f: {  	_ =	shalt  }
0x50: {  	_ =	shalt  }
0x51: {  	_ =	shalt  }
0x52: {  	_ =	shalt  }
0x53: {  	_ =	shalt  }
0x54: {  	_ =	shalt  }
0x55: {  	_ =	shalt  }
0x56: {  	_ =	shalt  }
0x57: {  	_ =	shalt  }
0x58: {  	_ =	shalt  }
0x59: {  	_ =	shalt  }
0x5a: {  	_ =	shalt  }
0x5b: {  	_ =	shalt  }
0x5c: {  	_ =	shalt  }
0x5d: {  	_ =	shalt  }
0x5e: {  	_ =	shalt  }
0x5f: {  	_ =	shalt  }
0x60: {  	_ =	shalt  }
0x61: {  	_ =	shalt  }
0x62: {  	_ =	shalt  }
0x63: {  	_ =	shalt  }
0x64: {  	_ =	shalt  }
0x65: {  	_ =	shalt  }
0x66: {  	_ =	shalt  }
0x67: {  	_ =	shalt  }
0x68: {  	_ =	shalt  }
0x69: {  	_ =	shalt  }
0x6a: {  	_ =	shalt  }
0x6b: {  	_ =	shalt  }
0x6c: {  	_ =	shalt  }
0x6d: {  	_ =	shalt  }
0x6e: {  	_ =	shalt  }
0x6f: {  	_ =	shalt  }
0x70: {  	_ =	shalt  }
0x71: {  	_ =	shalt  }
0x72: {  	_ =	shalt  }
0x73: {  	_ =	shalt  }
0x74: {  	_ =	shalt  }
0x75: {  	_ =	shalt  }
0x76: {  	_ =	shalt  }
0x77: {  	_ =	shalt  }
0x78: {  	_ =	shalt  }
0x79: {  	_ =	shalt  }
0x7a: {  	_ =	shalt  }
0x7b: {  	_ =	shalt  }
0x7c: {  	_ =	shalt  }
0x7d: {  	_ =	shalt  }
0x7e: {  	_ =	shalt  }
0x7f: {  	_ =	shalt  }
0x80: {  	_ =	shalt  }
0x81: {  	_ =	shalt  }
0x82: {  	_ =	shalt  }
0x83: {  	_ =	shalt  }
0x84: {  	_ =	shalt  }
0x85: {  	_ =	shalt  }
0x86: {  	_ =	shalt  }
0x87: {  	_ =	shalt  }
.Lfunc_end0:
.L_simem_size_0:
called_computation_lowered:
.L_overlay_start_0:
0x88: {  	s2 =	sld [smem:$0x3FD9]  }
0x89: {  	s3 =	sld [smem:$0x3FFE];
	_ =	sdelay $0x1  }
0x8a: {  	s1 =	srdreg.scid  }
0x8b: {  	s0 =	sand.u32 $0x1, s1  }
0x8c: {  	s17 =	sshll.u32 s0, $0xA;
	s2 =	sadd.s32 s3, s2  }
0x8d: {  	s2 =	sadd.s32 s2, s17  }
0x8e: {  	[smem:$0x3FC1] =	sst s2  }
0x8f: {  	_ = 	snop  }
0x90: {  	s2 =	sld [smem:$0x3FC9];
	(tm) =	ssettm $0x1  }
0x91: {  	s18 =	sld [smem:$0x3FFB];
	_ =	sdelay $0x3  }
0x92: {  	_ =	strace s18  }
0x93: {  	s3 =	sld [smem:$0x3FFC];
	_ =	sdelay $0x3  }
0x94: {  	_ =	strace s3  }
0x95: {  	s3 =	sld [smem:$0x3FFD];
	_ =	sdelay $0x3  }
0x96: {  	_ =	strace s3  }
0x97: {  	_ =	strace $0x8FFFFFFF  }
0x98: {  	s19 =	sld [smem:$0x3FDB];
	_ =	sdelay $0x1  }
0x99: {  	s4 =	simm.s32 $_scs_section_size  }
0x9a: {  	s5 =	simm.s32 $_size__tile_overlayer_lowered;
	s6 =	simm.s32 $_tile_overlayer_lowered  }
0x9b: {  	s22 =	simm.s32 $0x1BFF;
	s21 =	sshll.u32 s6, $0x1;
	s3 =	sadd.s32 s4, s19  }
0x9c: {  	s7 =	simm.s32 $0x0;
	s20 =	sshll.u32 s5, $0x1;
	s5 =	sadd.s32 s21, s3  }
0x9d: {  	[timem:s7], [sflag:s22] =	dma.local [hbm:s5], s20  }
0x9e: {  	_ =	swait.ge [sflag:s22], s20  }
0x9f: {  	s4 =	ssub.s32 $0x0, s20;
	[sflag:s22] =	ssyncset.done $0x0  }
0xa0: {  	[sflag:s22] =	ssyncadd.s32 s4;
	_ =	sdelay $0x1  }
0xa1: {  	s23 =	simm.s32 $0x1B8B  }
0xa2: {  	_ =	swait.ge [sflag:s23], $0x1  }
0xa3: {  	[sflag:s23] =	ssyncset.done $0x0  }
0xa4: {  	s25 =	simm.s32 $0x1B8E;
	s24 =	sld [smem:$0x3FFE];
	[sflag:s23] =	ssyncadd.s32 $0xFFFFFFFF  }
0xa5: {  	s26 =	simm.s32 $execute0_lowered;
	[smem:$0x3FD2] =	sst s25  }
0xa6: {  	s5 =	sshll.u32 s26, $0x1;
	_ =	strace $0x80000046;
	[dreg:$0x1] =	wrdreg $0xFFFFFFFF  }
0xa7: {  	s28 =	simm.s32 $_size_execute0_lowered;
	s3 =	sadd.s32 s3, s5;
	[dreg:$0x0] =	wrdreg $0x0  }
0xa8: {  	s5 =	sshll.u32 s28, $0x1;
	[dreg:$0x2] =	wrdreg s3  }
0xa9: {  	[dreg:$0x3] =	wrdreg s5  }
0xaa: {  	[dreg:$0x4] =	wrdreg $0xC0  }
0xab: {  	_ =	task [dreg:s7], $0x5FFFF  }
0xac: {  	[dreg:$0x1] =	wrdreg $0xFFFFFFFF  }
0xad: {  	[dreg:$0x0] =	wrdreg $0x60  }
0xae: {  	[dreg:$0x2] =	wrdreg s24  }
0xaf: {  	[dreg:$0x3] =	wrdreg s2  }
0xb0: {  	[dreg:$0x4] =	wrdreg $0xBF000  }
0xb1: {  	[dreg:$0x5] =	wrdreg $0x9  }
0xb2: {  	_ =	task.clear_ibuf [dreg:s7], $0x6FFFF;
	_ =	strace $0x90000046  }
0xb3: {  	s29 =	simm.s32 $0x9;
	_ =	strace $0x80000048  }
0xb4: {  	_ =	swait.ge [sflag:s29], $0x1  }
0xb5: {  	[sflag:s29] =	ssyncadd.s32 $0xFFFFFFFF  }
0xb6: {  	_ =	strace $0x90000048  }
0xb7: {  	_ =	sfence  }
0xb8: {  	s30 =	sld [smem:$0x0];
	_ =	sdelay $0x2  }
0xb9: {  	s31 =	sshll.u32 s1, $0xD;
	s1 =	sshrl.u32 s1, $0x2  }
0xba: {  	s3 =	sand.u32 $0x4000, s31;
	s1 =	sadd.s32 s1, s30  }
0xbb: {  	s0 =	sor.u32 s3, s0;
	s1 =	sshll.u32 s1, $0x11  }
0xbc: {  	s0 =	sor.u32 s1, s0  }
0xbd: {  	s0 =	sadd.s32 $0x8F2B, s0  }
0xbe: {  	[sflag:s0] =	ssyncadd.remote.s32 $0x1  }
0xbf: {  	_ =	sfence.sel $0xFFFF  }
0xc0: {  	[dreg:$0x0] =	wrdreg $0xFFFFFFFF;
	(pc) =	sbr.abs _section_cstart, $3  }
0xc1: {  	[dreg:$0x1] =	wrdreg $0xFFFFFFFF  }
0xc2: {  	_ =	task.clear_ibuf [dreg:s7], $0x2FFFF;
	_ =	strace $0x9FFFFFFF  }
0xc3: {  	(tm) =	ssettm $0x7FFFFFFF  }
tec
execute0_lowered:
.L_overlay_start_1:
0x0: {  	(tag) =	ssettag $0x1  }
0x1: {  	s0 =	rddreg [dreg:$0x0];
	s1 =	srdreg.scid  }
0x2: {  	s3 =	rddreg [dreg:$0x2];
	s4 =	simm.s32 $0x0;
	s1 =	sand.u32 $0x1, s1  }
0x3: {  	s7 =	stileid.u32;
	[smem:$0x7FF] =	sst s4;
	s2 =	sshll.u32 s1, $0x4  }
0x4: {  	s5 =	smul.u32 $0x27100, s7;
	_ =	strace $0x80000047;
	s2 =	sor.u32 s7, s2  }
0x5: {  	s6 =	sshll.u32 s1, $0x7;
	s1 =	ssub.s32 $0x2, s1;
	s2 =	smul.u32 $0x2710, s2  }
0x6: {  	s7 =	smul.u32 $0x4E200, s7;
	s5 =	sor.u32 s6, s5;
	s25 =	sshrl.u32 s1, $0x1  }
0x7: {  	s5 =	sshrl.u32 s5, $0x3;
	s1 =	ssub.s32 s1, s25;
	s2 =	sshrl.u32 s2, $0x3  }
0x8: {  	s7 =	sshrl.u32 s7, $0x2;
	s20 =	smax.u32 s1, $0x1;
	s2 =	sadd.s32 s2, s0  }
0x9: {  	[dreg:$0x17] =	wrdreg s20;
	s0 =	sadd.s32 s5, s0;
	s26 =	sadd.s32 $0x1000, s2  }
0xa: {  	s5 =	sadd.s32 s7, s3;
	s2 =	sadd.s32 $0xAC40, s2;
	[dreg:$0x4] =	wrdreg s26  }
0xb: {  	s30 =	sadd.s32 $0x7D0, s5;
	[dreg:$0x5] =	wrdreg s2  }
0xc: {  	s31 =	sadd.s32 $0xFA0, s5;
	[dreg:$0x6] =	wrdreg s30  }
0xd: {  	s6 =	sadd.s32 $0x1770, s5;
	[dreg:$0x7] =	wrdreg s31  }
0xe: {  	s7 =	sadd.s32 $0x1F40, s5;
	[dreg:$0x8] =	wrdreg s6  }
0xf: {  	s8 =	sadd.s32 $0x2710, s5;
	[dreg:$0x9] =	wrdreg s7  }
0x10: {  	s9 =	sadd.s32 $0x2EE0, s5;
	[dreg:$0xa] =	wrdreg s8  }
0x11: {  	s10 =	sadd.s32 $0x36B0, s5;
	[dreg:$0xb] =	wrdreg s9  }
0x12: {  	s11 =	sadd.s32 $0x3E80, s5;
	[dreg:$0xc] =	wrdreg s10  }
0x13: {  	s12 =	sadd.s32 $0x4650, s5;
	[dreg:$0xd] =	wrdreg s11  }
0x14: {  	s13 =	sadd.s32 $0x4E20, s5;
	[dreg:$0xe] =	wrdreg s12  }
0x15: {  	s14 =	sadd.s32 $0x55F0, s5;
	[dreg:$0xf] =	wrdreg s13  }
0x16: {  	s15 =	sadd.s32 $0x5DC0, s5;
	[dreg:$0x10] =	wrdreg s14  }
0x17: {  	s16 =	sadd.s32 $0x6590, s5;
	[dreg:$0x11] =	wrdreg s15  }
0x18: {  	s17 =	sadd.s32 $0x6D60, s5;
	[dreg:$0x12] =	wrdreg s16  }
0x19: {  	s18 =	sadd.s32 $0x7530, s5;
	[dreg:$0x13] =	wrdreg s17  }
0x1a: {  	s19 =	sadd.s32 $0x7D00, s5;
	[dreg:$0x14] =	wrdreg s18  }
0x1b: {  	s0 =	sadd.s32 $0x14A00, s0;
	[dreg:$0x15] =	wrdreg s19  }
0x1c: {  	s21 =	sadd.s32 $0x84D0, s5;
	[dreg:$0x16] =	wrdreg s0  }
0x1d: {  	s22 =	sadd.s32 $0x8CA0, s5;
	[dreg:$0x18] =	wrdreg s21  }
0x1e: {  	s28 =	simm.s32 $0x1;
	s23 =	sadd.s32 $0x9470, s5;
	[dreg:$0x19] =	wrdreg s22  }
0x1f: {  	s29 =	simm.s32 $0x0;
	s24 =	sadd.s32 $0x9C40, s5;
	[dreg:$0x1a] =	wrdreg s23  }
0x20: {  	s25 =	sadd.s32 $0xA410, s5;
	s20 =	sadd.s32 $0x130B0, s5;
	[dreg:$0x1b] =	wrdreg s24  }
0x21: {  	[dreg:$0x1c] =	wrdreg s25;
	s26 =	sadd.s32 $0xABE0, s5;
	s30 =	sadd.s32 $0xB3B0, s5  }
0x22: {  	s31 =	sadd.s32 $0xBB80, s5;
	s6 =	sadd.s32 $0xC350, s5;
	s7 =	sadd.s32 $0xCB20, s5  }
0x23: {  	s8 =	sadd.s32 $0xD2F0, s5;
	s9 =	sadd.s32 $0xDAC0, s5;
	s10 =	sadd.s32 $0xE290, s5  }
0x24: {  	s11 =	sadd.s32 $0xEA60, s5;
	s12 =	sadd.s32 $0xF230, s5;
	s13 =	sadd.s32 $0xFA00, s5  }
0x25: {  	s14 =	sadd.s32 $0x101D0, s5;
	s15 =	sadd.s32 $0x109A0, s5;
	s16 =	sadd.s32 $0x11170, s5  }
0x26: {  	s17 =	sadd.s32 $0x11940, s5;
	s18 =	sadd.s32 $0x12110, s5;
	s19 =	sadd.s32 $0x128E0, s5  }
0x27: {  	s21 =	simm.s32 $0x4F00;
	s22 =	simm.s32 $0xB700;
	[dreg:$0x1d] =	wrdreg s26  }
0x28: {  	s23 =	simm.s32 $0x3;
	s24 =	simm.s32 $0x2;
	[dreg:$0x1e] =	wrdreg s30  }
0x29: {  	v0 =	vimm.f32 $0.0e+00;
	v1 =	vimm.f32 $1.000000000e+00;
	s25 =	simm.s32 $0x50;
	[dreg:$0x1f] =	wrdreg s31;
	s26 =	simm.s32 $0xB680  }
.LBB2_1:
0x2a: {  	s0 =	rddreg [dreg:$0x4]  }
0x2b: {  	[tilespmem:s4], [sflag:$0x2] =	stream.linear.gather [hbm4b:s0+s4], $0x2710, $0x38;
	[tilespmem:$0x1F780] =	vst v63  }
0x2c: {  	s30 =	rddreg [dreg:$0x5];
	s1 =	simm.s32 $0x2780  }
0x2d: {  	[tilespmem:s1], [sflag:$0x2] =	stream.linear.gather [hbm4b:s30+s4], $0x2710, $0x38;
	[tilespmem:$0x1F780] =	vst v63  }
0x2e: {  	s31 =	rddreg [dreg:$0x1];
	s2 =	simm.s32 $0x0;
	s0 =	simm.s32 $0x40  }
0x2f: {  	[tilespmem:s21], [sflag:$0x2] =	stream.linear.gather [hbm4b:s31+s4], $0x2780, $0x38;
	[tilespmem:$0x1F780] =	vst v63  }
.LBB2_2:
0x30: {  	p0 =	sne.s32 s0, $0x1FC0;
	[tilespmem:s2+$0xB700] =	vst v0;
	s2 =	smov.u32 s0;
	s0 =	sadd.s32 $0x40, s0  }
.Ltmp0:
0x31: {  	(pc) =	sbr.rel @p0 .LBB2_2-.Ltmp0, $2  }
0x32: {  	_ =	sdelay $0x2  }
0x33: {  	s2 =	sshra.s32 s2, $0x2  }
0x34: {  	[tilespmem:s2+$0xB700] =	vst v0  }
0x35: {  	[tilespmem:$0xB680] =	vst v1  }
0x36: {  	[tilespmem:$0xB690] =	vst v1  }
0x37: {  	[tilespmem:$0xB6A0] =	vst v1  }
0x38: {  	[tilespmem:$0xB6B0] =	vst v1  }
0x39: {  	[tilespmem:$0xB6C0] =	vst v1  }
0x3a: {  	[spmem:s5] =	stream.linear.scatter [tilespmem:s22], [sflag:$0x3], $0x7D0, $0x38;
	[tilespmem:$0x1F780] =	vst v63  }
0x3b: {  	_ =	swait.ge [sflag:s23], $0x7D0  }
0x3c: {  	[sflag:s23] =	ssyncset.done $0x0  }
0x3d: {  	s0 =	rddreg [dreg:$0x6];
	[sflag:s23] =	ssyncadd.s32 $0xFFFFF830  }
0x3e: {  	[spmem:s0] =	stream.linear.scatter [tilespmem:s22], [sflag:$0x3], $0x7D0, $0x38;
	[tilespmem:$0x1F780] =	vst v63  }
0x3f: {  	_ =	swait.ge [sflag:s23], $0x7D0  }
0x40: {  	[sflag:s23] =	ssyncset.done $0x0  }
0x41: {  	s2 =	rddreg [dreg:$0x7];
	[sflag:s23] =	ssyncadd.s32 $0xFFFFF830  }
0x42: {  	[spmem:s2] =	stream.linear.scatter [tilespmem:s22], [sflag:$0x3], $0x7D0, $0x38;
	[tilespmem:$0x1F780] =	vst v63  }
0x43: {  	_ =	swait.ge [sflag:s23], $0x7D0  }
0x44: {  	[sflag:s23] =	ssyncset.done $0x0  }
0x45: {  	s31 =	rddreg [dreg:$0x8];
	[sflag:s23] =	ssyncadd.s32 $0xFFFFF830  }
0x46: {  	[spmem:s31] =	stream.linear.scatter [tilespmem:s22], [sflag:$0x3], $0x7D0, $0x38;
	[tilespmem:$0x1F780] =	vst v63  }
0x47: {  	_ =	swait.ge [sflag:s23], $0x7D0  }
0x48: {  	[sflag:s23] =	ssyncset.done $0x0  }
0x49: {  	s1 =	rddreg [dreg:$0x9];
	[sflag:s23] =	ssyncadd.s32 $0xFFFFF830  }
0x4a: {  	[spmem:s1] =	stream.linear.scatter [tilespmem:s22], [sflag:$0x3], $0x7D0, $0x38;
	[tilespmem:$0x1F780] =	vst v63  }
0x4b: {  	_ =	swait.ge [sflag:s23], $0x7D0  }
0x4c: {  	[sflag:s23] =	ssyncset.done $0x0  }
0x4d: {  	s2 =	rddreg [dreg:$0xa];
	[sflag:s23] =	ssyncadd.s32 $0xFFFFF830  }
0x4e: {  	[spmem:s2] =	stream.linear.scatter [tilespmem:s22], [sflag:$0x3], $0x7D0, $0x38;
	[tilespmem:$0x1F780] =	vst v63  }
0x4f: {  	_ =	swait.ge [sflag:s23], $0x7D0  }
0x50: {  	[sflag:s23] =	ssyncset.done $0x0  }
0x51: {  	s31 =	rddreg [dreg:$0xb];
	[sflag:s23] =	ssyncadd.s32 $0xFFFFF830  }
0x52: {  	[spmem:s31] =	stream.linear.scatter [tilespmem:s22], [sflag:$0x3], $0x7D0, $0x38;
	[tilespmem:$0x1F780] =	vst v63  }
0x53: {  	_ =	swait.ge [sflag:s23], $0x7D0  }
0x54: {  	[sflag:s23] =	ssyncset.done $0x0  }
0x55: {  	s1 =	rddreg [dreg:$0xc];
	[sflag:s23] =	ssyncadd.s32 $0xFFFFF830  }
0x56: {  	[spmem:s1] =	stream.linear.scatter [tilespmem:s22], [sflag:$0x3], $0x7D0, $0x38;
	[tilespmem:$0x1F780] =	vst v63  }
0x57: {  	_ =	swait.ge [sflag:s23], $0x7D0  }
0x58: {  	[sflag:s23] =	ssyncset.done $0x0  }
0x59: {  	s2 =	rddreg [dreg:$0xd];
	[sflag:s23] =	ssyncadd.s32 $0xFFFFF830  }
0x5a: {  	[spmem:s2] =	stream.linear.scatter [tilespmem:s22], [sflag:$0x3], $0x7D0, $0x38;
	[tilespmem:$0x1F780] =	vst v63  }
0x5b: {  	_ =	swait.ge [sflag:s23], $0x7D0  }
0x5c: {  	[sflag:s23] =	ssyncset.done $0x0  }
0x5d: {  	s31 =	rddreg [dreg:$0xe];
	[sflag:s23] =	ssyncadd.s32 $0xFFFFF830  }
0x5e: {  	[spmem:s31] =	stream.linear.scatter [tilespmem:s22], [sflag:$0x3], $0x7D0, $0x38;
	[tilespmem:$0x1F780] =	vst v63  }
0x5f: {  	_ =	swait.ge [sflag:s23], $0x7D0  }
0x60: {  	[sflag:s23] =	ssyncset.done $0x0  }
0x61: {  	s1 =	rddreg [dreg:$0xf];
	[sflag:s23] =	ssyncadd.s32 $0xFFFFF830  }
0x62: {  	[spmem:s1] =	stream.linear.scatter [tilespmem:s22], [sflag:$0x3], $0x7D0, $0x38;
	[tilespmem:$0x1F780] =	vst v63  }
0x63: {  	_ =	swait.ge [sflag:s23], $0x7D0  }
0x64: {  	[sflag:s23] =	ssyncset.done $0x0  }
0x65: {  	s2 =	rddreg [dreg:$0x10];
	[sflag:s23] =	ssyncadd.s32 $0xFFFFF830  }
0x66: {  	[spmem:s2] =	stream.linear.scatter [tilespmem:s22], [sflag:$0x3], $0x7D0, $0x38;
	[tilespmem:$0x1F780] =	vst v63  }
0x67: {  	_ =	swait.ge [sflag:s23], $0x7D0  }
0x68: {  	[sflag:s23] =	ssyncset.done $0x0  }
0x69: {  	s31 =	rddreg [dreg:$0x11];
	[sflag:s23] =	ssyncadd.s32 $0xFFFFF830  }
0x6a: {  	[spmem:s31] =	stream.linear.scatter [tilespmem:s22], [sflag:$0x3], $0x7D0, $0x38;
	[tilespmem:$0x1F780] =	vst v63  }
0x6b: {  	_ =	swait.ge [sflag:s23], $0x7D0  }
0x6c: {  	[sflag:s23] =	ssyncset.done $0x0  }
0x6d: {  	s1 =	rddreg [dreg:$0x12];
	[sflag:s23] =	ssyncadd.s32 $0xFFFFF830  }
0x6e: {  	[spmem:s1] =	stream.linear.scatter [tilespmem:s22], [sflag:$0x3], $0x7D0, $0x38;
	[tilespmem:$0x1F780] =	vst v63  }
0x6f: {  	_ =	swait.ge [sflag:s23], $0x7D0  }
0x70: {  	[sflag:s23] =	ssyncset.done $0x0  }
0x71: {  	s2 =	rddreg [dreg:$0x13];
	[sflag:s23] =	ssyncadd.s32 $0xFFFFF830  }
0x72: {  	[spmem:s2] =	stream.linear.scatter [tilespmem:s22], [sflag:$0x3], $0x7D0, $0x38;
	[tilespmem:$0x1F780] =	vst v63  }
0x73: {  	_ =	swait.ge [sflag:s23], $0x7D0  }
0x74: {  	[sflag:s23] =	ssyncset.done $0x0  }
0x75: {  	s31 =	rddreg [dreg:$0x14];
	[sflag:s23] =	ssyncadd.s32 $0xFFFFF830  }
0x76: {  	[spmem:s31] =	stream.linear.scatter [tilespmem:s22], [sflag:$0x3], $0x7D0, $0x38;
	[tilespmem:$0x1F780] =	vst v63  }
0x77: {  	_ =	swait.ge [sflag:s23], $0x7D0  }
0x78: {  	[sflag:s23] =	ssyncset.done $0x0  }
0x79: {  	s1 =	rddreg [dreg:$0x15];
	[sflag:s23] =	ssyncadd.s32 $0xFFFFF830  }
0x7a: {  	[spmem:s1] =	stream.linear.scatter [tilespmem:s22], [sflag:$0x3], $0x7D0, $0x38;
	[tilespmem:$0x1F780] =	vst v63  }
0x7b: {  	_ =	swait.ge [sflag:s23], $0x7D0  }
0x7c: {  	[sflag:s23] =	ssyncset.done $0x0  }
0x7d: {  	s2 =	rddreg [dreg:$0x18];
	[sflag:s23] =	ssyncadd.s32 $0xFFFFF830  }
0x7e: {  	[spmem:s2] =	stream.linear.scatter [tilespmem:s22], [sflag:$0x3], $0x7D0, $0x38;
	[tilespmem:$0x1F780] =	vst v63  }
0x7f: {  	_ =	swait.ge [sflag:s23], $0x7D0  }
0x80: {  	[sflag:s23] =	ssyncset.done $0x0  }
0x81: {  	s31 =	rddreg [dreg:$0x19];
	[sflag:s23] =	ssyncadd.s32 $0xFFFFF830  }
0x82: {  	[spmem:s31] =	stream.linear.scatter [tilespmem:s22], [sflag:$0x3], $0x7D0, $0x38;
	[tilespmem:$0x1F780] =	vst v63  }
0x83: {  	_ =	swait.ge [sflag:s23], $0x7D0  }
0x84: {  	[sflag:s23] =	ssyncset.done $0x0  }
0x85: {  	s1 =	rddreg [dreg:$0x1a];
	[sflag:s23] =	ssyncadd.s32 $0xFFFFF830  }
0x86: {  	[spmem:s1] =	stream.linear.scatter [tilespmem:s22], [sflag:$0x3], $0x7D0, $0x38;
	[tilespmem:$0x1F780] =	vst v63  }
0x87: {  	_ =	swait.ge [sflag:s23], $0x7D0  }
0x88: {  	[sflag:s23] =	ssyncset.done $0x0  }
0x89: {  	s2 =	rddreg [dreg:$0x1b];
	[sflag:s23] =	ssyncadd.s32 $0xFFFFF830  }
0x8a: {  	[spmem:s2] =	stream.linear.scatter [tilespmem:s22], [sflag:$0x3], $0x7D0, $0x38;
	[tilespmem:$0x1F780] =	vst v63  }
0x8b: {  	_ =	swait.ge [sflag:s23], $0x7D0  }
0x8c: {  	[sflag:s23] =	ssyncset.done $0x0  }
0x8d: {  	s31 =	rddreg [dreg:$0x1c];
	[sflag:s23] =	ssyncadd.s32 $0xFFFFF830  }
0x8e: {  	[spmem:s31] =	stream.linear.scatter [tilespmem:s22], [sflag:$0x3], $0x7D0, $0x38;
	[tilespmem:$0x1F780] =	vst v63  }
0x8f: {  	_ =	swait.ge [sflag:s23], $0x7D0  }
0x90: {  	[sflag:s23] =	ssyncset.done $0x0  }
0x91: {  	s1 =	rddreg [dreg:$0x1d];
	[sflag:s23] =	ssyncadd.s32 $0xFFFFF830  }
0x92: {  	[spmem:s1] =	stream.linear.scatter [tilespmem:s22], [sflag:$0x3], $0x7D0, $0x38;
	[tilespmem:$0x1F780] =	vst v63  }
0x93: {  	_ =	swait.ge [sflag:s23], $0x7D0  }
0x94: {  	[sflag:s23] =	ssyncset.done $0x0  }
0x95: {  	s2 =	rddreg [dreg:$0x1e];
	[sflag:s23] =	ssyncadd.s32 $0xFFFFF830  }
0x96: {  	[spmem:s2] =	stream.linear.scatter [tilespmem:s22], [sflag:$0x3], $0x7D0, $0x38;
	[tilespmem:$0x1F780] =	vst v63  }
0x97: {  	_ =	swait.ge [sflag:s23], $0x7D0  }
0x98: {  	[sflag:s23] =	ssyncset.done $0x0  }
0x99: {  	s31 =	rddreg [dreg:$0x1f];
	[sflag:s23] =	ssyncadd.s32 $0xFFFFF830  }
0x9a: {  	[spmem:s31] =	stream.linear.scatter [tilespmem:s22], [sflag:$0x3], $0x7D0, $0x38;
	[tilespmem:$0x1F780] =	vst v63  }
0x9b: {  	_ =	swait.ge [sflag:s23], $0x7D0  }
0x9c: {  	[sflag:s23] =	ssyncset.done $0x0  }
0x9d: {  	[sflag:s23] =	ssyncadd.s32 $0xFFFFF830  }
0x9e: {  	[spmem:s6] =	stream.linear.scatter [tilespmem:s22], [sflag:$0x3], $0x7D0, $0x38;
	[tilespmem:$0x1F780] =	vst v63  }
0x9f: {  	_ =	swait.ge [sflag:s23], $0x7D0  }
0xa0: {  	[sflag:s23] =	ssyncset.done $0x0  }
0xa1: {  	[sflag:s23] =	ssyncadd.s32 $0xFFFFF830  }
0xa2: {  	[spmem:s7] =	stream.linear.scatter [tilespmem:s22], [sflag:$0x3], $0x7D0, $0x38;
	[tilespmem:$0x1F780] =	vst v63  }
0xa3: {  	_ =	swait.ge [sflag:s23], $0x7D0  }
0xa4: {  	[sflag:s23] =	ssyncset.done $0x0  }
0xa5: {  	[sflag:s23] =	ssyncadd.s32 $0xFFFFF830  }
0xa6: {  	[spmem:s8] =	stream.linear.scatter [tilespmem:s22], [sflag:$0x3], $0x7D0, $0x38;
	[tilespmem:$0x1F780] =	vst v63  }
0xa7: {  	_ =	swait.ge [sflag:s23], $0x7D0  }
0xa8: {  	[sflag:s23] =	ssyncset.done $0x0  }
0xa9: {  	[sflag:s23] =	ssyncadd.s32 $0xFFFFF830  }
0xaa: {  	[spmem:s9] =	stream.linear.scatter [tilespmem:s22], [sflag:$0x3], $0x7D0, $0x38;
	[tilespmem:$0x1F780] =	vst v63  }
0xab: {  	_ =	swait.ge [sflag:s23], $0x7D0  }
0xac: {  	[sflag:s23] =	ssyncset.done $0x0  }
0xad: {  	[sflag:s23] =	ssyncadd.s32 $0xFFFFF830  }
0xae: {  	[spmem:s10] =	stream.linear.scatter [tilespmem:s22], [sflag:$0x3], $0x7D0, $0x38;
	[tilespmem:$0x1F780] =	vst v63  }
0xaf: {  	_ =	swait.ge [sflag:s23], $0x7D0  }
0xb0: {  	[sflag:s23] =	ssyncset.done $0x0  }
0xb1: {  	[sflag:s23] =	ssyncadd.s32 $0xFFFFF830  }
0xb2: {  	[spmem:s11] =	stream.linear.scatter [tilespmem:s22], [sflag:$0x3], $0x7D0, $0x38;
	[tilespmem:$0x1F780] =	vst v63  }
0xb3: {  	_ =	swait.ge [sflag:s23], $0x7D0  }
0xb4: {  	[sflag:s23] =	ssyncset.done $0x0  }
0xb5: {  	[sflag:s23] =	ssyncadd.s32 $0xFFFFF830  }
0xb6: {  	[spmem:s12] =	stream.linear.scatter [tilespmem:s22], [sflag:$0x3], $0x7D0, $0x38;
	[tilespmem:$0x1F780] =	vst v63  }
0xb7: {  	_ =	swait.ge [sflag:s23], $0x7D0  }
0xb8: {  	[sflag:s23] =	ssyncset.done $0x0  }
0xb9: {  	[sflag:s23] =	ssyncadd.s32 $0xFFFFF830  }
0xba: {  	[spmem:s13] =	stream.linear.scatter [tilespmem:s22], [sflag:$0x3], $0x7D0, $0x38;
	[tilespmem:$0x1F780] =	vst v63  }
0xbb: {  	_ =	swait.ge [sflag:s23], $0x7D0  }
0xbc: {  	[sflag:s23] =	ssyncset.done $0x0  }
0xbd: {  	[sflag:s23] =	ssyncadd.s32 $0xFFFFF830  }
0xbe: {  	[spmem:s14] =	stream.linear.scatter [tilespmem:s22], [sflag:$0x3], $0x7D0, $0x38;
	[tilespmem:$0x1F780] =	vst v63  }
0xbf: {  	_ =	swait.ge [sflag:s23], $0x7D0  }
0xc0: {  	[sflag:s23] =	ssyncset.done $0x0  }
0xc1: {  	[sflag:s23] =	ssyncadd.s32 $0xFFFFF830  }
0xc2: {  	[spmem:s15] =	stream.linear.scatter [tilespmem:s22], [sflag:$0x3], $0x7D0, $0x38;
	[tilespmem:$0x1F780] =	vst v63  }
0xc3: {  	_ =	swait.ge [sflag:s23], $0x7D0  }
0xc4: {  	[sflag:s23] =	ssyncset.done $0x0  }
0xc5: {  	[sflag:s23] =	ssyncadd.s32 $0xFFFFF830  }
0xc6: {  	[spmem:s16] =	stream.linear.scatter [tilespmem:s22], [sflag:$0x3], $0x7D0, $0x38;
	[tilespmem:$0x1F780] =	vst v63  }
0xc7: {  	_ =	swait.ge [sflag:s23], $0x7D0  }
0xc8: {  	[sflag:s23] =	ssyncset.done $0x0  }
0xc9: {  	[sflag:s23] =	ssyncadd.s32 $0xFFFFF830  }
0xca: {  	[spmem:s17] =	stream.linear.scatter [tilespmem:s22], [sflag:$0x3], $0x7D0, $0x38;
	[tilespmem:$0x1F780] =	vst v63  }
0xcb: {  	_ =	swait.ge [sflag:s23], $0x7D0  }
0xcc: {  	[sflag:s23] =	ssyncset.done $0x0  }
0xcd: {  	[sflag:s23] =	ssyncadd.s32 $0xFFFFF830  }
0xce: {  	[spmem:s18] =	stream.linear.scatter [tilespmem:s22], [sflag:$0x3], $0x7D0, $0x38;
	[tilespmem:$0x1F780] =	vst v63  }
0xcf: {  	_ =	swait.ge [sflag:s23], $0x7D0  }
0xd0: {  	[sflag:s23] =	ssyncset.done $0x0  }
0xd1: {  	[sflag:s23] =	ssyncadd.s32 $0xFFFFF830  }
0xd2: {  	[spmem:s19] =	stream.linear.scatter [tilespmem:s22], [sflag:$0x3], $0x7D0, $0x38;
	[tilespmem:$0x1F780] =	vst v63  }
0xd3: {  	_ =	swait.ge [sflag:s23], $0x7D0  }
0xd4: {  	[sflag:s23] =	ssyncset.done $0x0  }
0xd5: {  	[sflag:s23] =	ssyncadd.s32 $0xFFFFF830  }
0xd6: {  	[spmem:s20] =	stream.linear.scatter [tilespmem:s22], [sflag:$0x3], $0x7D0, $0x38;
	[tilespmem:$0x1F780] =	vst v63  }
0xd7: {  	_ =	swait.ge [sflag:s23], $0x7D0  }
0xd8: {  	[sflag:s23] =	ssyncset.done $0x0  }
0xd9: {  	[sflag:s23] =	ssyncadd.s32 $0xFFFFF830  }
0xda: {  	_ =	swait.ge [sflag:s24], $0x2710  }
0xdb: {  	[sflag:s24] =	ssyncset.done $0x0  }
0xdc: {  	[sflag:s24] =	ssyncadd.s32 $0xFFFFD8F0  }
0xdd: {  	_ =	swait.ge [sflag:s24], $0x2710  }
0xde: {  	[sflag:s24] =	ssyncset.done $0x0  }
0xdf: {  	[sflag:s24] =	ssyncadd.s32 $0xFFFFD8F0  }
0xe0: {  	_ =	swait.ge [sflag:s24], $0x2780  }
0xe1: {  	[sflag:s24] =	ssyncset.done $0x0  }
0xe2: {  	s30 =	simm.s32 $0x76A0;
	s0 =	simm.s32 $0x100;
	[sflag:s24] =	ssyncadd.s32 $0xFFFFD880  }
.LBB2_4:
0xe3: {  	s2 =	sshra.s32 s0, $0x2  }
0xe4: {  	v2 =	vld [tilespmem:s2+$0xFFFFFFC0];
	_ =	sdelay $0x6  }
0xe5: {  	v3 =	vld [tilespmem:s2+$0x2740]  }
0xe6: {  	v2 =	vld.idx.msk [tilespmem:v2+s21+$0x0], $0xffff;
	_ =	sdelay $0x3  }
0xe7: {  	v3 =	vshll.u32 v3, $0x7  }
0xe8: {  	v2 =	vadd.s32 v2, v3  }
0xe9: {  	[tilespmem:s30+$0xFFFFFFE0] =	vst v2  }
0xea: {  	v2 =	vld [tilespmem:s2+$0xFFFFFFD0];
	_ =	sdelay $0x6  }
0xeb: {  	v3 =	vld [tilespmem:s2+$0x2750]  }
0xec: {  	v2 =	vld.idx.msk [tilespmem:v2+s21+$0x0], $0xffff;
	_ =	sdelay $0x3  }
0xed: {  	v3 =	vshll.u32 v3, $0x7  }
0xee: {  	v2 =	vadd.s32 v2, v3  }
0xef: {  	[tilespmem:s30+$0xFFFFFFF0] =	vst v2  }
0xf0: {  	v2 =	vld [tilespmem:s2+$0xFFFFFFE0];
	_ =	sdelay $0x6  }
0xf1: {  	v3 =	vld [tilespmem:s2+$0x2760]  }
0xf2: {  	v2 =	vld.idx.msk [tilespmem:v2+s21+$0x0], $0xffff;
	_ =	sdelay $0x3  }
0xf3: {  	v3 =	vshll.u32 v3, $0x7  }
0xf4: {  	v2 =	vadd.s32 v2, v3  }
0xf5: {  	[tilespmem:s30+$0x0] =	vst v2  }
0xf6: {  	v2 =	vld [tilespmem:s2+$0xFFFFFFF0];
	_ =	sdelay $0x6  }
0xf7: {  	v3 =	vld [tilespmem:s2+$0x2770]  }
0xf8: {  	v2 =	vld.idx.msk [tilespmem:v2+s21+$0x0], $0xffff;
	_ =	sdelay $0x3  }
0xf9: {  	v3 =	vshll.u32 v3, $0x7  }
0xfa: {  	v2 =	vadd.s32 v2, v3  }
0xfb: {  	[tilespmem:s30+$0x10] =	vst v2  }
0xfc: {  	v2 =	vld [tilespmem:s2+$0x0];
	_ =	sdelay $0x6  }
0xfd: {  	v3 =	vld [tilespmem:s2+$0x2780]  }
0xfe: {  	v2 =	vld.idx.msk [tilespmem:v2+s21+$0x0], $0xffff  }
0xff: {  	p0 =	sne.s32 s0, $0x9C00  }
.Ltmp1:
0x100: {  	_ = 	snop;
	(pc) =	sbr.rel @p0 .LBB2_4-.Ltmp1, $4  }
0x101: {  	_ = 	snop  }
0x102: {  	v3 =	vshll.u32 v3, $0x7  }
0x103: {  	v2 =	vadd.s32 v2, v3  }
0x104: {  	s0 =	sadd.s32 $0x140, s0;
	[tilespmem:s30+$0x20] =	vst v2;
	s30 =	sadd.s32 $0x80, s30  }
0x105: {  	[bflag:$0x0] =	sbarrier.arrive $0xFFFF;
	s0 =	simm.s32 $0x7680  }
0x106: {  	[spmem:s3] =	stream.indirect.scatter.add.f32 [tilespmem:s26], [sflag:$0x1], $0x1, s0, s25, $0xb8;
	[tilespmem:$0x1F780] =	vst v63  }
0x107: {  	s1 =	simm.s32 $0x7700  }
0x108: {  	[spmem:s3] =	stream.indirect.scatter.add.f32 [tilespmem:s26], [sflag:$0x1], $0x1, s1, s25, $0xb8;
	[tilespmem:$0x1F780] =	vst v63  }
0x109: {  	s2 =	simm.s32 $0x7780  }
0x10a: {  	[spmem:s3] =	stream.indirect.scatter.add.f32 [tilespmem:s26], [sflag:$0x1], $0x1, s2, s25, $0xb8;
	[tilespmem:$0x1F780] =	vst v63  }
0x10b: {  	s31 =	simm.s32 $0x7800  }
0x10c: {  	[spmem:s3] =	stream.indirect.scatter.add.f32 [tilespmem:s26], [sflag:$0x1], $0x1, s31, s25, $0xb8;
	[tilespmem:$0x1F780] =	vst v63  }
0x10d: {  	s1 =	simm.s32 $0x7880  }
0x10e: {  	[spmem:s3] =	stream.indirect.scatter.add.f32 [tilespmem:s26], [sflag:$0x1], $0x1, s1, s25, $0xb8;
	[tilespmem:$0x1F780] =	vst v63  }
0x10f: {  	s2 =	simm.s32 $0x7900  }
0x110: {  	[spmem:s3] =	stream.indirect.scatter.add.f32 [tilespmem:s26], [sflag:$0x1], $0x1, s2, s25, $0xb8;
	[tilespmem:$0x1F780] =	vst v63  }
0x111: {  	s31 =	simm.s32 $0x7980  }
0x112: {  	[spmem:s3] =	stream.indirect.scatter.add.f32 [tilespmem:s26], [sflag:$0x1], $0x1, s31, s25, $0xb8;
	[tilespmem:$0x1F780] =	vst v63  }
0x113: {  	s1 =	simm.s32 $0x7A00  }
0x114: {  	[spmem:s3] =	stream.indirect.scatter.add.f32 [tilespmem:s26], [sflag:$0x1], $0x1, s1, s25, $0xb8;
	[tilespmem:$0x1F780] =	vst v63  }
0x115: {  	s2 =	simm.s32 $0x7A80  }
0x116: {  	[spmem:s3] =	stream.indirect.scatter.add.f32 [tilespmem:s26], [sflag:$0x1], $0x1, s2, s25, $0xb8;
	[tilespmem:$0x1F780] =	vst v63  }
0x117: {  	s31 =	simm.s32 $0x7B00  }
0x118: {  	[spmem:s3] =	stream.indirect.scatter.add.f32 [tilespmem:s26], [sflag:$0x1], $0x1, s31, s25, $0xb8;
	[tilespmem:$0x1F780] =	vst v63  }
0x119: {  	s1 =	simm.s32 $0x7B80  }
0x11a: {  	[spmem:s3] =	stream.indirect.scatter.add.f32 [tilespmem:s26], [sflag:$0x1], $0x1, s1, s25, $0xb8;
	[tilespmem:$0x1F780] =	vst v63  }
0x11b: {  	s2 =	simm.s32 $0x7C00  }
0x11c: {  	[spmem:s3] =	stream.indirect.scatter.add.f32 [tilespmem:s26], [sflag:$0x1], $0x1, s2, s25, $0xb8;
	[tilespmem:$0x1F780] =	vst v63  }
0x11d: {  	s31 =	simm.s32 $0x7C80  }
0x11e: {  	[spmem:s3] =	stream.indirect.scatter.add.f32 [tilespmem:s26], [sflag:$0x1], $0x1, s31, s25, $0xb8;
	[tilespmem:$0x1F780] =	vst v63  }
0x11f: {  	s1 =	simm.s32 $0x7D00  }
0x120: {  	[spmem:s3] =	stream.indirect.scatter.add.f32 [tilespmem:s26], [sflag:$0x1], $0x1, s1, s25, $0xb8;
	[tilespmem:$0x1F780] =	vst v63  }
0x121: {  	s2 =	simm.s32 $0x7D80  }
0x122: {  	[spmem:s3] =	stream.indirect.scatter.add.f32 [tilespmem:s26], [sflag:$0x1], $0x1, s2, s25, $0xb8;
	[tilespmem:$0x1F780] =	vst v63  }
0x123: {  	s31 =	simm.s32 $0x7E00  }
0x124: {  	[spmem:s3] =	stream.indirect.scatter.add.f32 [tilespmem:s26], [sflag:$0x1], $0x1, s31, s25, $0xb8;
	[tilespmem:$0x1F780] =	vst v63  }
0x125: {  	s1 =	simm.s32 $0x7E80  }
0x126: {  	[spmem:s3] =	stream.indirect.scatter.add.f32 [tilespmem:s26], [sflag:$0x1], $0x1, s1, s25, $0xb8;
	[tilespmem:$0x1F780] =	vst v63  }
0x127: {  	s2 =	simm.s32 $0x7F00  }
0x128: {  	[spmem:s3] =	stream.indirect.scatter.add.f32 [tilespmem:s26], [sflag:$0x1], $0x1, s2, s25, $0xb8;
	[tilespmem:$0x1F780] =	vst v63  }
0x129: {  	s31 =	simm.s32 $0x7F80  }
0x12a: {  	[spmem:s3] =	stream.indirect.scatter.add.f32 [tilespmem:s26], [sflag:$0x1], $0x1, s31, s25, $0xb8;
	[tilespmem:$0x1F780] =	vst v63  }
0x12b: {  	s1 =	simm.s32 $0x8000  }
0x12c: {  	[spmem:s3] =	stream.indirect.scatter.add.f32 [tilespmem:s26], [sflag:$0x1], $0x1, s1, s25, $0xb8;
	[tilespmem:$0x1F780] =	vst v63  }
0x12d: {  	s2 =	simm.s32 $0x8080  }
0x12e: {  	[spmem:s3] =	stream.indirect.scatter.add.f32 [tilespmem:s26], [sflag:$0x1], $0x1, s2, s25, $0xb8;
	[tilespmem:$0x1F780] =	vst v63  }
0x12f: {  	s31 =	simm.s32 $0x8100  }
0x130: {  	[spmem:s3] =	stream.indirect.scatter.add.f32 [tilespmem:s26], [sflag:$0x1], $0x1, s31, s25, $0xb8;
	[tilespmem:$0x1F780] =	vst v63  }
0x131: {  	s1 =	simm.s32 $0x8180  }
0x132: {  	[spmem:s3] =	stream.indirect.scatter.add.f32 [tilespmem:s26], [sflag:$0x1], $0x1, s1, s25, $0xb8;
	[tilespmem:$0x1F780] =	vst v63  }
0x133: {  	s2 =	simm.s32 $0x8200  }
0x134: {  	[spmem:s3] =	stream.indirect.scatter.add.f32 [tilespmem:s26], [sflag:$0x1], $0x1, s2, s25, $0xb8;
	[tilespmem:$0x1F780] =	vst v63  }
0x135: {  	s31 =	simm.s32 $0x8280  }
0x136: {  	[spmem:s3] =	stream.indirect.scatter.add.f32 [tilespmem:s26], [sflag:$0x1], $0x1, s31, s25, $0xb8;
	[tilespmem:$0x1F780] =	vst v63  }
0x137: {  	_ =	swait.ge [sflag:s28], $0x50  }
0x138: {  	[sflag:s28] =	ssyncset.done $0x0  }
0x139: {  	[sflag:s28] =	ssyncadd.s32 $0xFFFFFFB0  }
0x13a: {  	_ =	swait.ge [sflag:s28], $0x50  }
0x13b: {  	[sflag:s28] =	ssyncset.done $0x0  }
0x13c: {  	[sflag:s28] =	ssyncadd.s32 $0xFFFFFFB0  }
0x13d: {  	_ =	swait.ge [sflag:s28], $0x50  }
0x13e: {  	[sflag:s28] =	ssyncset.done $0x0  }
0x13f: {  	[sflag:s28] =	ssyncadd.s32 $0xFFFFFFB0  }
0x140: {  	_ =	swait.ge [sflag:s28], $0x50  }
0x141: {  	[sflag:s28] =	ssyncset.done $0x0  }
0x142: {  	[sflag:s28] =	ssyncadd.s32 $0xFFFFFFB0  }
0x143: {  	_ =	swait.ge [sflag:s28], $0x50  }
0x144: {  	[sflag:s28] =	ssyncset.done $0x0  }
0x145: {  	[sflag:s28] =	ssyncadd.s32 $0xFFFFFFB0  }
0x146: {  	_ =	swait.ge [sflag:s28], $0x50  }
0x147: {  	[sflag:s28] =	ssyncset.done $0x0  }
0x148: {  	[sflag:s28] =	ssyncadd.s32 $0xFFFFFFB0  }
0x149: {  	_ =	swait.ge [sflag:s28], $0x50  }
0x14a: {  	[sflag:s28] =	ssyncset.done $0x0  }
0x14b: {  	[sflag:s28] =	ssyncadd.s32 $0xFFFFFFB0  }
0x14c: {  	_ =	swait.ge [sflag:s28], $0x50  }
0x14d: {  	[sflag:s28] =	ssyncset.done $0x0  }
0x14e: {  	[sflag:s28] =	ssyncadd.s32 $0xFFFFFFB0  }
0x14f: {  	_ =	swait.ge [sflag:s28], $0x50  }
0x150: {  	[sflag:s28] =	ssyncset.done $0x0  }
0x151: {  	[sflag:s28] =	ssyncadd.s32 $0xFFFFFFB0  }
0x152: {  	_ =	swait.ge [sflag:s28], $0x50  }
0x153: {  	[sflag:s28] =	ssyncset.done $0x0  }
0x154: {  	[sflag:s28] =	ssyncadd.s32 $0xFFFFFFB0  }
0x155: {  	_ =	swait.ge [sflag:s28], $0x50  }
0x156: {  	[sflag:s28] =	ssyncset.done $0x0  }
0x157: {  	[sflag:s28] =	ssyncadd.s32 $0xFFFFFFB0  }
0x158: {  	_ =	swait.ge [sflag:s28], $0x50  }
0x159: {  	[sflag:s28] =	ssyncset.done $0x0  }
0x15a: {  	[sflag:s28] =	ssyncadd.s32 $0xFFFFFFB0  }
0x15b: {  	_ =	swait.ge [sflag:s28], $0x50  }
0x15c: {  	[sflag:s28] =	ssyncset.done $0x0  }
0x15d: {  	[sflag:s28] =	ssyncadd.s32 $0xFFFFFFB0  }
0x15e: {  	_ =	swait.ge [sflag:s28], $0x50  }
0x15f: {  	[sflag:s28] =	ssyncset.done $0x0  }
0x160: {  	[sflag:s28] =	ssyncadd.s32 $0xFFFFFFB0  }
0x161: {  	_ =	swait.ge [sflag:s28], $0x50  }
0x162: {  	[sflag:s28] =	ssyncset.done $0x0  }
0x163: {  	[sflag:s28] =	ssyncadd.s32 $0xFFFFFFB0  }
0x164: {  	_ =	swait.ge [sflag:s28], $0x50  }
0x165: {  	[sflag:s28] =	ssyncset.done $0x0  }
0x166: {  	[sflag:s28] =	ssyncadd.s32 $0xFFFFFFB0  }
0x167: {  	_ =	swait.ge [sflag:s28], $0x50  }
0x168: {  	[sflag:s28] =	ssyncset.done $0x0  }
0x169: {  	[sflag:s28] =	ssyncadd.s32 $0xFFFFFFB0  }
0x16a: {  	_ =	swait.ge [sflag:s28], $0x50  }
0x16b: {  	[sflag:s28] =	ssyncset.done $0x0  }
0x16c: {  	[sflag:s28] =	ssyncadd.s32 $0xFFFFFFB0  }
0x16d: {  	_ =	swait.ge [sflag:s28], $0x50  }
0x16e: {  	[sflag:s28] =	ssyncset.done $0x0  }
0x16f: {  	[sflag:s28] =	ssyncadd.s32 $0xFFFFFFB0  }
0x170: {  	_ =	swait.ge [sflag:s28], $0x50  }
0x171: {  	[sflag:s28] =	ssyncset.done $0x0  }
0x172: {  	[sflag:s28] =	ssyncadd.s32 $0xFFFFFFB0  }
0x173: {  	_ =	swait.ge [sflag:s28], $0x50  }
0x174: {  	[sflag:s28] =	ssyncset.done $0x0  }
0x175: {  	[sflag:s28] =	ssyncadd.s32 $0xFFFFFFB0  }
0x176: {  	_ =	swait.ge [sflag:s28], $0x50  }
0x177: {  	[sflag:s28] =	ssyncset.done $0x0  }
0x178: {  	[sflag:s28] =	ssyncadd.s32 $0xFFFFFFB0  }
0x179: {  	_ =	swait.ge [sflag:s28], $0x50  }
0x17a: {  	[sflag:s28] =	ssyncset.done $0x0  }
0x17b: {  	[sflag:s28] =	ssyncadd.s32 $0xFFFFFFB0  }
0x17c: {  	_ =	swait.ge [sflag:s28], $0x50  }
0x17d: {  	[sflag:s28] =	ssyncset.done $0x0  }
0x17e: {  	[sflag:s28] =	ssyncadd.s32 $0xFFFFFFB0  }
0x17f: {  	_ =	swait.ge [sflag:s28], $0x50  }
0x180: {  	s30 =	simm.s32 $0x6400;
	s0 =	simm.s32 $0xC80;
	[sflag:s28] =	ssyncset.done $0x0  }
.LBB2_6:
0x181: {  	s1 =	sadd.s32 $0x7680, s0  }
0x182: {  	[sflag:s28] =	ssyncadd.s32 $0xFFFFFFB0;
	s31 =	smov.u32 s30;
	s2 =	sadd.s32 $0x3200, s30  }
0x183: {  	[spmem:s3] =	stream.indirect.scatter.add.f32 [tilespmem:s26], [sflag:$0x1], $0x1, s1, s25, $0xb8;
	[tilespmem:$0x1F780] =	vst v63  }
0x184: {  	p0 =	sne.s32 s30, $0xC800;
	s1 =	sadd.s32 $0x7700, s0  }
0x185: {  	[spmem:s3] =	stream.indirect.scatter.add.f32 [tilespmem:s26], [sflag:$0x1], $0x1, s1, s25, $0xb8;
	[tilespmem:$0x1F780] =	vst v63  }
0x186: {  	s1 =	sadd.s32 $0x7780, s0  }
0x187: {  	[spmem:s3] =	stream.indirect.scatter.add.f32 [tilespmem:s26], [sflag:$0x1], $0x1, s1, s25, $0xb8;
	[tilespmem:$0x1F780] =	vst v63  }
0x188: {  	s1 =	sadd.s32 $0x7800, s0  }
0x189: {  	[spmem:s3] =	stream.indirect.scatter.add.f32 [tilespmem:s26], [sflag:$0x1], $0x1, s1, s25, $0xb8;
	[tilespmem:$0x1F780] =	vst v63  }
0x18a: {  	s1 =	sadd.s32 $0x7880, s0  }
0x18b: {  	[spmem:s3] =	stream.indirect.scatter.add.f32 [tilespmem:s26], [sflag:$0x1], $0x1, s1, s25, $0xb8;
	[tilespmem:$0x1F780] =	vst v63  }
0x18c: {  	s1 =	sadd.s32 $0x7900, s0  }
0x18d: {  	[spmem:s3] =	stream.indirect.scatter.add.f32 [tilespmem:s26], [sflag:$0x1], $0x1, s1, s25, $0xb8;
	[tilespmem:$0x1F780] =	vst v63  }
0x18e: {  	s1 =	sadd.s32 $0x7980, s0  }
0x18f: {  	[spmem:s3] =	stream.indirect.scatter.add.f32 [tilespmem:s26], [sflag:$0x1], $0x1, s1, s25, $0xb8;
	[tilespmem:$0x1F780] =	vst v63  }
0x190: {  	s1 =	sadd.s32 $0x7A00, s0  }
0x191: {  	[spmem:s3] =	stream.indirect.scatter.add.f32 [tilespmem:s26], [sflag:$0x1], $0x1, s1, s25, $0xb8;
	[tilespmem:$0x1F780] =	vst v63  }
0x192: {  	s1 =	sadd.s32 $0x7A80, s0  }
0x193: {  	[spmem:s3] =	stream.indirect.scatter.add.f32 [tilespmem:s26], [sflag:$0x1], $0x1, s1, s25, $0xb8;
	[tilespmem:$0x1F780] =	vst v63  }
0x194: {  	s1 =	sadd.s32 $0x7B00, s0  }
0x195: {  	[spmem:s3] =	stream.indirect.scatter.add.f32 [tilespmem:s26], [sflag:$0x1], $0x1, s1, s25, $0xb8;
	[tilespmem:$0x1F780] =	vst v63  }
0x196: {  	s1 =	sadd.s32 $0x7B80, s0  }
0x197: {  	[spmem:s3] =	stream.indirect.scatter.add.f32 [tilespmem:s26], [sflag:$0x1], $0x1, s1, s25, $0xb8;
	[tilespmem:$0x1F780] =	vst v63  }
0x198: {  	s1 =	sadd.s32 $0x7C00, s0  }
0x199: {  	[spmem:s3] =	stream.indirect.scatter.add.f32 [tilespmem:s26], [sflag:$0x1], $0x1, s1, s25, $0xb8;
	[tilespmem:$0x1F780] =	vst v63  }
0x19a: {  	s1 =	sadd.s32 $0x7C80, s0  }
0x19b: {  	[spmem:s3] =	stream.indirect.scatter.add.f32 [tilespmem:s26], [sflag:$0x1], $0x1, s1, s25, $0xb8;
	[tilespmem:$0x1F780] =	vst v63  }
0x19c: {  	s1 =	sadd.s32 $0x7D00, s0  }
0x19d: {  	[spmem:s3] =	stream.indirect.scatter.add.f32 [tilespmem:s26], [sflag:$0x1], $0x1, s1, s25, $0xb8;
	[tilespmem:$0x1F780] =	vst v63  }
0x19e: {  	s1 =	sadd.s32 $0x7D80, s0  }
0x19f: {  	[spmem:s3] =	stream.indirect.scatter.add.f32 [tilespmem:s26], [sflag:$0x1], $0x1, s1, s25, $0xb8;
	[tilespmem:$0x1F780] =	vst v63  }
0x1a0: {  	s1 =	sadd.s32 $0x7E00, s0  }
0x1a1: {  	[spmem:s3] =	stream.indirect.scatter.add.f32 [tilespmem:s26], [sflag:$0x1], $0x1, s1, s25, $0xb8;
	[tilespmem:$0x1F780] =	vst v63  }
0x1a2: {  	s1 =	sadd.s32 $0x7E80, s0  }
0x1a3: {  	[spmem:s3] =	stream.indirect.scatter.add.f32 [tilespmem:s26], [sflag:$0x1], $0x1, s1, s25, $0xb8;
	[tilespmem:$0x1F780] =	vst v63  }
0x1a4: {  	s1 =	sadd.s32 $0x7F00, s0  }
0x1a5: {  	[spmem:s3] =	stream.indirect.scatter.add.f32 [tilespmem:s26], [sflag:$0x1], $0x1, s1, s25, $0xb8;
	[tilespmem:$0x1F780] =	vst v63  }
0x1a6: {  	s1 =	sadd.s32 $0x7F80, s0  }
0x1a7: {  	[spmem:s3] =	stream.indirect.scatter.add.f32 [tilespmem:s26], [sflag:$0x1], $0x1, s1, s25, $0xb8;
	[tilespmem:$0x1F780] =	vst v63  }
0x1a8: {  	s1 =	sadd.s32 $0x8000, s0  }
0x1a9: {  	[spmem:s3] =	stream.indirect.scatter.add.f32 [tilespmem:s26], [sflag:$0x1], $0x1, s1, s25, $0xb8;
	[tilespmem:$0x1F780] =	vst v63  }
0x1aa: {  	s1 =	sadd.s32 $0x8080, s0  }
0x1ab: {  	[spmem:s3] =	stream.indirect.scatter.add.f32 [tilespmem:s26], [sflag:$0x1], $0x1, s1, s25, $0xb8;
	[tilespmem:$0x1F780] =	vst v63  }
0x1ac: {  	s1 =	sadd.s32 $0x8100, s0  }
0x1ad: {  	[spmem:s3] =	stream.indirect.scatter.add.f32 [tilespmem:s26], [sflag:$0x1], $0x1, s1, s25, $0xb8;
	[tilespmem:$0x1F780] =	vst v63  }
0x1ae: {  	s1 =	sadd.s32 $0x8180, s0  }
0x1af: {  	[spmem:s3] =	stream.indirect.scatter.add.f32 [tilespmem:s26], [sflag:$0x1], $0x1, s1, s25, $0xb8;
	[tilespmem:$0x1F780] =	vst v63  }
0x1b0: {  	s1 =	sadd.s32 $0x8200, s0  }
0x1b1: {  	[spmem:s3] =	stream.indirect.scatter.add.f32 [tilespmem:s26], [sflag:$0x1], $0x1, s1, s25, $0xb8;
	[tilespmem:$0x1F780] =	vst v63  }
0x1b2: {  	s0 =	sadd.s32 $0x8280, s0  }
0x1b3: {  	[spmem:s3] =	stream.indirect.scatter.add.f32 [tilespmem:s26], [sflag:$0x1], $0x1, s0, s25, $0xb8;
	[tilespmem:$0x1F780] =	vst v63  }
0x1b4: {  	_ =	swait.ge [sflag:s28], $0x50  }
0x1b5: {  	[sflag:s28] =	ssyncset.done $0x0  }
0x1b6: {  	[sflag:s28] =	ssyncadd.s32 $0xFFFFFFB0  }
0x1b7: {  	_ =	swait.ge [sflag:s28], $0x50  }
0x1b8: {  	[sflag:s28] =	ssyncset.done $0x0  }
0x1b9: {  	[sflag:s28] =	ssyncadd.s32 $0xFFFFFFB0  }
0x1ba: {  	_ =	swait.ge [sflag:s28], $0x50  }
0x1bb: {  	[sflag:s28] =	ssyncset.done $0x0  }
0x1bc: {  	[sflag:s28] =	ssyncadd.s32 $0xFFFFFFB0  }
0x1bd: {  	_ =	swait.ge [sflag:s28], $0x50  }
0x1be: {  	[sflag:s28] =	ssyncset.done $0x0  }
0x1bf: {  	[sflag:s28] =	ssyncadd.s32 $0xFFFFFFB0  }
0x1c0: {  	_ =	swait.ge [sflag:s28], $0x50  }
0x1c1: {  	[sflag:s28] =	ssyncset.done $0x0  }
0x1c2: {  	[sflag:s28] =	ssyncadd.s32 $0xFFFFFFB0  }
0x1c3: {  	_ =	swait.ge [sflag:s28], $0x50  }
0x1c4: {  	[sflag:s28] =	ssyncset.done $0x0  }
0x1c5: {  	[sflag:s28] =	ssyncadd.s32 $0xFFFFFFB0  }
0x1c6: {  	_ =	swait.ge [sflag:s28], $0x50  }
0x1c7: {  	[sflag:s28] =	ssyncset.done $0x0  }
0x1c8: {  	[sflag:s28] =	ssyncadd.s32 $0xFFFFFFB0  }
0x1c9: {  	_ =	swait.ge [sflag:s28], $0x50  }
0x1ca: {  	[sflag:s28] =	ssyncset.done $0x0  }
0x1cb: {  	[sflag:s28] =	ssyncadd.s32 $0xFFFFFFB0  }
0x1cc: {  	_ =	swait.ge [sflag:s28], $0x50  }
0x1cd: {  	[sflag:s28] =	ssyncset.done $0x0  }
0x1ce: {  	[sflag:s28] =	ssyncadd.s32 $0xFFFFFFB0  }
0x1cf: {  	_ =	swait.ge [sflag:s28], $0x50  }
0x1d0: {  	[sflag:s28] =	ssyncset.done $0x0  }
0x1d1: {  	[sflag:s28] =	ssyncadd.s32 $0xFFFFFFB0  }
0x1d2: {  	_ =	swait.ge [sflag:s28], $0x50  }
0x1d3: {  	[sflag:s28] =	ssyncset.done $0x0  }
0x1d4: {  	[sflag:s28] =	ssyncadd.s32 $0xFFFFFFB0  }
0x1d5: {  	_ =	swait.ge [sflag:s28], $0x50  }
0x1d6: {  	[sflag:s28] =	ssyncset.done $0x0  }
0x1d7: {  	[sflag:s28] =	ssyncadd.s32 $0xFFFFFFB0  }
0x1d8: {  	_ =	swait.ge [sflag:s28], $0x50  }
0x1d9: {  	[sflag:s28] =	ssyncset.done $0x0  }
0x1da: {  	[sflag:s28] =	ssyncadd.s32 $0xFFFFFFB0  }
0x1db: {  	_ =	swait.ge [sflag:s28], $0x50  }
0x1dc: {  	[sflag:s28] =	ssyncset.done $0x0  }
0x1dd: {  	[sflag:s28] =	ssyncadd.s32 $0xFFFFFFB0  }
0x1de: {  	_ =	swait.ge [sflag:s28], $0x50  }
0x1df: {  	[sflag:s28] =	ssyncset.done $0x0  }
0x1e0: {  	[sflag:s28] =	ssyncadd.s32 $0xFFFFFFB0  }
0x1e1: {  	_ =	swait.ge [sflag:s28], $0x50  }
0x1e2: {  	[sflag:s28] =	ssyncset.done $0x0  }
0x1e3: {  	[sflag:s28] =	ssyncadd.s32 $0xFFFFFFB0  }
0x1e4: {  	_ =	swait.ge [sflag:s28], $0x50  }
0x1e5: {  	[sflag:s28] =	ssyncset.done $0x0  }
0x1e6: {  	[sflag:s28] =	ssyncadd.s32 $0xFFFFFFB0  }
0x1e7: {  	_ =	swait.ge [sflag:s28], $0x50  }
0x1e8: {  	[sflag:s28] =	ssyncset.done $0x0  }
0x1e9: {  	[sflag:s28] =	ssyncadd.s32 $0xFFFFFFB0  }
0x1ea: {  	_ =	swait.ge [sflag:s28], $0x50  }
0x1eb: {  	[sflag:s28] =	ssyncset.done $0x0  }
0x1ec: {  	[sflag:s28] =	ssyncadd.s32 $0xFFFFFFB0  }
0x1ed: {  	_ =	swait.ge [sflag:s28], $0x50  }
0x1ee: {  	[sflag:s28] =	ssyncset.done $0x0  }
0x1ef: {  	[sflag:s28] =	ssyncadd.s32 $0xFFFFFFB0  }
0x1f0: {  	_ =	swait.ge [sflag:s28], $0x50  }
0x1f1: {  	[sflag:s28] =	ssyncset.done $0x0  }
0x1f2: {  	[sflag:s28] =	ssyncadd.s32 $0xFFFFFFB0  }
0x1f3: {  	_ =	swait.ge [sflag:s28], $0x50  }
0x1f4: {  	[sflag:s28] =	ssyncset.done $0x0  }
0x1f5: {  	[sflag:s28] =	ssyncadd.s32 $0xFFFFFFB0  }
0x1f6: {  	_ =	swait.ge [sflag:s28], $0x50  }
0x1f7: {  	[sflag:s28] =	ssyncset.done $0x0  }
0x1f8: {  	[sflag:s28] =	ssyncadd.s32 $0xFFFFFFB0  }
.Ltmp2:
0x1f9: {  	_ =	swait.ge [sflag:s28], $0x50;
	(pc) =	sbr.rel @p0 .LBB2_6-.Ltmp2, $4  }
0x1fa: {  	[sflag:s28] =	ssyncset.done $0x0  }
0x1fb: {  	[sflag:s28] =	ssyncadd.s32 $0xFFFFFFB0  }
0x1fc: {  	_ =	swait.ge [sflag:s28], $0x50  }
0x1fd: {  	s30 =	smov.u32 s2;
	s0 =	sshra.s32 s31, $0x2;
	[sflag:s28] =	ssyncset.done $0x0  }
0x1fe: {  	s1 =	sadd.s32 $0x7680, s0;
	[sflag:s28] =	ssyncadd.s32 $0xFFFFFFB0  }
0x1ff: {  	[spmem:s3] =	stream.indirect.scatter.add.f32 [tilespmem:s26], [sflag:$0x1], $0x1, s1, s25, $0xb8;
	[tilespmem:$0x1F780] =	vst v63  }
0x200: {  	s30 =	sadd.s32 $0x7700, s0  }
0x201: {  	[spmem:s3] =	stream.indirect.scatter.add.f32 [tilespmem:s26], [sflag:$0x1], $0x1, s30, s25, $0xb8;
	[tilespmem:$0x1F780] =	vst v63  }
0x202: {  	s31 =	sadd.s32 $0x7780, s0  }
0x203: {  	[spmem:s3] =	stream.indirect.scatter.add.f32 [tilespmem:s26], [sflag:$0x1], $0x1, s31, s25, $0xb8;
	[tilespmem:$0x1F780] =	vst v63  }
0x204: {  	s2 =	sadd.s32 $0x7800, s0  }
0x205: {  	[spmem:s3] =	stream.indirect.scatter.add.f32 [tilespmem:s26], [sflag:$0x1], $0x1, s2, s25, $0xb8;
	[tilespmem:$0x1F780] =	vst v63  }
0x206: {  	s30 =	sadd.s32 $0x7880, s0  }
0x207: {  	[spmem:s3] =	stream.indirect.scatter.add.f32 [tilespmem:s26], [sflag:$0x1], $0x1, s30, s25, $0xb8;
	[tilespmem:$0x1F780] =	vst v63  }
0x208: {  	s31 =	sadd.s32 $0x7900, s0  }
0x209: {  	[spmem:s3] =	stream.indirect.scatter.add.f32 [tilespmem:s26], [sflag:$0x1], $0x1, s31, s25, $0xb8;
	[tilespmem:$0x1F780] =	vst v63  }
0x20a: {  	s2 =	sadd.s32 $0x7980, s0  }
0x20b: {  	[spmem:s3] =	stream.indirect.scatter.add.f32 [tilespmem:s26], [sflag:$0x1], $0x1, s2, s25, $0xb8;
	[tilespmem:$0x1F780] =	vst v63  }
0x20c: {  	s30 =	sadd.s32 $0x7A00, s0  }
0x20d: {  	[spmem:s3] =	stream.indirect.scatter.add.f32 [tilespmem:s26], [sflag:$0x1], $0x1, s30, s25, $0xb8;
	[tilespmem:$0x1F780] =	vst v63  }
0x20e: {  	s31 =	sadd.s32 $0x7A80, s0  }
0x20f: {  	[spmem:s3] =	stream.indirect.scatter.add.f32 [tilespmem:s26], [sflag:$0x1], $0x1, s31, s25, $0xb8;
	[tilespmem:$0x1F780] =	vst v63  }
0x210: {  	s2 =	sadd.s32 $0x7B00, s0  }
0x211: {  	[spmem:s3] =	stream.indirect.scatter.add.f32 [tilespmem:s26], [sflag:$0x1], $0x1, s2, s25, $0xb8;
	[tilespmem:$0x1F780] =	vst v63  }
0x212: {  	s30 =	sadd.s32 $0x7B80, s0  }
0x213: {  	[spmem:s3] =	stream.indirect.scatter.add.f32 [tilespmem:s26], [sflag:$0x1], $0x1, s30, s25, $0xb8;
	[tilespmem:$0x1F780] =	vst v63  }
0x214: {  	s31 =	sadd.s32 $0x7C00, s0  }
0x215: {  	[spmem:s3] =	stream.indirect.scatter.add.f32 [tilespmem:s26], [sflag:$0x1], $0x1, s31, s25, $0xb8;
	[tilespmem:$0x1F780] =	vst v63  }
0x216: {  	s2 =	sadd.s32 $0x7C80, s0  }
0x217: {  	[spmem:s3] =	stream.indirect.scatter.add.f32 [tilespmem:s26], [sflag:$0x1], $0x1, s2, s25, $0xb8;
	[tilespmem:$0x1F780] =	vst v63  }
0x218: {  	s30 =	sadd.s32 $0x7D00, s0  }
0x219: {  	[spmem:s3] =	stream.indirect.scatter.add.f32 [tilespmem:s26], [sflag:$0x1], $0x1, s30, s25, $0xb8;
	[tilespmem:$0x1F780] =	vst v63  }
0x21a: {  	s31 =	sadd.s32 $0x7D80, s0  }
0x21b: {  	[spmem:s3] =	stream.indirect.scatter.add.f32 [tilespmem:s26], [sflag:$0x1], $0x1, s31, s25, $0xb8;
	[tilespmem:$0x1F780] =	vst v63  }
0x21c: {  	s2 =	sadd.s32 $0x7E00, s0  }
0x21d: {  	[spmem:s3] =	stream.indirect.scatter.add.f32 [tilespmem:s26], [sflag:$0x1], $0x1, s2, s25, $0xb8;
	[tilespmem:$0x1F780] =	vst v63  }
0x21e: {  	s30 =	sadd.s32 $0x7E80, s0  }
0x21f: {  	[spmem:s3] =	stream.indirect.scatter.add.f32 [tilespmem:s26], [sflag:$0x1], $0x1, s30, s25, $0xb8;
	[tilespmem:$0x1F780] =	vst v63  }
0x220: {  	s31 =	sadd.s32 $0x7F00, s0  }
0x221: {  	[spmem:s3] =	stream.indirect.scatter.add.f32 [tilespmem:s26], [sflag:$0x1], $0x1, s31, s25, $0xb8;
	[tilespmem:$0x1F780] =	vst v63  }
0x222: {  	s2 =	sadd.s32 $0x7F80, s0  }
0x223: {  	[spmem:s3] =	stream.indirect.scatter.add.f32 [tilespmem:s26], [sflag:$0x1], $0x1, s2, s25, $0xb8;
	[tilespmem:$0x1F780] =	vst v63  }
0x224: {  	s30 =	sadd.s32 $0x8000, s0  }
0x225: {  	[spmem:s3] =	stream.indirect.scatter.add.f32 [tilespmem:s26], [sflag:$0x1], $0x1, s30, s25, $0xb8;
	[tilespmem:$0x1F780] =	vst v63  }
0x226: {  	s31 =	sadd.s32 $0x8080, s0  }
0x227: {  	[spmem:s3] =	stream.indirect.scatter.add.f32 [tilespmem:s26], [sflag:$0x1], $0x1, s31, s25, $0xb8;
	[tilespmem:$0x1F780] =	vst v63  }
0x228: {  	s2 =	sadd.s32 $0x8100, s0  }
0x229: {  	[spmem:s3] =	stream.indirect.scatter.add.f32 [tilespmem:s26], [sflag:$0x1], $0x1, s2, s25, $0xb8;
	[tilespmem:$0x1F780] =	vst v63  }
0x22a: {  	s30 =	sadd.s32 $0x8180, s0  }
0x22b: {  	[spmem:s3] =	stream.indirect.scatter.add.f32 [tilespmem:s26], [sflag:$0x1], $0x1, s30, s25, $0xb8;
	[tilespmem:$0x1F780] =	vst v63  }
0x22c: {  	s31 =	sadd.s32 $0x8200, s0  }
0x22d: {  	[spmem:s3] =	stream.indirect.scatter.add.f32 [tilespmem:s26], [sflag:$0x1], $0x1, s31, s25, $0xb8;
	[tilespmem:$0x1F780] =	vst v63  }
0x22e: {  	s2 =	sadd.s32 $0x8280, s0  }
0x22f: {  	[spmem:s3] =	stream.indirect.scatter.add.f32 [tilespmem:s26], [sflag:$0x1], $0x1, s2, s25, $0xb8;
	[tilespmem:$0x1F780] =	vst v63  }
0x230: {  	_ =	swait.ge [sflag:s28], $0x50  }
0x231: {  	[sflag:s28] =	ssyncset.done $0x0  }
0x232: {  	[sflag:s28] =	ssyncadd.s32 $0xFFFFFFB0  }
0x233: {  	_ =	swait.ge [sflag:s28], $0x50  }
0x234: {  	[sflag:s28] =	ssyncset.done $0x0  }
0x235: {  	[sflag:s28] =	ssyncadd.s32 $0xFFFFFFB0  }
0x236: {  	_ =	swait.ge [sflag:s28], $0x50  }
0x237: {  	[sflag:s28] =	ssyncset.done $0x0  }
0x238: {  	[sflag:s28] =	ssyncadd.s32 $0xFFFFFFB0  }
0x239: {  	_ =	swait.ge [sflag:s28], $0x50  }
0x23a: {  	[sflag:s28] =	ssyncset.done $0x0  }
0x23b: {  	[sflag:s28] =	ssyncadd.s32 $0xFFFFFFB0  }
0x23c: {  	_ =	swait.ge [sflag:s28], $0x50  }
0x23d: {  	[sflag:s28] =	ssyncset.done $0x0  }
0x23e: {  	[sflag:s28] =	ssyncadd.s32 $0xFFFFFFB0  }
0x23f: {  	_ =	swait.ge [sflag:s28], $0x50  }
0x240: {  	[sflag:s28] =	ssyncset.done $0x0  }
0x241: {  	[sflag:s28] =	ssyncadd.s32 $0xFFFFFFB0  }
0x242: {  	_ =	swait.ge [sflag:s28], $0x50  }
0x243: {  	[sflag:s28] =	ssyncset.done $0x0  }
0x244: {  	[sflag:s28] =	ssyncadd.s32 $0xFFFFFFB0  }
0x245: {  	_ =	swait.ge [sflag:s28], $0x50  }
0x246: {  	[sflag:s28] =	ssyncset.done $0x0  }
0x247: {  	[sflag:s28] =	ssyncadd.s32 $0xFFFFFFB0  }
0x248: {  	_ =	swait.ge [sflag:s28], $0x50  }
0x249: {  	[sflag:s28] =	ssyncset.done $0x0  }
0x24a: {  	[sflag:s28] =	ssyncadd.s32 $0xFFFFFFB0  }
0x24b: {  	_ =	swait.ge [sflag:s28], $0x50  }
0x24c: {  	[sflag:s28] =	ssyncset.done $0x0  }
0x24d: {  	[sflag:s28] =	ssyncadd.s32 $0xFFFFFFB0  }
0x24e: {  	_ =	swait.ge [sflag:s28], $0x50  }
0x24f: {  	[sflag:s28] =	ssyncset.done $0x0  }
0x250: {  	[sflag:s28] =	ssyncadd.s32 $0xFFFFFFB0  }
0x251: {  	_ =	swait.ge [sflag:s28], $0x50  }
0x252: {  	[sflag:s28] =	ssyncset.done $0x0  }
0x253: {  	[sflag:s28] =	ssyncadd.s32 $0xFFFFFFB0  }
0x254: {  	_ =	swait.ge [sflag:s28], $0x50  }
0x255: {  	[sflag:s28] =	ssyncset.done $0x0  }
0x256: {  	[sflag:s28] =	ssyncadd.s32 $0xFFFFFFB0  }
0x257: {  	_ =	swait.ge [sflag:s28], $0x50  }
0x258: {  	[sflag:s28] =	ssyncset.done $0x0  }
0x259: {  	[sflag:s28] =	ssyncadd.s32 $0xFFFFFFB0  }
0x25a: {  	_ =	swait.ge [sflag:s28], $0x50  }
0x25b: {  	[sflag:s28] =	ssyncset.done $0x0  }
0x25c: {  	[sflag:s28] =	ssyncadd.s32 $0xFFFFFFB0  }
0x25d: {  	_ =	swait.ge [sflag:s28], $0x50  }
0x25e: {  	[sflag:s28] =	ssyncset.done $0x0  }
0x25f: {  	[sflag:s28] =	ssyncadd.s32 $0xFFFFFFB0  }
0x260: {  	_ =	swait.ge [sflag:s28], $0x50  }
0x261: {  	[sflag:s28] =	ssyncset.done $0x0  }
0x262: {  	[sflag:s28] =	ssyncadd.s32 $0xFFFFFFB0  }
0x263: {  	_ =	swait.ge [sflag:s28], $0x50  }
0x264: {  	[sflag:s28] =	ssyncset.done $0x0  }
0x265: {  	[sflag:s28] =	ssyncadd.s32 $0xFFFFFFB0  }
0x266: {  	_ =	swait.ge [sflag:s28], $0x50  }
0x267: {  	[sflag:s28] =	ssyncset.done $0x0  }
0x268: {  	[sflag:s28] =	ssyncadd.s32 $0xFFFFFFB0  }
0x269: {  	_ =	swait.ge [sflag:s28], $0x50  }
0x26a: {  	[sflag:s28] =	ssyncset.done $0x0  }
0x26b: {  	[sflag:s28] =	ssyncadd.s32 $0xFFFFFFB0  }
0x26c: {  	_ =	swait.ge [sflag:s28], $0x50  }
0x26d: {  	[sflag:s28] =	ssyncset.done $0x0  }
0x26e: {  	[sflag:s28] =	ssyncadd.s32 $0xFFFFFFB0  }
0x26f: {  	_ =	swait.ge [sflag:s28], $0x50  }
0x270: {  	[sflag:s28] =	ssyncset.done $0x0  }
0x271: {  	[sflag:s28] =	ssyncadd.s32 $0xFFFFFFB0  }
0x272: {  	_ =	swait.ge [sflag:s28], $0x50  }
0x273: {  	[sflag:s28] =	ssyncset.done $0x0  }
0x274: {  	[sflag:s28] =	ssyncadd.s32 $0xFFFFFFB0  }
0x275: {  	_ =	swait.ge [sflag:s28], $0x50  }
0x276: {  	[sflag:s28] =	ssyncset.done $0x0  }
0x277: {  	[sflag:s28] =	ssyncadd.s32 $0xFFFFFFB0  }
0x278: {  	_ =	swait.ge [sflag:s28], $0x50  }
0x279: {  	[sflag:s28] =	ssyncset.done $0x0  }
0x27a: {  	s1 =	sshrl.u32 s5, $0x3;
	s30 =	stileid.u32;
	[sflag:s28] =	ssyncadd.s32 $0xFFFFFFB0  }
0x27b: {  	s0 =	sshll.u32 s30, $0x6;
	s30 =	simm.s32 $0x20;
	[bflag:$0x0] =	sbarrier.arrive $0xFFFF  }
0x27c: {  	s0 =	sor.u32 $0x1C03, s0;
	s31 =	simm.s32 $0x10;
	s2 =	rddreg [dreg:$0x16]  }
0x27d: {  	[hbm:s2@s30], [sflag:s0] =	dma.strided [spmem:s1@s31], $0x2710, s28, $0x10   }
0x27e: {  	_ =	swait.ge [sflag:s23], $0x2710  }
0x27f: {  	s29 =	sadd.s32 $0x1, s29;
	s31 =	rddreg [dreg:$0x17]  }
0x280: {  	p0 =	sne.s32 s29, s31  }
.Ltmp3:
0x281: {  	_ = 	snop;
	(pc) =	sbr.rel @p0 .LBB2_1-.Ltmp3, $3  }
0x282: {  	_ =	sdelay $0x1  }
0x283: {  	[sflag:s23] =	ssyncset.done $0x0  }
0x284: {  	[sflag:s23] =	ssyncadd.s32 $0xFFFFD8F0  }
0x285: {  	_ =	sfence.sel $0x180000  }
0x286: {  	[bflag:$0x0] =	sbarrier.arrive $0xFFFF  }
0x287: {  	_ =	strace $0x90000047  }
0x288: {  	s0 =	stileid.u32;
	[bflag:$0x2] =	sbarrier.arrive $0xFFFF  }
0x289: {  	p0 =	sne.s32 s0, $0x0;
	s0 =	rddreg [dreg:$0x3]  }
0x28a: {  	s0 =	sadd.s32 @!p0 $0x100000, s0  }
0x28b: {  	[sflag:s0] =	ssyncadd.tile.s32 @!p0 $0x1;
	_ =	shalt  }
.Lfunc_end2:
_tile_overlayer_lowered:
.L_overlay_start_2:
0x28c: {  	(tag) =	ssettag $0x2  }
0x28d: {  	s0 =	rddreg [dreg:$0x0];
	s2 =	stileid.u32  }
0x28e: {  	s1 =	rddreg [dreg:$0x1];
	p0 =	sne.s32 s2, $0x0  }
0x28f: {  	s3 =	rddreg [dreg:$0x2];
	[bflag:$0x3] =	sbarrier.arrive $0xFFFF;
	s2 =	simm.s32 @!p0 $0x1C03  }
0x290: {  	[timem:s3], [sflag:s2] =	dma.local @!p0 [hbm:s0], s1  }
0x291: {  	s0 =	simm.s32 @!p0 $0x3  }
0x292: {  	_ =	swait.ge @!p0 [sflag:s0], s1  }
0x293: {  	s1 =	ssub.s32 @!p0 $0x0, s1;
	[sflag:s0] =	ssyncset.done @!p0 $0x0  }
0x294: {  	[sflag:s0] =	ssyncadd.s32 @!p0 s1  }
0x295: {  	[bflag:$0x3] =	sbarrier.arrive $0xFFFF  }
0x296: {  	_ =	shalt  }

</sc_bundles>
